<compile_context>
chip_gen: v7x
topology: tpu7x:2x2x1
jax: 0.10.2.dev20260603
libtpu: 0.0.44.dev20260713+nightly
codegen_flags: <defaults>
</compile_context>

<pallas_src>
import functools

import jax
import jax.numpy as jnp
import numpy as np
from jax import lax
from jax.experimental import pallas as pl
from jax.experimental.pallas import tpu as pltpu
from jax.experimental.pallas import tpu_sc as plsc

_N = 10000
_E = 320000
_DIN = 128
_H = 64

_NC = 2
_NS = 16
_L = 16
_NW = _NC * _NS
_NP = 10240
_SL = _NP // _NS
_EPT = _E // _NW
_K = 128
_EP = 2560 * _K
_NCH = _EP // _K // _NW
_ER = _EP // _K
_PF = 2
_NB = 4

_mesh = plsc.VectorSubcoreMesh(core_axis_name="core", subcore_axis_name="subcore")

_EDGE_PAD = np.tile(
    _N + np.arange(_EP - _E, dtype=np.int32) % (_NP - _N), (2, 1))


@functools.partial(
    pl.kernel,
    out_type=jax.ShapeDtypeStruct((_NC, _NP), jnp.float32),
    mesh=_mesh,
    compiler_params=pltpu.CompilerParams(use_tc_tiling_on_sc=False),
    scratch_types=[
        pltpu.VMEM_SHARED((_NP,), jnp.float32),
        pltpu.VMEM((_NCH, _K), jnp.int32),
        pltpu.VMEM((_K,), jnp.float32),
        pltpu.VMEM((_SL,), jnp.float32),
        pltpu.SemaphoreType.DMA,
    ],
)
def _sc_degree(dst2_hbm, cnt_hbm, cnt_sh, idx_v, ones_v, zb_v, sem):
    cid = lax.axis_index("core")
    sid = lax.axis_index("subcore")
    wid = cid * _NS + sid
    row = sid * _SL

    @pl.loop(0, _SL, step=_L)
    def _(j):
        zb_v[pl.ds(j, _L)] = jnp.zeros((_L,), jnp.float32)

    pltpu.sync_copy(zb_v, cnt_sh.at[pl.ds(row, _SL)])
    pltpu.sync_copy(dst2_hbm.at[pl.ds(wid * _NCH, _NCH)], idx_v)

    @pl.loop(0, _K, step=_L)
    def _(j):
        ones_v[pl.ds(j, _L)] = jnp.ones((_L,), jnp.float32)

    plsc.subcore_barrier()

    @pl.loop(0, _NCH, step=5)
    def _(i):
        for k in range(5):
            pltpu.async_copy(ones_v, cnt_sh.at[idx_v.at[i + k]], sem, add=True)
        for k in range(5):
            pltpu.make_async_copy(
                ones_v, cnt_sh.at[idx_v.at[i + k]], sem).wait()

    plsc.subcore_barrier()
    pltpu.sync_copy(cnt_sh.at[pl.ds(row, _SL)], cnt_hbm.at[cid, pl.ds(row, _SL)])


@functools.partial(
    pl.kernel,
    out_type=(
        jax.ShapeDtypeStruct((_NC, _NP // 2, 2 * _H), jnp.float32),
        jax.ShapeDtypeStruct((_NC, _NP // 2, 2 * _H), jnp.float32),
    ),
    mesh=_mesh,
    compiler_params=pltpu.CompilerParams(
        needs_layout_passes=False, use_tc_tiling_on_sc=False),
    scratch_types=[
        pltpu.VMEM_SHARED((_NP, _H), jnp.float32),
        pltpu.VMEM_SHARED((_NP,), jnp.float32),
        pltpu.VMEM_SHARED((_NP,), jnp.float32),
        pltpu.VMEM((_NP,), jnp.float32),
        pltpu.VMEM((_NCH, _K), jnp.int32),
        pltpu.VMEM((_NCH, _K), jnp.int32),
        pltpu.VMEM((_NB, _K, _H), jnp.float32),
        pltpu.VMEM((_NB, _K), jnp.float32),
        pltpu.VMEM((_SL,), jnp.float32),
        pltpu.VMEM((_SL,), jnp.float32),
        pltpu.VMEM((_SL,), jnp.float32),
        pltpu.VMEM((64, 2 * _H), jnp.float32),
        pltpu.SemaphoreType.DMA((_NB,)),
        pltpu.SemaphoreType.DMA((_NB,)),
        pltpu.SemaphoreType.DMA((_NB,)),
    ],
)
def _sc_aggregate(src2_hbm, dst2_hbm, y1_hbm, r1_hbm, cntp_hbm,
                  seg_hbm, cexp_hbm,
                  seg_sh, c_sh, inv_sh, inv_v, src_v, dst_v, rows_v, vals_v,
                  cnt0_v, cnt1_v, invs_v, segb_v, gsem, rsem, vsem):
    cid = lax.axis_index("core")
    sid = lax.axis_index("subcore")
    wid = cid * _NS + sid
    row = sid * _SL

    zb = rows_v.at[0]

    @pl.loop(0, _K)
    def _(r):
        for q in range(_H // _L):
            zb[r, pl.ds(q * _L, _L)] = jnp.zeros((_L,), jnp.float32)

    @pl.loop(0, _SL, step=_K)
    def _(r0):
        pltpu.sync_copy(zb, seg_sh.at[pl.ds(row + r0, _K)])

    @pl.loop(0, _SL, step=_L)
    def _(j):
        invs_v[pl.ds(j, _L)] = jnp.zeros((_L,), jnp.float32)

    pltpu.sync_copy(invs_v, c_sh.at[pl.ds(row, _SL)])

    pltpu.sync_copy(src2_hbm.at[pl.ds(wid * _NCH, _NCH)], src_v)
    pltpu.sync_copy(dst2_hbm.at[pl.ds(wid * _NCH, _NCH)], dst_v)

    pltpu.sync_copy(cntp_hbm.at[0, pl.ds(row, _SL)], cnt0_v)
    pltpu.sync_copy(cntp_hbm.at[1, pl.ds(row, _SL)], cnt1_v)

    @pl.loop(0, _SL, step=_L)
    def _(i):
        a = cnt0_v[pl.ds(i, _L)] + cnt1_v[pl.ds(i, _L)]
        invs_v[pl.ds(i, _L)] = 1.0 / jnp.maximum(a, 1.0)

    pltpu.sync_copy(invs_v, inv_sh.at[pl.ds(row, _SL)])
    plsc.subcore_barrier()

    pltpu.sync_copy(inv_sh, inv_v)

    def _gather(i, b):
        pltpu.async_copy(y1_hbm.at[src_v.at[i]], rows_v.at[b], gsem.at[b])

    def _wait_gather(i, b):
        pltpu.make_async_copy(
            y1_hbm.at[src_v.at[i]], rows_v.at[b], gsem.at[b]).wait()

    def _wait_rscat(i, b):
        pltpu.make_async_copy(
            rows_v.at[b], seg_sh.at[dst_v.at[i]], rsem.at[b]).wait()

    def _wait_vscat(i, b):
        pltpu.make_async_copy(
            vals_v.at[b], c_sh.at[src_v.at[i]], vsem.at[b]).wait()

    def _vals(i, b):
        for j in range(_K // _L):
            iv = dst_v.at[i][pl.ds(j * _L, _L)]
            vals_v[b, pl.ds(j * _L, _L)] = plsc.load_gather(inv_v, [iv])
        pltpu.async_copy(vals_v.at[b], c_sh.at[src_v.at[i]], vsem.at[b],
                         add=True)

    def _rscat(i, b):
        pltpu.async_copy(rows_v.at[b], seg_sh.at[dst_v.at[i]], rsem.at[b],
                         add=True)

    for b in range(_PF):
        _gather(b, b)

    _NG = _NCH // _NB

    @pl.loop(0, _NG)
    def _(g):
        for b in range(_NB):
            i = g * _NB + b
            _wait_gather(i, b)
            _rscat(i, b)

            @pl.when(g > 0)
            def _():
                _wait_vscat(i - _NB, b)

            _vals(i, b)

            b2 = (b + _PF) % _NB
            if b >= _PF:

                @pl.when(i + _PF < _NCH)
                def _():
                    _wait_rscat(i - _PF, b2)
                    _gather(i + _PF, b2)

            else:

                @pl.when(g > 0)
                def _():
                    _wait_rscat(i - _PF, b2)

                @pl.when(i + _PF < _NCH)
                def _():
                    _gather(i + _PF, b2)

    for i in range(_NCH - _NB, _NCH):
        b = i % _NB
        _wait_rscat(i, b)
        _wait_vscat(i, b)

    plsc.subcore_barrier()

    pltpu.sync_copy(c_sh.at[pl.ds(row, _SL)], cnt0_v)

    r1f = jnp.full((_L,), 1.0, jnp.float32) * (cid == 0).astype(jnp.float32)

    @pl.loop(0, _SL, step=128)
    def _(r0):
        rb = rows_v.at[0]
        r1b = rows_v.at[1]
        pltpu.sync_copy(seg_sh.at[pl.ds(row + r0, 128)], rb)
        pltpu.sync_copy(r1_hbm.at[pl.ds(row + r0, 128)], r1b)

        @pl.loop(0, 64)
        def _(pr):
            s0 = plsc.load_gather(
                invs_v, [jnp.full((_L,), r0 + 2 * pr, jnp.int32)])
            s1 = plsc.load_gather(
                invs_v, [jnp.full((_L,), r0 + 2 * pr + 1, jnp.int32)])
            for q in range(_H // _L):
                segb_v[pr, pl.ds(q * _L, _L)] = (
                    rb[2 * pr, pl.ds(q * _L, _L)] * s0
                    + r1b[2 * pr, pl.ds(q * _L, _L)] * r1f)
                segb_v[pr, pl.ds(_H + q * _L, _L)] = (
                    rb[2 * pr + 1, pl.ds(q * _L, _L)] * s1
                    + r1b[2 * pr + 1, pl.ds(q * _L, _L)] * r1f)

        pltpu.sync_copy(segb_v, seg_hbm.at[cid, pl.ds((row + r0) // 2, 64)])

        @pl.loop(0, 64)
        def _(pr):
            c0 = plsc.load_gather(
                cnt0_v, [jnp.full((_L,), r0 + 2 * pr, jnp.int32)])
            c1 = plsc.load_gather(
                cnt0_v, [jnp.full((_L,), r0 + 2 * pr + 1, jnp.int32)])
            for q in range(_H // _L):
                segb_v[pr, pl.ds(q * _L, _L)] = c0
                segb_v[pr, pl.ds(_H + q * _L, _L)] = c1

        pltpu.sync_copy(segb_v, cexp_hbm.at[cid, pl.ds((row + r0) // 2, 64)])


def _tc_pre_body(x_ref, wl_ref, wr_ref, y1_ref, r1_ref):
    y1 = jnp.dot(x_ref[...], wl_ref[...], preferred_element_type=jnp.float32)
    r1 = jnp.dot(x_ref[...], wr_ref[...], preferred_element_type=jnp.float32)
    y1_ref[pl.ds(0, _N), :] = y1
    r1_ref[pl.ds(0, _N), :] = r1
    pad = jnp.zeros((_NP - _N, _H), jnp.float32)
    y1_ref[pl.ds(_N, _NP - _N), :] = pad
    r1_ref[pl.ds(_N, _NP - _N), :] = pad


_tc_pre = pl.pallas_call(
    _tc_pre_body,
    out_shape=(
        jax.ShapeDtypeStruct((_NP, _H), jnp.float32),
        jax.ShapeDtypeStruct((_NP, _H), jnp.float32),
    ),
)


def _tc_post_body(segp_ref, cep_ref,
                  b1_ref, g_ref, bt_ref, w2l_ref, w2r_ref, b2_ref, out_ref):
    def dup(v):
        return jnp.concatenate([v, v], axis=1)

    def fold(v):
        return v[:, :_H] + v[:, _H:]

    mask = (lax.broadcasted_iota(jnp.int32, (_NP // 2, 1), 0)
            < _N // 2).astype(jnp.float32)
    z = segp_ref[0] + segp_ref[1] + dup(b1_ref[...])
    mean = dup(fold(jnp.sum(z * mask, axis=0, keepdims=True))) * (1.0 / _N)
    zc = z - mean
    var = dup(fold(jnp.sum(zc * zc * mask, axis=0, keepdims=True))) * (
        1.0 / _N)
    h = dup(g_ref[...]) * zc * lax.rsqrt(var + 1e-5) + dup(bt_ref[...])
    hm = jnp.maximum(h, 0.0) * mask
    ce = cep_ref[0] + cep_ref[1]
    s1 = fold(jnp.sum(hm * ce, axis=0, keepdims=True)) * (1.0 / _N)
    s2 = fold(jnp.sum(hm, axis=0, keepdims=True)) * (1.0 / _N)
    out_ref[...] = (
        jnp.dot(s1, w2l_ref[...], preferred_element_type=jnp.float32)
        + jnp.dot(s2, w2r_ref[...], preferred_element_type=jnp.float32)
        + b2_ref[...]
    )


_tc_post = pl.pallas_call(
    _tc_post_body,
    out_shape=jax.ShapeDtypeStruct((1, _H), jnp.float32),
)


def kernel(x, edge_index, W1l, b1, W1r, gamma, beta, W2l, b2, W2r):
    e2 = jnp.concatenate([edge_index, _EDGE_PAD], axis=1)
    src2 = e2[0].reshape(_ER, _K)
    dst2 = e2[1].reshape(_ER, _K)

    y1, r1 = _tc_pre(x, W1l, W1r)
    cntp = _sc_degree(dst2)
    segp, cep = _sc_aggregate(src2, dst2, y1, r1, cntp)

    return _tc_post(
        segp, cep,
        b1[None, :], gamma[None, :], beta[None, :],
        W2l, W2r, b2[None, :],
    )

# --- scband reference (transcript-rebuilt; emitter-appended) ---
"""Pipeline reference for scband-protein-encoder-34342558499357 (READ-ONLY COPY).

The authoritative reference and input builder live on the scoring server;
editing this copy changes nothing except your own understanding.
"""

import jax, jax.numpy as jnp
import numpy as np

N = 10000
E = 320000
D_IN = 128
H = 64


def setup_inputs(seed: int = 0) -> dict:
    key = jax.random.key(seed)
    ks = jax.random.split(key, 12)
    x = jax.random.normal(ks[0], (N, D_IN), dtype=jnp.float32)
    edge_index = jax.random.randint(ks[1], (2, E), 0, N, dtype=jnp.int32)
    # SAGEConv layer 1: lin_l (aggregated neighbors, with bias), lin_r (root, no bias)
    W1l = jax.random.normal(ks[2], (D_IN, H), dtype=jnp.float32) / np.sqrt(D_IN)
    b1 = jnp.zeros((H,), dtype=jnp.float32)
    W1r = jax.random.normal(ks[3], (D_IN, H), dtype=jnp.float32) / np.sqrt(D_IN)
    # BatchNorm1d params (training-mode batch stats used in forward)
    gamma = jnp.ones((H,), dtype=jnp.float32)
    beta = jnp.zeros((H,), dtype=jnp.float32)
    # SAGEConv layer 2 (last layer: no norm/act after)
    W2l = jax.random.normal(ks[4], (H, H), dtype=jnp.float32) / np.sqrt(H)
    b2 = jnp.zeros((H,), dtype=jnp.float32)
    W2r = jax.random.normal(ks[5], (H, H), dtype=jnp.float32) / np.sqrt(H)
    return {"x": x, "edge_index": edge_index, "W1l": W1l, "b1": b1, "W1r": W1r,
            "gamma": gamma, "beta": beta, "W2l": W2l, "b2": b2, "W2r": W2r}


def _sage_conv(x, src, dst, Wl, bl, Wr, n_nodes):
    # PyG SAGEConv with mean aggregation:
    # out = lin_l(mean_{j in N(i)} x_j) + lin_r(x_i)
    msg = jnp.take(x, src, axis=0)                                   # gather [E, d]
    agg = jax.ops.segment_sum(msg, dst, num_segments=n_nodes)        # scatter-add
    cnt = jax.ops.segment_sum(jnp.ones((src.shape[0],), jnp.float32), dst,
                              num_segments=n_nodes)
    agg = agg / jnp.clip(cnt, 1.0, None)[:, None]                    # mean
    return agg @ Wl + bl + x @ Wr


def _batch_norm(h, gamma, beta, eps=1e-5):
    mean = jnp.mean(h, axis=0)
    var = jnp.mean((h - mean) ** 2, axis=0)  # biased var (training-mode BN)
    return gamma * (h - mean) / jnp.sqrt(var + eps) + beta


def reference(x, edge_index, W1l, b1, W1r, gamma, beta, W2l, b2, W2r):
    src = edge_index[0]
    dst = edge_index[1]
    n_nodes = x.shape[0]
    # GraphSAGE layer 1: conv -> norm -> ReLU (act_first=False)
    h = _sage_conv(x, src, dst, W1l, b1, W1r, n_nodes)
    h = _batch_norm(h, gamma, beta)
    h = jax.nn.relu(h)
    # GraphSAGE layer 2 (last layer: no norm/act)
    h = _sage_conv(h, src, dst, W2l, b2, W2r, n_nodes)
    # Protein_Encoder: mean over nodes, unsqueeze(0); single graph -> [1, H]
    return jnp.mean(h, axis=0, keepdims=True)

if __name__ == "__main__":
    import jax
    _d = setup_inputs()
    print(jax.jit(kernel)(*tuple(_d.values())))

</pallas_src>

<mosaic_0001>
#map = affine_map<(d0, d1) -> (0, 0)>
#map1 = affine_map<(d0, d1) -> (0, 0, 0)>
module attributes {stable_mosaic.version = 14 : i64} {
  func.func @_sc_aggregate(%arg0: i32, %arg1: i32, %arg2: memref<2560x128xi32, #tpu.memory_space<hbm>>, %arg3: memref<2560x128xi32, #tpu.memory_space<hbm>>, %arg4: memref<10240x64xf32, #tpu.memory_space<hbm>>, %arg5: memref<10240x64xf32, #tpu.memory_space<hbm>>, %arg6: memref<2x10240xf32, #tpu.memory_space<hbm>>, %arg7: memref<2x5120x128xf32, #tpu.memory_space<hbm>>, %arg8: memref<2x5120x128xf32, #tpu.memory_space<hbm>>, %arg9: memref<10240x64xf32, #tpu.memory_space<vmem_shared>>, %arg10: memref<10240xf32, #tpu.memory_space<vmem_shared>>, %arg11: memref<10240xf32, #tpu.memory_space<vmem_shared>>, %arg12: memref<10240xf32, #tpu.memory_space<vmem>>, %arg13: memref<80x128xi32, #tpu.memory_space<vmem>>, %arg14: memref<80x128xi32, #tpu.memory_space<vmem>>, %arg15: memref<4x128x64xf32, #tpu.memory_space<vmem>>, %arg16: memref<4x128xf32, #tpu.memory_space<vmem>>, %arg17: memref<640xf32, #tpu.memory_space<vmem>>, %arg18: memref<640xf32, #tpu.memory_space<vmem>>, %arg19: memref<640xf32, #tpu.memory_space<vmem>>, %arg20: memref<64x128xf32, #tpu.memory_space<vmem>>, %arg21: memref<4x!tpu.dma_semaphore, #tpu.memory_space<semaphore_mem>>, %arg22: memref<4x!tpu.dma_semaphore, #tpu.memory_space<semaphore_mem>>, %arg23: memref<4x!tpu.dma_semaphore, #tpu.memory_space<semaphore_mem>>) attributes {dimension_semantics = [#tpu.dimension_semantics<core_parallel>, #tpu.dimension_semantics<subcore_parallel>], iteration_bounds = array<i64: 2, 16>, scalar_prefetch = 0 : i64, scratch_operands = 15 : i64, tpu.core_type = #tpu.core_type<sc_vector_subcore>, window_params = [{transform_indices = #map}, {transform_indices = #map}, {transform_indices = #map}, {transform_indices = #map}, {transform_indices = #map}, {transform_indices = #map1}, {transform_indices = #map1}]} {
    %mul3A = arith.constant 16 : i32
    %mul3A_0 = arith.muli %arg0, %mul3A : i32
    %add3A = arith.addi %mul3A_0, %arg1 : i32
    %mul3A_1 = arith.constant 640 : i32
    %mul3A_2 = arith.muli %arg1, %mul3A_1 : i32
    %scan3A = arith.constant 0 : i32
    %scan3A_3 = arith.constant 0 : i32
    %scan3A_4 = arith.constant 128 : i32
    %scan3A_5 = arith.addi %scan3A_3, %scan3A_4 : i32
    %scan3A_6 = arith.constant 1 : i32
    scf.for %scan3A_185 = %scan3A_3 to %scan3A_5 step %scan3A_6  : i32 {
      %mul3A_186 = arith.constant 1 : i32
      %mul3A_187 = arith.muli %scan3A_185, %mul3A_186 : i32
      %add3A_188 = arith.constant 0 : i32
      %add3A_189 = arith.addi %add3A_188, %mul3A_187 : i32
      %broadcast_in_dim3A_190 = arith.constant 0.000000e+00 : f32
      %broadcast_in_dim3A_191 = vector.broadcast %broadcast_in_dim3A_190 : f32 to vector<16xf32>
      %swap3A = arith.constant 0 : i32
      %swap3A_192 = arith.constant 0 : i32
      %swap3A_193 = tpu.memref_slice %arg15[%scan3A, %swap3A, %swap3A_192] : memref<4x128x64xf32, #tpu.memory_space<vmem>> -> memref<1x128x64xf32, #tpu.memory_space<vmem>>
      %swap3A_194 = tpu.memref_squeeze %swap3A_193 : memref<1x128x64xf32, #tpu.memory_space<vmem>> -> memref<128x64xf32, #tpu.memory_space<vmem>>
      %swap3A_195 = arith.index_cast %add3A_189 : i32 to index
      %swap3A_196 = arith.constant 0 : index
      %swap3A_197 = tpu.vector_load %swap3A_194[%swap3A_195, %swap3A_196] {strides = array<i32>} : memref<128x64xf32, #tpu.memory_space<vmem>>, vector<16xf32>,
      tpu.vector_store %swap3A_194[%swap3A_195, %swap3A_196], %broadcast_in_dim3A_191 {strides = array<i32>} : memref<128x64xf32, #tpu.memory_space<vmem>>, vector<16xf32>,
      %broadcast_in_dim3A_198 = arith.constant 0.000000e+00 : f32
      %broadcast_in_dim3A_199 = vector.broadcast %broadcast_in_dim3A_198 : f32 to vector<16xf32>
      %swap3A_200 = arith.constant 0 : i32
      %swap3A_201 = arith.constant 0 : i32
      %swap3A_202 = tpu.memref_slice %arg15[%scan3A, %swap3A_200, %swap3A_201] : memref<4x128x64xf32, #tpu.memory_space<vmem>> -> memref<1x128x64xf32, #tpu.memory_space<vmem>>
      %swap3A_203 = tpu.memref_squeeze %swap3A_202 : memref<1x128x64xf32, #tpu.memory_space<vmem>> -> memref<128x64xf32, #tpu.memory_space<vmem>>
      %swap3A_204 = arith.index_cast %add3A_189 : i32 to index
      %swap3A_205 = arith.constant 16 : index
      %swap3A_206 = tpu.vector_load %swap3A_203[%swap3A_204, %swap3A_205] {strides = array<i32>} : memref<128x64xf32, #tpu.memory_space<vmem>>, vector<16xf32>,
      tpu.vector_store %swap3A_203[%swap3A_204, %swap3A_205], %broadcast_in_dim3A_199 {strides = array<i32>} : memref<128x64xf32, #tpu.memory_space<vmem>>, vector<16xf32>,
      %broadcast_in_dim3A_207 = arith.constant 0.000000e+00 : f32
      %broadcast_in_dim3A_208 = vector.broadcast %broadcast_in_dim3A_207 : f32 to vector<16xf32>
      %swap3A_209 = arith.constant 0 : i32
      %swap3A_210 = arith.constant 0 : i32
      %swap3A_211 = tpu.memref_slice %arg15[%scan3A, %swap3A_209, %swap3A_210] : memref<4x128x64xf32, #tpu.memory_space<vmem>> -> memref<1x128x64xf32, #tpu.memory_space<vmem>>
      %swap3A_212 = tpu.memref_squeeze %swap3A_211 : memref<1x128x64xf32, #tpu.memory_space<vmem>> -> memref<128x64xf32, #tpu.memory_space<vmem>>
      %swap3A_213 = arith.index_cast %add3A_189 : i32 to index
      %swap3A_214 = arith.constant 32 : index
      %swap3A_215 = tpu.vector_load %swap3A_212[%swap3A_213, %swap3A_214] {strides = array<i32>} : memref<128x64xf32, #tpu.memory_space<vmem>>, vector<16xf32>,
      tpu.vector_store %swap3A_212[%swap3A_213, %swap3A_214], %broadcast_in_dim3A_208 {strides = array<i32>} : memref<128x64xf32, #tpu.memory_space<vmem>>, vector<16xf32>,
      %broadcast_in_dim3A_216 = arith.constant 0.000000e+00 : f32
      %broadcast_in_dim3A_217 = vector.broadcast %broadcast_in_dim3A_216 : f32 to vector<16xf32>
      %swap3A_218 = arith.constant 0 : i32
      %swap3A_219 = arith.constant 0 : i32
      %swap3A_220 = tpu.memref_slice %arg15[%scan3A, %swap3A_218, %swap3A_219] : memref<4x128x64xf32, #tpu.memory_space<vmem>> -> memref<1x128x64xf32, #tpu.memory_space<vmem>>
      %swap3A_221 = tpu.memref_squeeze %swap3A_220 : memref<1x128x64xf32, #tpu.memory_space<vmem>> -> memref<128x64xf32, #tpu.memory_space<vmem>>
      %swap3A_222 = arith.index_cast %add3A_189 : i32 to index
      %swap3A_223 = arith.constant 48 : index
      %swap3A_224 = tpu.vector_load %swap3A_221[%swap3A_222, %swap3A_223] {strides = array<i32>} : memref<128x64xf32, #tpu.memory_space<vmem>>, vector<16xf32>,
      tpu.vector_store %swap3A_221[%swap3A_222, %swap3A_223], %broadcast_in_dim3A_217 {strides = array<i32>} : memref<128x64xf32, #tpu.memory_space<vmem>>, vector<16xf32>,
    }
    %scan3A_7 = arith.constant 128 : i32
    %scan3A_8 = arith.constant 0 : i32
    %scan3A_9 = arith.constant 0 : i32
    %scan3A_10 = arith.constant 5 : i32
    %scan3A_11 = arith.addi %scan3A_9, %scan3A_10 : i32
    %scan3A_12 = arith.constant 1 : i32
    scf.for %scan3A_185 = %scan3A_9 to %scan3A_11 step %scan3A_12  : i32 {
      %mul3A_186 = arith.constant 128 : i32
      %mul3A_187 = arith.muli %scan3A_185, %mul3A_186 : i32
      %add3A_188 = arith.constant 0 : i32
      %add3A_189 = arith.addi %add3A_188, %mul3A_187 : i32
      %add3A_190 = arith.addi %mul3A_2, %add3A_189 : i32
      "tpu.region"() ({
        %run_scoped3A_191 = tpu.sem_alloc : memref<!tpu.dma_semaphore, #tpu.memory_space<semaphore_mem>>
        %dma_start3A_192 = arith.constant 0 : i32
        %dma_start3A_193 = arith.constant 0 : i32
        %dma_start3A_194 = tpu.memref_slice %arg15[%scan3A_8, %dma_start3A_192, %dma_start3A_193] : memref<4x128x64xf32, #tpu.memory_space<vmem>> -> memref<1x128x64xf32, #tpu.memory_space<vmem>>
        %dma_start3A_195 = tpu.memref_squeeze %dma_start3A_194 : memref<1x128x64xf32, #tpu.memory_space<vmem>> -> memref<128x64xf32, #tpu.memory_space<vmem>>
        %dma_start3A_196 = arith.constant 0 : i32
        %dma_start3A_197 = tpu.memref_slice %arg9[%add3A_190, %dma_start3A_196] : memref<10240x64xf32, #tpu.memory_space<vmem_shared>> -> memref<128x64xf32, #tpu.memory_space<vmem_shared>>
        %dma_start3A_198 = arith.constant 0 : i32
        %dma_start3A_199 = tpu.memref_slice %arg9[%add3A_190, %dma_start3A_198] : memref<10240x64xf32, #tpu.memory_space<vmem_shared>> -> memref<128x64xf32, #tpu.memory_space<vmem_shared>>
        %dma_start3A_200 = arith.constant 0 : i32
        %dma_start3A_201 = arith.constant 0 : i32
        %dma_start3A_202 = tpu.memref_slice %arg15[%scan3A_8, %dma_start3A_200, %dma_start3A_201] : memref<4x128x64xf32, #tpu.memory_space<vmem>> -> memref<1x128x64xf32, #tpu.memory_space<vmem>>
        %dma_start3A_203 = tpu.memref_squeeze %dma_start3A_202 : memref<1x128x64xf32, #tpu.memory_space<vmem>> -> memref<128x64xf32, #tpu.memory_space<vmem>>
        tpu.enqueue_dma source(%dma_start3A_203 : memref<128x64xf32, #tpu.memory_space<vmem>>) target(%dma_start3A_199 : memref<128x64xf32, #tpu.memory_space<vmem_shared>>) target_semaphore(%run_scoped3A_191 : memref<!tpu.dma_semaphore, #tpu.memory_space<semaphore_mem>>)
        %dma_wait3A_204 = arith.constant 0 : i32
        %dma_wait3A_205 = arith.constant 0 : i32
        %dma_wait3A_206 = tpu.memref_slice %arg15[%scan3A_8, %dma_wait3A_204, %dma_wait3A_205] : memref<4x128x64xf32, #tpu.memory_space<vmem>> -> memref<1x128x64xf32, #tpu.memory_space<vmem>>
        %dma_wait3A_207 = tpu.memref_squeeze %dma_wait3A_206 : memref<1x128x64xf32, #tpu.memory_space<vmem>> -> memref<128x64xf32, #tpu.memory_space<vmem>>
        %dma_wait3A_208 = arith.constant 0 : i32
        %dma_wait3A_209 = tpu.memref_slice %arg9[%add3A_190, %dma_wait3A_208] : memref<10240x64xf32, #tpu.memory_space<vmem_shared>> -> memref<128x64xf32, #tpu.memory_space<vmem_shared>>
        %dma_wait3A_210 = arith.constant 0 : i32
        %dma_wait3A_211 = tpu.memref_slice %arg9[%add3A_190, %dma_wait3A_210] : memref<10240x64xf32, #tpu.memory_space<vmem_shared>> -> memref<128x64xf32, #tpu.memory_space<vmem_shared>>
        %dma_wait3A_212 = arith.constant 0 : i32
        %dma_wait3A_213 = arith.constant 0 : i32
        %dma_wait3A_214 = tpu.memref_slice %arg15[%scan3A_8, %dma_wait3A_212, %dma_wait3A_213] : memref<4x128x64xf32, #tpu.memory_space<vmem>> -> memref<1x128x64xf32, #tpu.memory_space<vmem>>
        %dma_wait3A_215 = tpu.memref_squeeze %dma_wait3A_214 : memref<1x128x64xf32, #tpu.memory_space<vmem>> -> memref<128x64xf32, #tpu.memory_space<vmem>>
        tpu.wait_dma2 semaphore(%run_scoped3A_191 : memref<!tpu.dma_semaphore, #tpu.memory_space<semaphore_mem>>) src(%dma_wait3A_215 : memref<128x64xf32, #tpu.memory_space<vmem>>) dst(%dma_wait3A_211 : memref<128x64xf32, #tpu.memory_space<vmem_shared>>)
        tpu.yield
      }) : () -> ()
    }
    %scan3A_13 = arith.constant 5 : i32
    %scan3A_14 = arith.constant 0 : i32
    %scan3A_15 = arith.constant 40 : i32
    %scan3A_16 = arith.addi %scan3A_14, %scan3A_15 : i32
    %scan3A_17 = arith.constant 1 : i32
    scf.for %scan3A_185 = %scan3A_14 to %scan3A_16 step %scan3A_17  : i32 {
      %mul3A_186 = arith.constant 16 : i32
      %mul3A_187 = arith.muli %scan3A_185, %mul3A_186 : i32
      %add3A_188 = arith.constant 0 : i32
      %add3A_189 = arith.addi %add3A_188, %mul3A_187 : i32
      %broadcast_in_dim3A_190 = arith.constant 0.000000e+00 : f32
      %broadcast_in_dim3A_191 = vector.broadcast %broadcast_in_dim3A_190 : f32 to vector<16xf32>
      %swap3A = arith.index_cast %add3A_189 : i32 to index
      %swap3A_192 = tpu.vector_load %arg19[%swap3A] {strides = array<i32>} : memref<640xf32, #tpu.memory_space<vmem>>, vector<16xf32>,
      %swap3A_193 = vector.shape_cast %swap3A_192 : vector<16xf32> to vector<16xf32>
      %swap3A_194 = vector.shape_cast %broadcast_in_dim3A_191 : vector<16xf32> to vector<16xf32>
      tpu.vector_store %arg19[%swap3A], %swap3A_194 {strides = array<i32>} : memref<640xf32, #tpu.memory_space<vmem>>, vector<16xf32>,
    }
    %scan3A_18 = arith.constant 40 : i32
    "tpu.region"() ({
      %run_scoped3A_185 = tpu.sem_alloc : memref<!tpu.dma_semaphore, #tpu.memory_space<semaphore_mem>>
      %dma_start3A_186 = tpu.memref_slice %arg10[%mul3A_2] : memref<10240xf32, #tpu.memory_space<vmem_shared>> -> memref<640xf32, #tpu.memory_space<vmem_shared>>
      %dma_start3A_187 = tpu.memref_slice %arg10[%mul3A_2] : memref<10240xf32, #tpu.memory_space<vmem_shared>> -> memref<640xf32, #tpu.memory_space<vmem_shared>>
      tpu.enqueue_dma source(%arg19 : memref<640xf32, #tpu.memory_space<vmem>>) target(%dma_start3A_187 : memref<640xf32, #tpu.memory_space<vmem_shared>>) target_semaphore(%run_scoped3A_185 : memref<!tpu.dma_semaphore, #tpu.memory_space<semaphore_mem>>)
      %dma_wait3A_188 = tpu.memref_slice %arg10[%mul3A_2] : memref<10240xf32, #tpu.memory_space<vmem_shared>> -> memref<640xf32, #tpu.memory_space<vmem_shared>>
      %dma_wait3A_189 = tpu.memref_slice %arg10[%mul3A_2] : memref<10240xf32, #tpu.memory_space<vmem_shared>> -> memref<640xf32, #tpu.memory_space<vmem_shared>>
      tpu.wait_dma2 semaphore(%run_scoped3A_185 : memref<!tpu.dma_semaphore, #tpu.memory_space<semaphore_mem>>) src(%arg19 : memref<640xf32, #tpu.memory_space<vmem>>) dst(%dma_wait3A_189 : memref<640xf32, #tpu.memory_space<vmem_shared>>)
      tpu.yield
    }) : () -> ()
    %mul3A_19 = arith.constant 80 : i32
    %mul3A_20 = arith.muli %add3A, %mul3A_19 : i32
    "tpu.region"() ({
      %run_scoped3A_185 = tpu.sem_alloc : memref<!tpu.dma_semaphore, #tpu.memory_space<semaphore_mem>>
      %dma_start3A_186 = arith.constant 0 : i32
      %dma_start3A_187 = tpu.memref_slice %arg2[%mul3A_20, %dma_start3A_186] : memref<2560x128xi32, #tpu.memory_space<hbm>> -> memref<80x128xi32, #tpu.memory_space<hbm>>
      %dma_start3A_188 = arith.constant 0 : i32
      %dma_start3A_189 = tpu.memref_slice %arg2[%mul3A_20, %dma_start3A_188] : memref<2560x128xi32, #tpu.memory_space<hbm>> -> memref<80x128xi32, #tpu.memory_space<hbm>>
      tpu.enqueue_dma source(%dma_start3A_189 : memref<80x128xi32, #tpu.memory_space<hbm>>) target(%arg13 : memref<80x128xi32, #tpu.memory_space<vmem>>) target_semaphore(%run_scoped3A_185 : memref<!tpu.dma_semaphore, #tpu.memory_space<semaphore_mem>>)
      %dma_wait3A_190 = arith.constant 0 : i32
      %dma_wait3A_191 = tpu.memref_slice %arg2[%mul3A_20, %dma_wait3A_190] : memref<2560x128xi32, #tpu.memory_space<hbm>> -> memref<80x128xi32, #tpu.memory_space<hbm>>
      %dma_wait3A_192 = arith.constant 0 : i32
      %dma_wait3A_193 = tpu.memref_slice %arg2[%mul3A_20, %dma_wait3A_192] : memref<2560x128xi32, #tpu.memory_space<hbm>> -> memref<80x128xi32, #tpu.memory_space<hbm>>
      tpu.wait_dma2 semaphore(%run_scoped3A_185 : memref<!tpu.dma_semaphore, #tpu.memory_space<semaphore_mem>>) src(%dma_wait3A_193 : memref<80x128xi32, #tpu.memory_space<hbm>>) dst(%arg13 : memref<80x128xi32, #tpu.memory_space<vmem>>)
      tpu.yield
    }) : () -> ()
    %mul3A_21 = arith.constant 80 : i32
    %mul3A_22 = arith.muli %add3A, %mul3A_21 : i32
    "tpu.region"() ({
      %run_scoped3A_185 = tpu.sem_alloc : memref<!tpu.dma_semaphore, #tpu.memory_space<semaphore_mem>>
      %dma_start3A_186 = arith.constant 0 : i32
      %dma_start3A_187 = tpu.memref_slice %arg3[%mul3A_22, %dma_start3A_186] : memref<2560x128xi32, #tpu.memory_space<hbm>> -> memref<80x128xi32, #tpu.memory_space<hbm>>
      %dma_start3A_188 = arith.constant 0 : i32
      %dma_start3A_189 = tpu.memref_slice %arg3[%mul3A_22, %dma_start3A_188] : memref<2560x128xi32, #tpu.memory_space<hbm>> -> memref<80x128xi32, #tpu.memory_space<hbm>>
      tpu.enqueue_dma source(%dma_start3A_189 : memref<80x128xi32, #tpu.memory_space<hbm>>) target(%arg14 : memref<80x128xi32, #tpu.memory_space<vmem>>) target_semaphore(%run_scoped3A_185 : memref<!tpu.dma_semaphore, #tpu.memory_space<semaphore_mem>>)
      %dma_wait3A_190 = arith.constant 0 : i32
      %dma_wait3A_191 = tpu.memref_slice %arg3[%mul3A_22, %dma_wait3A_190] : memref<2560x128xi32, #tpu.memory_space<hbm>> -> memref<80x128xi32, #tpu.memory_space<hbm>>
      %dma_wait3A_192 = arith.constant 0 : i32
      %dma_wait3A_193 = tpu.memref_slice %arg3[%mul3A_22, %dma_wait3A_192] : memref<2560x128xi32, #tpu.memory_space<hbm>> -> memref<80x128xi32, #tpu.memory_space<hbm>>
      tpu.wait_dma2 semaphore(%run_scoped3A_185 : memref<!tpu.dma_semaphore, #tpu.memory_space<semaphore_mem>>) src(%dma_wait3A_193 : memref<80x128xi32, #tpu.memory_space<hbm>>) dst(%arg14 : memref<80x128xi32, #tpu.memory_space<vmem>>)
      tpu.yield
    }) : () -> ()
    %run_scoped3A = arith.constant 0 : i32
    "tpu.region"() ({
      %run_scoped3A_185 = tpu.sem_alloc : memref<!tpu.dma_semaphore, #tpu.memory_space<semaphore_mem>>
      %dma_start3A_186 = tpu.memref_slice %arg6[%run_scoped3A, %mul3A_2] : memref<2x10240xf32, #tpu.memory_space<hbm>> -> memref<1x640xf32, #tpu.memory_space<hbm>>
      %dma_start3A_187 = tpu.memref_squeeze %dma_start3A_186 : memref<1x640xf32, #tpu.memory_space<hbm>> -> memref<640xf32, #tpu.memory_space<hbm>>
      %dma_start3A_188 = tpu.memref_slice %arg6[%run_scoped3A, %mul3A_2] : memref<2x10240xf32, #tpu.memory_space<hbm>> -> memref<1x640xf32, #tpu.memory_space<hbm>>
      %dma_start3A_189 = tpu.memref_squeeze %dma_start3A_188 : memref<1x640xf32, #tpu.memory_space<hbm>> -> memref<640xf32, #tpu.memory_space<hbm>>
      tpu.enqueue_dma source(%dma_start3A_189 : memref<640xf32, #tpu.memory_space<hbm>>) target(%arg17 : memref<640xf32, #tpu.memory_space<vmem>>) target_semaphore(%run_scoped3A_185 : memref<!tpu.dma_semaphore, #tpu.memory_space<semaphore_mem>>)
      %dma_wait3A_190 = tpu.memref_slice %arg6[%run_scoped3A, %mul3A_2] : memref<2x10240xf32, #tpu.memory_space<hbm>> -> memref<1x640xf32, #tpu.memory_space<hbm>>
      %dma_wait3A_191 = tpu.memref_squeeze %dma_wait3A_190 : memref<1x640xf32, #tpu.memory_space<hbm>> -> memref<640xf32, #tpu.memory_space<hbm>>
      %dma_wait3A_192 = tpu.memref_slice %arg6[%run_scoped3A, %mul3A_2] : memref<2x10240xf32, #tpu.memory_space<hbm>> -> memref<1x640xf32, #tpu.memory_space<hbm>>
      %dma_wait3A_193 = tpu.memref_squeeze %dma_wait3A_192 : memref<1x640xf32, #tpu.memory_space<hbm>> -> memref<640xf32, #tpu.memory_space<hbm>>
      tpu.wait_dma2 semaphore(%run_scoped3A_185 : memref<!tpu.dma_semaphore, #tpu.memory_space<semaphore_mem>>) src(%dma_wait3A_193 : memref<640xf32, #tpu.memory_space<hbm>>) dst(%arg17 : memref<640xf32, #tpu.memory_space<vmem>>)
      tpu.yield
    }) : () -> ()
    %run_scoped3A_23 = arith.constant 1 : i32
    "tpu.region"() ({
      %run_scoped3A_185 = tpu.sem_alloc : memref<!tpu.dma_semaphore, #tpu.memory_space<semaphore_mem>>
      %dma_start3A_186 = tpu.memref_slice %arg6[%run_scoped3A_23, %mul3A_2] : memref<2x10240xf32, #tpu.memory_space<hbm>> -> memref<1x640xf32, #tpu.memory_space<hbm>>
      %dma_start3A_187 = tpu.memref_squeeze %dma_start3A_186 : memref<1x640xf32, #tpu.memory_space<hbm>> -> memref<640xf32, #tpu.memory_space<hbm>>
      %dma_start3A_188 = tpu.memref_slice %arg6[%run_scoped3A_23, %mul3A_2] : memref<2x10240xf32, #tpu.memory_space<hbm>> -> memref<1x640xf32, #tpu.memory_space<hbm>>
      %dma_start3A_189 = tpu.memref_squeeze %dma_start3A_188 : memref<1x640xf32, #tpu.memory_space<hbm>> -> memref<640xf32, #tpu.memory_space<hbm>>
      tpu.enqueue_dma source(%dma_start3A_189 : memref<640xf32, #tpu.memory_space<hbm>>) target(%arg18 : memref<640xf32, #tpu.memory_space<vmem>>) target_semaphore(%run_scoped3A_185 : memref<!tpu.dma_semaphore, #tpu.memory_space<semaphore_mem>>)
      %dma_wait3A_190 = tpu.memref_slice %arg6[%run_scoped3A_23, %mul3A_2] : memref<2x10240xf32, #tpu.memory_space<hbm>> -> memref<1x640xf32, #tpu.memory_space<hbm>>
      %dma_wait3A_191 = tpu.memref_squeeze %dma_wait3A_190 : memref<1x640xf32, #tpu.memory_space<hbm>> -> memref<640xf32, #tpu.memory_space<hbm>>
      %dma_wait3A_192 = tpu.memref_slice %arg6[%run_scoped3A_23, %mul3A_2] : memref<2x10240xf32, #tpu.memory_space<hbm>> -> memref<1x640xf32, #tpu.memory_space<hbm>>
      %dma_wait3A_193 = tpu.memref_squeeze %dma_wait3A_192 : memref<1x640xf32, #tpu.memory_space<hbm>> -> memref<640xf32, #tpu.memory_space<hbm>>
      tpu.wait_dma2 semaphore(%run_scoped3A_185 : memref<!tpu.dma_semaphore, #tpu.memory_space<semaphore_mem>>) src(%dma_wait3A_193 : memref<640xf32, #tpu.memory_space<hbm>>) dst(%arg18 : memref<640xf32, #tpu.memory_space<vmem>>)
      tpu.yield
    }) : () -> ()
    %scan3A_24 = arith.constant 0 : i32
    %scan3A_25 = arith.constant 40 : i32
    %scan3A_26 = arith.addi %scan3A_24, %scan3A_25 : i32
    %scan3A_27 = arith.constant 1 : i32
    scf.for %scan3A_185 = %scan3A_24 to %scan3A_26 step %scan3A_27  : i32 {
      %mul3A_186 = arith.constant 16 : i32
      %mul3A_187 = arith.muli %scan3A_185, %mul3A_186 : i32
      %add3A_188 = arith.constant 0 : i32
      %add3A_189 = arith.addi %add3A_188, %mul3A_187 : i32
      %get3A = arith.index_cast %add3A_189 : i32 to index
      %get3A_190 = tpu.vector_load %arg17[%get3A] {strides = array<i32>} : memref<640xf32, #tpu.memory_space<vmem>>, vector<16xf32>,
      %get3A_191 = arith.index_cast %add3A_189 : i32 to index
      %get3A_192 = tpu.vector_load %arg18[%get3A_191] {strides = array<i32>} : memref<640xf32, #tpu.memory_space<vmem>>, vector<16xf32>,
      %add3A_193 = arith.addf %get3A_190, %get3A_192 : vector<16xf32>
      %max3A = arith.constant 1.000000e+00 : f32
      %max3A_194 = vector.broadcast %max3A : f32 to vector<16xf32>
      %max3A_195 = arith.maximumf %add3A_193, %max3A_194 : vector<16xf32>
      %div3A = arith.constant 1.000000e+00 : f32
      %div3A_196 = vector.broadcast %div3A : f32 to vector<16xf32>
      %div3A_197 = arith.divf %div3A_196, %max3A_195 : vector<16xf32>
      %swap3A = arith.index_cast %add3A_189 : i32 to index
      %swap3A_198 = tpu.vector_load %arg19[%swap3A] {strides = array<i32>} : memref<640xf32, #tpu.memory_space<vmem>>, vector<16xf32>,
      %swap3A_199 = vector.shape_cast %swap3A_198 : vector<16xf32> to vector<16xf32>
      %swap3A_200 = vector.shape_cast %div3A_197 : vector<16xf32> to vector<16xf32>
      tpu.vector_store %arg19[%swap3A], %swap3A_200 {strides = array<i32>} : memref<640xf32, #tpu.memory_space<vmem>>, vector<16xf32>,
    }
    %scan3A_28 = arith.constant 40 : i32
    "tpu.region"() ({
      %run_scoped3A_185 = tpu.sem_alloc : memref<!tpu.dma_semaphore, #tpu.memory_space<semaphore_mem>>
      %dma_start3A_186 = tpu.memref_slice %arg11[%mul3A_2] : memref<10240xf32, #tpu.memory_space<vmem_shared>> -> memref<640xf32, #tpu.memory_space<vmem_shared>>
      %dma_start3A_187 = tpu.memref_slice %arg11[%mul3A_2] : memref<10240xf32, #tpu.memory_space<vmem_shared>> -> memref<640xf32, #tpu.memory_space<vmem_shared>>
      tpu.enqueue_dma source(%arg19 : memref<640xf32, #tpu.memory_space<vmem>>) target(%dma_start3A_187 : memref<640xf32, #tpu.memory_space<vmem_shared>>) target_semaphore(%run_scoped3A_185 : memref<!tpu.dma_semaphore, #tpu.memory_space<semaphore_mem>>)
      %dma_wait3A_188 = tpu.memref_slice %arg11[%mul3A_2] : memref<10240xf32, #tpu.memory_space<vmem_shared>> -> memref<640xf32, #tpu.memory_space<vmem_shared>>
      %dma_wait3A_189 = tpu.memref_slice %arg11[%mul3A_2] : memref<10240xf32, #tpu.memory_space<vmem_shared>> -> memref<640xf32, #tpu.memory_space<vmem_shared>>
      tpu.wait_dma2 semaphore(%run_scoped3A_185 : memref<!tpu.dma_semaphore, #tpu.memory_space<semaphore_mem>>) src(%arg19 : memref<640xf32, #tpu.memory_space<vmem>>) dst(%dma_wait3A_189 : memref<640xf32, #tpu.memory_space<vmem_shared>>)
      tpu.yield
    }) : () -> ()
    %barrier3A = arith.constant 0 : index
    tpu.barrier barrier_id(%barrier3A)
    "tpu.region"() ({
      %run_scoped3A_185 = tpu.sem_alloc : memref<!tpu.dma_semaphore, #tpu.memory_space<semaphore_mem>>
      tpu.enqueue_dma source(%arg11 : memref<10240xf32, #tpu.memory_space<vmem_shared>>) target(%arg12 : memref<10240xf32, #tpu.memory_space<vmem>>) target_semaphore(%run_scoped3A_185 : memref<!tpu.dma_semaphore, #tpu.memory_space<semaphore_mem>>)
      tpu.wait_dma2 semaphore(%run_scoped3A_185 : memref<!tpu.dma_semaphore, #tpu.memory_space<semaphore_mem>>) src(%arg11 : memref<10240xf32, #tpu.memory_space<vmem_shared>>) dst(%arg12 : memref<10240xf32, #tpu.memory_space<vmem>>)
      tpu.yield
    }) : () -> ()
    %dma_start3A = arith.constant 0 : i32
    %dma_start3A_29 = arith.constant 0 : i32
    %dma_start3A_30 = arith.constant 0 : i32
    %dma_start3A_31 = arith.constant 0 : i32
    %dma_start3A_32 = arith.constant 0 : i32
    %dma_start3A_33 = tpu.memref_slice %arg15[%dma_start3A_29, %dma_start3A_31, %dma_start3A_32] : memref<4x128x64xf32, #tpu.memory_space<vmem>> -> memref<1x128x64xf32, #tpu.memory_space<vmem>>
    %dma_start3A_34 = tpu.memref_squeeze %dma_start3A_33 : memref<1x128x64xf32, #tpu.memory_space<vmem>> -> memref<128x64xf32, #tpu.memory_space<vmem>>
    %dma_start3A_35 = arith.constant 0 : i32
    %dma_start3A_36 = tpu.memref_slice %arg13[%dma_start3A, %dma_start3A_35] : memref<80x128xi32, #tpu.memory_space<vmem>> -> memref<1x128xi32, #tpu.memory_space<vmem>>
    %dma_start3A_37 = tpu.memref_squeeze %dma_start3A_36 : memref<1x128xi32, #tpu.memory_space<vmem>> -> memref<128xi32, #tpu.memory_space<vmem>>
    %dma_start3A_38 = arith.constant 0 : i32
    %dma_start3A_39 = arith.constant 0 : i32
    %dma_start3A_40 = tpu.memref_slice %arg4[%dma_start3A_38, %dma_start3A_39] : memref<10240x64xf32, #tpu.memory_space<hbm>> -> memref<10240x64xf32, #tpu.memory_space<hbm>>
    %dma_start3A_41 = tpu.memref_slice %arg21[%dma_start3A_30] : memref<4x!tpu.dma_semaphore, #tpu.memory_space<semaphore_mem>> -> memref<1x!tpu.dma_semaphore, #tpu.memory_space<semaphore_mem>>
    %dma_start3A_42 = tpu.memref_squeeze %dma_start3A_41 : memref<1x!tpu.dma_semaphore, #tpu.memory_space<semaphore_mem>> -> memref<!tpu.dma_semaphore, #tpu.memory_space<semaphore_mem>>
    tpu.enqueue_indirect_dma source(%dma_start3A_40 : memref<10240x64xf32, #tpu.memory_space<hbm>>) target(%dma_start3A_34 : memref<128x64xf32, #tpu.memory_space<vmem>>) offsets(%dma_start3A_37 : memref<128xi32, #tpu.memory_space<vmem>>) semaphore(%dma_start3A_42 : memref<!tpu.dma_semaphore, #tpu.memory_space<semaphore_mem>>)
    %dma_start3A_43 = arith.constant 1 : i32
    %dma_start3A_44 = arith.constant 1 : i32
    %dma_start3A_45 = arith.constant 1 : i32
    %dma_start3A_46 = arith.constant 0 : i32
    %dma_start3A_47 = arith.constant 0 : i32
    %dma_start3A_48 = tpu.memref_slice %arg15[%dma_start3A_44, %dma_start3A_46, %dma_start3A_47] : memref<4x128x64xf32, #tpu.memory_space<vmem>> -> memref<1x128x64xf32, #tpu.memory_space<vmem>>
    %dma_start3A_49 = tpu.memref_squeeze %dma_start3A_48 : memref<1x128x64xf32, #tpu.memory_space<vmem>> -> memref<128x64xf32, #tpu.memory_space<vmem>>
    %dma_start3A_50 = arith.constant 0 : i32
    %dma_start3A_51 = tpu.memref_slice %arg13[%dma_start3A_43, %dma_start3A_50] : memref<80x128xi32, #tpu.memory_space<vmem>> -> memref<1x128xi32, #tpu.memory_space<vmem>>
    %dma_start3A_52 = tpu.memref_squeeze %dma_start3A_51 : memref<1x128xi32, #tpu.memory_space<vmem>> -> memref<128xi32, #tpu.memory_space<vmem>>
    %dma_start3A_53 = arith.constant 0 : i32
    %dma_start3A_54 = arith.constant 0 : i32
    %dma_start3A_55 = tpu.memref_slice %arg4[%dma_start3A_53, %dma_start3A_54] : memref<10240x64xf32, #tpu.memory_space<hbm>> -> memref<10240x64xf32, #tpu.memory_space<hbm>>
    %dma_start3A_56 = tpu.memref_slice %arg21[%dma_start3A_45] : memref<4x!tpu.dma_semaphore, #tpu.memory_space<semaphore_mem>> -> memref<1x!tpu.dma_semaphore, #tpu.memory_space<semaphore_mem>>
    %dma_start3A_57 = tpu.memref_squeeze %dma_start3A_56 : memref<1x!tpu.dma_semaphore, #tpu.memory_space<semaphore_mem>> -> memref<!tpu.dma_semaphore, #tpu.memory_space<semaphore_mem>>
    tpu.enqueue_indirect_dma source(%dma_start3A_55 : memref<10240x64xf32, #tpu.memory_space<hbm>>) target(%dma_start3A_49 : memref<128x64xf32, #tpu.memory_space<vmem>>) offsets(%dma_start3A_52 : memref<128xi32, #tpu.memory_space<vmem>>) semaphore(%dma_start3A_57 : memref<!tpu.dma_semaphore, #tpu.memory_space<semaphore_mem>>)
    %scan3A_58 = arith.constant 0 : i32
    %scan3A_59 = arith.constant 20 : i32
    %scan3A_60 = arith.addi %scan3A_58, %scan3A_59 : i32
    %scan3A_61 = arith.constant 1 : i32
    scf.for %scan3A_185 = %scan3A_58 to %scan3A_60 step %scan3A_61  : i32 {
      %mul3A_186 = arith.constant 1 : i32
      %mul3A_187 = arith.muli %scan3A_185, %mul3A_186 : i32
      %add3A_188 = arith.constant 0 : i32
      %add3A_189 = arith.addi %add3A_188, %mul3A_187 : i32
      %mul3A_190 = arith.constant 4 : i32
      %mul3A_191 = arith.muli %add3A_189, %mul3A_190 : i32
      %add3A_192 = arith.constant 0 : i32
      %add3A_193 = arith.addi %mul3A_191, %add3A_192 : i32
      %dma_wait3A_194 = arith.constant 0 : i32
      %dma_wait3A_195 = arith.constant 0 : i32
      %dma_wait3A_196 = arith.constant 0 : i32
      %dma_wait3A_197 = arith.constant 0 : i32
      %dma_wait3A_198 = tpu.memref_slice %arg15[%dma_wait3A_194, %dma_wait3A_196, %dma_wait3A_197] : memref<4x128x64xf32, #tpu.memory_space<vmem>> -> memref<1x128x64xf32, #tpu.memory_space<vmem>>
      %dma_wait3A_199 = tpu.memref_squeeze %dma_wait3A_198 : memref<1x128x64xf32, #tpu.memory_space<vmem>> -> memref<128x64xf32, #tpu.memory_space<vmem>>
      %dma_wait3A_200 = arith.constant 0 : i32
      %dma_wait3A_201 = tpu.memref_slice %arg13[%add3A_193, %dma_wait3A_200] : memref<80x128xi32, #tpu.memory_space<vmem>> -> memref<1x128xi32, #tpu.memory_space<vmem>>
      %dma_wait3A_202 = tpu.memref_squeeze %dma_wait3A_201 : memref<1x128xi32, #tpu.memory_space<vmem>> -> memref<128xi32, #tpu.memory_space<vmem>>
      %dma_wait3A_203 = arith.constant 0 : i32
      %dma_wait3A_204 = arith.constant 0 : i32
      %dma_wait3A_205 = tpu.memref_slice %arg4[%dma_wait3A_203, %dma_wait3A_204] : memref<10240x64xf32, #tpu.memory_space<hbm>> -> memref<10240x64xf32, #tpu.memory_space<hbm>>
      %dma_wait3A_206 = tpu.memref_slice %arg21[%dma_wait3A_195] : memref<4x!tpu.dma_semaphore, #tpu.memory_space<semaphore_mem>> -> memref<1x!tpu.dma_semaphore, #tpu.memory_space<semaphore_mem>>
      %dma_wait3A_207 = tpu.memref_squeeze %dma_wait3A_206 : memref<1x!tpu.dma_semaphore, #tpu.memory_space<semaphore_mem>> -> memref<!tpu.dma_semaphore, #tpu.memory_space<semaphore_mem>>
      tpu.wait_indirect_dma semaphore(%dma_wait3A_207 : memref<!tpu.dma_semaphore, #tpu.memory_space<semaphore_mem>>) src(%dma_wait3A_205 : memref<10240x64xf32, #tpu.memory_space<hbm>>) dst(%dma_wait3A_199 : memref<128x64xf32, #tpu.memory_space<vmem>>)
      %dma_start3A_208 = arith.constant 0 : i32
      %dma_start3A_209 = arith.constant 0 : i32
      %dma_start3A_210 = arith.constant 0 : i32
      %dma_start3A_211 = arith.constant 0 : i32
      %dma_start3A_212 = tpu.memref_slice %arg15[%dma_start3A_208, %dma_start3A_210, %dma_start3A_211] : memref<4x128x64xf32, #tpu.memory_space<vmem>> -> memref<1x128x64xf32, #tpu.memory_space<vmem>>
      %dma_start3A_213 = tpu.memref_squeeze %dma_start3A_212 : memref<1x128x64xf32, #tpu.memory_space<vmem>> -> memref<128x64xf32, #tpu.memory_space<vmem>>
      %dma_start3A_214 = arith.constant 0 : i32
      %dma_start3A_215 = tpu.memref_slice %arg14[%add3A_193, %dma_start3A_214] : memref<80x128xi32, #tpu.memory_space<vmem>> -> memref<1x128xi32, #tpu.memory_space<vmem>>
      %dma_start3A_216 = tpu.memref_squeeze %dma_start3A_215 : memref<1x128xi32, #tpu.memory_space<vmem>> -> memref<128xi32, #tpu.memory_space<vmem>>
      %dma_start3A_217 = arith.constant 0 : i32
      %dma_start3A_218 = arith.constant 0 : i32
      %dma_start3A_219 = tpu.memref_slice %arg9[%dma_start3A_217, %dma_start3A_218] : memref<10240x64xf32, #tpu.memory_space<vmem_shared>> -> memref<10240x64xf32, #tpu.memory_space<vmem_shared>>
      %dma_start3A_220 = tpu.memref_slice %arg22[%dma_start3A_209] : memref<4x!tpu.dma_semaphore, #tpu.memory_space<semaphore_mem>> -> memref<1x!tpu.dma_semaphore, #tpu.memory_space<semaphore_mem>>
      %dma_start3A_221 = tpu.memref_squeeze %dma_start3A_220 : memref<1x!tpu.dma_semaphore, #tpu.memory_space<semaphore_mem>> -> memref<!tpu.dma_semaphore, #tpu.memory_space<semaphore_mem>>
      tpu.enqueue_indirect_dma source(%dma_start3A_213 : memref<128x64xf32, #tpu.memory_space<vmem>>) target(%dma_start3A_219 : memref<10240x64xf32, #tpu.memory_space<vmem_shared>>) offsets(%dma_start3A_216 : memref<128xi32, #tpu.memory_space<vmem>>) semaphore(%dma_start3A_221 : memref<!tpu.dma_semaphore, #tpu.memory_space<semaphore_mem>>) {add = true}
      %gt3A = arith.constant 0 : i32
      %gt3A_222 = arith.cmpi sgt, %add3A_189, %gt3A : i32
      %convert_element_type3A_223 = arith.extui %gt3A_222 : i1 to i32
      %cond3A = arith.constant 0 : i32
      %cond3A_224 = arith.cmpi ne, %convert_element_type3A_223, %cond3A : i32
      scf.if %cond3A_224 {
        %sub3A = arith.constant 4 : i32
        %sub3A_738 = arith.subi %add3A_193, %sub3A : i32
        %dma_wait3A_739 = arith.constant 0 : i32
        %dma_wait3A_740 = arith.constant 0 : i32
        %dma_wait3A_741 = arith.constant 0 : i32
        %dma_wait3A_742 = tpu.memref_slice %arg16[%dma_wait3A_739, %dma_wait3A_741] : memref<4x128xf32, #tpu.memory_space<vmem>> -> memref<1x128xf32, #tpu.memory_space<vmem>>
        %dma_wait3A_743 = tpu.memref_squeeze %dma_wait3A_742 : memref<1x128xf32, #tpu.memory_space<vmem>> -> memref<128xf32, #tpu.memory_space<vmem>>
        %dma_wait3A_744 = arith.constant 0 : i32
        %dma_wait3A_745 = tpu.memref_slice %arg13[%sub3A_738, %dma_wait3A_744] : memref<80x128xi32, #tpu.memory_space<vmem>> -> memref<1x128xi32, #tpu.memory_space<vmem>>
        %dma_wait3A_746 = tpu.memref_squeeze %dma_wait3A_745 : memref<1x128xi32, #tpu.memory_space<vmem>> -> memref<128xi32, #tpu.memory_space<vmem>>
        %dma_wait3A_747 = arith.constant 0 : i32
        %dma_wait3A_748 = tpu.memref_slice %arg10[%dma_wait3A_747] : memref<10240xf32, #tpu.memory_space<vmem_shared>> -> memref<10240xf32, #tpu.memory_space<vmem_shared>>
        %dma_wait3A_749 = tpu.memref_slice %arg23[%dma_wait3A_740] : memref<4x!tpu.dma_semaphore, #tpu.memory_space<semaphore_mem>> -> memref<1x!tpu.dma_semaphore, #tpu.memory_space<semaphore_mem>>
        %dma_wait3A_750 = tpu.memref_squeeze %dma_wait3A_749 : memref<1x!tpu.dma_semaphore, #tpu.memory_space<semaphore_mem>> -> memref<!tpu.dma_semaphore, #tpu.memory_space<semaphore_mem>>
        tpu.wait_indirect_dma semaphore(%dma_wait3A_750 : memref<!tpu.dma_semaphore, #tpu.memory_space<semaphore_mem>>) src(%dma_wait3A_743 : memref<128xf32, #tpu.memory_space<vmem>>) dst(%dma_wait3A_748 : memref<10240xf32, #tpu.memory_space<vmem_shared>>)
      } else {
      }
      %get3A = arith.constant 0 : i32
      %get3A_225 = tpu.memref_slice %arg14[%add3A_193, %get3A] : memref<80x128xi32, #tpu.memory_space<vmem>> -> memref<1x128xi32, #tpu.memory_space<vmem>>
      %get3A_226 = tpu.memref_squeeze %get3A_225 : memref<1x128xi32, #tpu.memory_space<vmem>> -> memref<128xi32, #tpu.memory_space<vmem>>
      %get3A_227 = arith.constant 0 : index
      %get3A_228 = tpu.vector_load %get3A_226[%get3A_227] {strides = array<i32>} : memref<128xi32, #tpu.memory_space<vmem>>, vector<16xi32>,
      %gather3A = tpu.vector_load_idx %arg12[%get3A_228] : memref<10240xf32, #tpu.memory_space<vmem>>[vector<16xi32>], vector<16xf32>,
      %swap3A = arith.constant 0 : i32
      %swap3A_229 = arith.index_cast %swap3A : i32 to index
      %swap3A_230 = arith.constant 0 : index
      %swap3A_231 = tpu.vector_load %arg16[%swap3A_229, %swap3A_230] {strides = array<i32>} : memref<4x128xf32, #tpu.memory_space<vmem>>, vector<16xf32>,
      tpu.vector_store %arg16[%swap3A_229, %swap3A_230], %gather3A {strides = array<i32>} : memref<4x128xf32, #tpu.memory_space<vmem>>, vector<16xf32>,
      %get3A_232 = arith.constant 0 : i32
      %get3A_233 = tpu.memref_slice %arg14[%add3A_193, %get3A_232] : memref<80x128xi32, #tpu.memory_space<vmem>> -> memref<1x128xi32, #tpu.memory_space<vmem>>
      %get3A_234 = tpu.memref_squeeze %get3A_233 : memref<1x128xi32, #tpu.memory_space<vmem>> -> memref<128xi32, #tpu.memory_space<vmem>>
      %get3A_235 = arith.constant 16 : index
      %get3A_236 = tpu.vector_load %get3A_234[%get3A_235] {strides = array<i32>} : memref<128xi32, #tpu.memory_space<vmem>>, vector<16xi32>,
      %gather3A_237 = tpu.vector_load_idx %arg12[%get3A_236] : memref<10240xf32, #tpu.memory_space<vmem>>[vector<16xi32>], vector<16xf32>,
      %swap3A_238 = arith.constant 0 : i32
      %swap3A_239 = arith.index_cast %swap3A_238 : i32 to index
      %swap3A_240 = arith.constant 16 : index
      %swap3A_241 = tpu.vector_load %arg16[%swap3A_239, %swap3A_240] {strides = array<i32>} : memref<4x128xf32, #tpu.memory_space<vmem>>, vector<16xf32>,
      tpu.vector_store %arg16[%swap3A_239, %swap3A_240], %gather3A_237 {strides = array<i32>} : memref<4x128xf32, #tpu.memory_space<vmem>>, vector<16xf32>,
      %get3A_242 = arith.constant 0 : i32
      %get3A_243 = tpu.memref_slice %arg14[%add3A_193, %get3A_242] : memref<80x128xi32, #tpu.memory_space<vmem>> -> memref<1x128xi32, #tpu.memory_space<vmem>>
      %get3A_244 = tpu.memref_squeeze %get3A_243 : memref<1x128xi32, #tpu.memory_space<vmem>> -> memref<128xi32, #tpu.memory_space<vmem>>
      %get3A_245 = arith.constant 32 : index
      %get3A_246 = tpu.vector_load %get3A_244[%get3A_245] {strides = array<i32>} : memref<128xi32, #tpu.memory_space<vmem>>, vector<16xi32>,
      %gather3A_247 = tpu.vector_load_idx %arg12[%get3A_246] : memref<10240xf32, #tpu.memory_space<vmem>>[vector<16xi32>], vector<16xf32>,
      %swap3A_248 = arith.constant 0 : i32
      %swap3A_249 = arith.index_cast %swap3A_248 : i32 to index
      %swap3A_250 = arith.constant 32 : index
      %swap3A_251 = tpu.vector_load %arg16[%swap3A_249, %swap3A_250] {strides = array<i32>} : memref<4x128xf32, #tpu.memory_space<vmem>>, vector<16xf32>,
      tpu.vector_store %arg16[%swap3A_249, %swap3A_250], %gather3A_247 {strides = array<i32>} : memref<4x128xf32, #tpu.memory_space<vmem>>, vector<16xf32>,
      %get3A_252 = arith.constant 0 : i32
      %get3A_253 = tpu.memref_slice %arg14[%add3A_193, %get3A_252] : memref<80x128xi32, #tpu.memory_space<vmem>> -> memref<1x128xi32, #tpu.memory_space<vmem>>
      %get3A_254 = tpu.memref_squeeze %get3A_253 : memref<1x128xi32, #tpu.memory_space<vmem>> -> memref<128xi32, #tpu.memory_space<vmem>>
      %get3A_255 = arith.constant 48 : index
      %get3A_256 = tpu.vector_load %get3A_254[%get3A_255] {strides = array<i32>} : memref<128xi32, #tpu.memory_space<vmem>>, vector<16xi32>,
      %gather3A_257 = tpu.vector_load_idx %arg12[%get3A_256] : memref<10240xf32, #tpu.memory_space<vmem>>[vector<16xi32>], vector<16xf32>,
      %swap3A_258 = arith.constant 0 : i32
      %swap3A_259 = arith.index_cast %swap3A_258 : i32 to index
      %swap3A_260 = arith.constant 48 : index
      %swap3A_261 = tpu.vector_load %arg16[%swap3A_259, %swap3A_260] {strides = array<i32>} : memref<4x128xf32, #tpu.memory_space<vmem>>, vector<16xf32>,
      tpu.vector_store %arg16[%swap3A_259, %swap3A_260], %gather3A_257 {strides = array<i32>} : memref<4x128xf32, #tpu.memory_space<vmem>>, vector<16xf32>,
      %get3A_262 = arith.constant 0 : i32
      %get3A_263 = tpu.memref_slice %arg14[%add3A_193, %get3A_262] : memref<80x128xi32, #tpu.memory_space<vmem>> -> memref<1x128xi32, #tpu.memory_space<vmem>>
      %get3A_264 = tpu.memref_squeeze %get3A_263 : memref<1x128xi32, #tpu.memory_space<vmem>> -> memref<128xi32, #tpu.memory_space<vmem>>
      %get3A_265 = arith.constant 64 : index
      %get3A_266 = tpu.vector_load %get3A_264[%get3A_265] {strides = array<i32>} : memref<128xi32, #tpu.memory_space<vmem>>, vector<16xi32>,
      %gather3A_267 = tpu.vector_load_idx %arg12[%get3A_266] : memref<10240xf32, #tpu.memory_space<vmem>>[vector<16xi32>], vector<16xf32>,
      %swap3A_268 = arith.constant 0 : i32
      %swap3A_269 = arith.index_cast %swap3A_268 : i32 to index
      %swap3A_270 = arith.constant 64 : index
      %swap3A_271 = tpu.vector_load %arg16[%swap3A_269, %swap3A_270] {strides = array<i32>} : memref<4x128xf32, #tpu.memory_space<vmem>>, vector<16xf32>,
      tpu.vector_store %arg16[%swap3A_269, %swap3A_270], %gather3A_267 {strides = array<i32>} : memref<4x128xf32, #tpu.memory_space<vmem>>, vector<16xf32>,
      %get3A_272 = arith.constant 0 : i32
      %get3A_273 = tpu.memref_slice %arg14[%add3A_193, %get3A_272] : memref<80x128xi32, #tpu.memory_space<vmem>> -> memref<1x128xi32, #tpu.memory_space<vmem>>
      %get3A_274 = tpu.memref_squeeze %get3A_273 : memref<1x128xi32, #tpu.memory_space<vmem>> -> memref<128xi32, #tpu.memory_space<vmem>>
      %get3A_275 = arith.constant 80 : index
      %get3A_276 = tpu.vector_load %get3A_274[%get3A_275] {strides = array<i32>} : memref<128xi32, #tpu.memory_space<vmem>>, vector<16xi32>,
      %gather3A_277 = tpu.vector_load_idx %arg12[%get3A_276] : memref<10240xf32, #tpu.memory_space<vmem>>[vector<16xi32>], vector<16xf32>,
      %swap3A_278 = arith.constant 0 : i32
      %swap3A_279 = arith.index_cast %swap3A_278 : i32 to index
      %swap3A_280 = arith.constant 80 : index
      %swap3A_281 = tpu.vector_load %arg16[%swap3A_279, %swap3A_280] {strides = array<i32>} : memref<4x128xf32, #tpu.memory_space<vmem>>, vector<16xf32>,
      tpu.vector_store %arg16[%swap3A_279, %swap3A_280], %gather3A_277 {strides = array<i32>} : memref<4x128xf32, #tpu.memory_space<vmem>>, vector<16xf32>,
      %get3A_282 = arith.constant 0 : i32
      %get3A_283 = tpu.memref_slice %arg14[%add3A_193, %get3A_282] : memref<80x128xi32, #tpu.memory_space<vmem>> -> memref<1x128xi32, #tpu.memory_space<vmem>>
      %get3A_284 = tpu.memref_squeeze %get3A_283 : memref<1x128xi32, #tpu.memory_space<vmem>> -> memref<128xi32, #tpu.memory_space<vmem>>
      %get3A_285 = arith.constant 96 : index
      %get3A_286 = tpu.vector_load %get3A_284[%get3A_285] {strides = array<i32>} : memref<128xi32, #tpu.memory_space<vmem>>, vector<16xi32>,
      %gather3A_287 = tpu.vector_load_idx %arg12[%get3A_286] : memref<10240xf32, #tpu.memory_space<vmem>>[vector<16xi32>], vector<16xf32>,
      %swap3A_288 = arith.constant 0 : i32
      %swap3A_289 = arith.index_cast %swap3A_288 : i32 to index
      %swap3A_290 = arith.constant 96 : index
      %swap3A_291 = tpu.vector_load %arg16[%swap3A_289, %swap3A_290] {strides = array<i32>} : memref<4x128xf32, #tpu.memory_space<vmem>>, vector<16xf32>,
      tpu.vector_store %arg16[%swap3A_289, %swap3A_290], %gather3A_287 {strides = array<i32>} : memref<4x128xf32, #tpu.memory_space<vmem>>, vector<16xf32>,
      %get3A_292 = arith.constant 0 : i32
      %get3A_293 = tpu.memref_slice %arg14[%add3A_193, %get3A_292] : memref<80x128xi32, #tpu.memory_space<vmem>> -> memref<1x128xi32, #tpu.memory_space<vmem>>
      %get3A_294 = tpu.memref_squeeze %get3A_293 : memref<1x128xi32, #tpu.memory_space<vmem>> -> memref<128xi32, #tpu.memory_space<vmem>>
      %get3A_295 = arith.constant 112 : index
      %get3A_296 = tpu.vector_load %get3A_294[%get3A_295] {strides = array<i32>} : memref<128xi32, #tpu.memory_space<vmem>>, vector<16xi32>,
      %gather3A_297 = tpu.vector_load_idx %arg12[%get3A_296] : memref<10240xf32, #tpu.memory_space<vmem>>[vector<16xi32>], vector<16xf32>,
      %swap3A_298 = arith.constant 0 : i32
      %swap3A_299 = arith.index_cast %swap3A_298 : i32 to index
      %swap3A_300 = arith.constant 112 : index
      %swap3A_301 = tpu.vector_load %arg16[%swap3A_299, %swap3A_300] {strides = array<i32>} : memref<4x128xf32, #tpu.memory_space<vmem>>, vector<16xf32>,
      tpu.vector_store %arg16[%swap3A_299, %swap3A_300], %gather3A_297 {strides = array<i32>} : memref<4x128xf32, #tpu.memory_space<vmem>>, vector<16xf32>,
      %dma_start3A_302 = arith.constant 0 : i32
      %dma_start3A_303 = arith.constant 0 : i32
      %dma_start3A_304 = arith.constant 0 : i32
      %dma_start3A_305 = tpu.memref_slice %arg16[%dma_start3A_302, %dma_start3A_304] : memref<4x128xf32, #tpu.memory_space<vmem>> -> memref<1x128xf32, #tpu.memory_space<vmem>>
      %dma_start3A_306 = tpu.memref_squeeze %dma_start3A_305 : memref<1x128xf32, #tpu.memory_space<vmem>> -> memref<128xf32, #tpu.memory_space<vmem>>
      %dma_start3A_307 = arith.constant 0 : i32
      %dma_start3A_308 = tpu.memref_slice %arg13[%add3A_193, %dma_start3A_307] : memref<80x128xi32, #tpu.memory_space<vmem>> -> memref<1x128xi32, #tpu.memory_space<vmem>>
      %dma_start3A_309 = tpu.memref_squeeze %dma_start3A_308 : memref<1x128xi32, #tpu.memory_space<vmem>> -> memref<128xi32, #tpu.memory_space<vmem>>
      %dma_start3A_310 = arith.constant 0 : i32
      %dma_start3A_311 = tpu.memref_slice %arg10[%dma_start3A_310] : memref<10240xf32, #tpu.memory_space<vmem_shared>> -> memref<10240xf32, #tpu.memory_space<vmem_shared>>
      %dma_start3A_312 = tpu.memref_slice %arg23[%dma_start3A_303] : memref<4x!tpu.dma_semaphore, #tpu.memory_space<semaphore_mem>> -> memref<1x!tpu.dma_semaphore, #tpu.memory_space<semaphore_mem>>
      %dma_start3A_313 = tpu.memref_squeeze %dma_start3A_312 : memref<1x!tpu.dma_semaphore, #tpu.memory_space<semaphore_mem>> -> memref<!tpu.dma_semaphore, #tpu.memory_space<semaphore_mem>>
      tpu.enqueue_indirect_dma source(%dma_start3A_306 : memref<128xf32, #tpu.memory_space<vmem>>) target(%dma_start3A_311 : memref<10240xf32, #tpu.memory_space<vmem_shared>>) offsets(%dma_start3A_309 : memref<128xi32, #tpu.memory_space<vmem>>) semaphore(%dma_start3A_313 : memref<!tpu.dma_semaphore, #tpu.memory_space<semaphore_mem>>) {add = true}
      %gt3A_314 = arith.constant 0 : i32
      %gt3A_315 = arith.cmpi sgt, %add3A_189, %gt3A_314 : i32
      %convert_element_type3A_316 = arith.extui %gt3A_315 : i1 to i32
      %cond3A_317 = arith.constant 0 : i32
      %cond3A_318 = arith.cmpi ne, %convert_element_type3A_316, %cond3A_317 : i32
      scf.if %cond3A_318 {
        %sub3A = arith.constant 2 : i32
        %sub3A_738 = arith.subi %add3A_193, %sub3A : i32
        %dma_wait3A_739 = arith.constant 2 : i32
        %dma_wait3A_740 = arith.constant 2 : i32
        %dma_wait3A_741 = arith.constant 0 : i32
        %dma_wait3A_742 = arith.constant 0 : i32
        %dma_wait3A_743 = tpu.memref_slice %arg15[%dma_wait3A_739, %dma_wait3A_741, %dma_wait3A_742] : memref<4x128x64xf32, #tpu.memory_space<vmem>> -> memref<1x128x64xf32, #tpu.memory_space<vmem>>
        %dma_wait3A_744 = tpu.memref_squeeze %dma_wait3A_743 : memref<1x128x64xf32, #tpu.memory_space<vmem>> -> memref<128x64xf32, #tpu.memory_space<vmem>>
        %dma_wait3A_745 = arith.constant 0 : i32
        %dma_wait3A_746 = tpu.memref_slice %arg14[%sub3A_738, %dma_wait3A_745] : memref<80x128xi32, #tpu.memory_space<vmem>> -> memref<1x128xi32, #tpu.memory_space<vmem>>
        %dma_wait3A_747 = tpu.memref_squeeze %dma_wait3A_746 : memref<1x128xi32, #tpu.memory_space<vmem>> -> memref<128xi32, #tpu.memory_space<vmem>>
        %dma_wait3A_748 = arith.constant 0 : i32
        %dma_wait3A_749 = arith.constant 0 : i32
        %dma_wait3A_750 = tpu.memref_slice %arg9[%dma_wait3A_748, %dma_wait3A_749] : memref<10240x64xf32, #tpu.memory_space<vmem_shared>> -> memref<10240x64xf32, #tpu.memory_space<vmem_shared>>
        %dma_wait3A_751 = tpu.memref_slice %arg22[%dma_wait3A_740] : memref<4x!tpu.dma_semaphore, #tpu.memory_space<semaphore_mem>> -> memref<1x!tpu.dma_semaphore, #tpu.memory_space<semaphore_mem>>
        %dma_wait3A_752 = tpu.memref_squeeze %dma_wait3A_751 : memref<1x!tpu.dma_semaphore, #tpu.memory_space<semaphore_mem>> -> memref<!tpu.dma_semaphore, #tpu.memory_space<semaphore_mem>>
        tpu.wait_indirect_dma semaphore(%dma_wait3A_752 : memref<!tpu.dma_semaphore, #tpu.memory_space<semaphore_mem>>) src(%dma_wait3A_744 : memref<128x64xf32, #tpu.memory_space<vmem>>) dst(%dma_wait3A_750 : memref<10240x64xf32, #tpu.memory_space<vmem_shared>>)
      } else {
      }
      %add3A_319 = arith.constant 2 : i32
      %add3A_320 = arith.addi %add3A_193, %add3A_319 : i32
      %lt3A = arith.constant 80 : i32
      %lt3A_321 = arith.cmpi slt, %add3A_320, %lt3A : i32
      %convert_element_type3A_322 = arith.extui %lt3A_321 : i1 to i32
      %cond3A_323 = arith.constant 0 : i32
      %cond3A_324 = arith.cmpi ne, %convert_element_type3A_322, %cond3A_323 : i32
      scf.if %cond3A_324 {
        %add3A_738 = arith.constant 2 : i32
        %add3A_739 = arith.addi %add3A_193, %add3A_738 : i32
        %dma_start3A_740 = arith.constant 2 : i32
        %dma_start3A_741 = arith.constant 2 : i32
        %dma_start3A_742 = arith.constant 0 : i32
        %dma_start3A_743 = arith.constant 0 : i32
        %dma_start3A_744 = tpu.memref_slice %arg15[%dma_start3A_740, %dma_start3A_742, %dma_start3A_743] : memref<4x128x64xf32, #tpu.memory_space<vmem>> -> memref<1x128x64xf32, #tpu.memory_space<vmem>>
        %dma_start3A_745 = tpu.memref_squeeze %dma_start3A_744 : memref<1x128x64xf32, #tpu.memory_space<vmem>> -> memref<128x64xf32, #tpu.memory_space<vmem>>
        %dma_start3A_746 = arith.constant 0 : i32
        %dma_start3A_747 = tpu.memref_slice %arg13[%add3A_739, %dma_start3A_746] : memref<80x128xi32, #tpu.memory_space<vmem>> -> memref<1x128xi32, #tpu.memory_space<vmem>>
        %dma_start3A_748 = tpu.memref_squeeze %dma_start3A_747 : memref<1x128xi32, #tpu.memory_space<vmem>> -> memref<128xi32, #tpu.memory_space<vmem>>
        %dma_start3A_749 = arith.constant 0 : i32
        %dma_start3A_750 = arith.constant 0 : i32
        %dma_start3A_751 = tpu.memref_slice %arg4[%dma_start3A_749, %dma_start3A_750] : memref<10240x64xf32, #tpu.memory_space<hbm>> -> memref<10240x64xf32, #tpu.memory_space<hbm>>
        %dma_start3A_752 = tpu.memref_slice %arg21[%dma_start3A_741] : memref<4x!tpu.dma_semaphore, #tpu.memory_space<semaphore_mem>> -> memref<1x!tpu.dma_semaphore, #tpu.memory_space<semaphore_mem>>
        %dma_start3A_753 = tpu.memref_squeeze %dma_start3A_752 : memref<1x!tpu.dma_semaphore, #tpu.memory_space<semaphore_mem>> -> memref<!tpu.dma_semaphore, #tpu.memory_space<semaphore_mem>>
        tpu.enqueue_indirect_dma source(%dma_start3A_751 : memref<10240x64xf32, #tpu.memory_space<hbm>>) target(%dma_start3A_745 : memref<128x64xf32, #tpu.memory_space<vmem>>) offsets(%dma_start3A_748 : memref<128xi32, #tpu.memory_space<vmem>>) semaphore(%dma_start3A_753 : memref<!tpu.dma_semaphore, #tpu.memory_space<semaphore_mem>>)
      } else {
      }
      %mul3A_325 = arith.constant 4 : i32
      %mul3A_326 = arith.muli %add3A_189, %mul3A_325 : i32
      %add3A_327 = arith.constant 1 : i32
      %add3A_328 = arith.addi %mul3A_326, %add3A_327 : i32
      %dma_wait3A_329 = arith.constant 1 : i32
      %dma_wait3A_330 = arith.constant 1 : i32
      %dma_wait3A_331 = arith.constant 0 : i32
      %dma_wait3A_332 = arith.constant 0 : i32
      %dma_wait3A_333 = tpu.memref_slice %arg15[%dma_wait3A_329, %dma_wait3A_331, %dma_wait3A_332] : memref<4x128x64xf32, #tpu.memory_space<vmem>> -> memref<1x128x64xf32, #tpu.memory_space<vmem>>
      %dma_wait3A_334 = tpu.memref_squeeze %dma_wait3A_333 : memref<1x128x64xf32, #tpu.memory_space<vmem>> -> memref<128x64xf32, #tpu.memory_space<vmem>>
      %dma_wait3A_335 = arith.constant 0 : i32
      %dma_wait3A_336 = tpu.memref_slice %arg13[%add3A_328, %dma_wait3A_335] : memref<80x128xi32, #tpu.memory_space<vmem>> -> memref<1x128xi32, #tpu.memory_space<vmem>>
      %dma_wait3A_337 = tpu.memref_squeeze %dma_wait3A_336 : memref<1x128xi32, #tpu.memory_space<vmem>> -> memref<128xi32, #tpu.memory_space<vmem>>
      %dma_wait3A_338 = arith.constant 0 : i32
      %dma_wait3A_339 = arith.constant 0 : i32
      %dma_wait3A_340 = tpu.memref_slice %arg4[%dma_wait3A_338, %dma_wait3A_339] : memref<10240x64xf32, #tpu.memory_space<hbm>> -> memref<10240x64xf32, #tpu.memory_space<hbm>>
      %dma_wait3A_341 = tpu.memref_slice %arg21[%dma_wait3A_330] : memref<4x!tpu.dma_semaphore, #tpu.memory_space<semaphore_mem>> -> memref<1x!tpu.dma_semaphore, #tpu.memory_space<semaphore_mem>>
      %dma_wait3A_342 = tpu.memref_squeeze %dma_wait3A_341 : memref<1x!tpu.dma_semaphore, #tpu.memory_space<semaphore_mem>> -> memref<!tpu.dma_semaphore, #tpu.memory_space<semaphore_mem>>
      tpu.wait_indirect_dma semaphore(%dma_wait3A_342 : memref<!tpu.dma_semaphore, #tpu.memory_space<semaphore_mem>>) src(%dma_wait3A_340 : memref<10240x64xf32, #tpu.memory_space<hbm>>) dst(%dma_wait3A_334 : memref<128x64xf32, #tpu.memory_space<vmem>>)
      %dma_start3A_343 = arith.constant 1 : i32
      %dma_start3A_344 = arith.constant 1 : i32
      %dma_start3A_345 = arith.constant 0 : i32
      %dma_start3A_346 = arith.constant 0 : i32
      %dma_start3A_347 = tpu.memref_slice %arg15[%dma_start3A_343, %dma_start3A_345, %dma_start3A_346] : memref<4x128x64xf32, #tpu.memory_space<vmem>> -> memref<1x128x64xf32, #tpu.memory_space<vmem>>
      %dma_start3A_348 = tpu.memref_squeeze %dma_start3A_347 : memref<1x128x64xf32, #tpu.memory_space<vmem>> -> memref<128x64xf32, #tpu.memory_space<vmem>>
      %dma_start3A_349 = arith.constant 0 : i32
      %dma_start3A_350 = tpu.memref_slice %arg14[%add3A_328, %dma_start3A_349] : memref<80x128xi32, #tpu.memory_space<vmem>> -> memref<1x128xi32, #tpu.memory_space<vmem>>
      %dma_start3A_351 = tpu.memref_squeeze %dma_start3A_350 : memref<1x128xi32, #tpu.memory_space<vmem>> -> memref<128xi32, #tpu.memory_space<vmem>>
      %dma_start3A_352 = arith.constant 0 : i32
      %dma_start3A_353 = arith.constant 0 : i32
      %dma_start3A_354 = tpu.memref_slice %arg9[%dma_start3A_352, %dma_start3A_353] : memref<10240x64xf32, #tpu.memory_space<vmem_shared>> -> memref<10240x64xf32, #tpu.memory_space<vmem_shared>>
      %dma_start3A_355 = tpu.memref_slice %arg22[%dma_start3A_344] : memref<4x!tpu.dma_semaphore, #tpu.memory_space<semaphore_mem>> -> memref<1x!tpu.dma_semaphore, #tpu.memory_space<semaphore_mem>>
      %dma_start3A_356 = tpu.memref_squeeze %dma_start3A_355 : memref<1x!tpu.dma_semaphore, #tpu.memory_space<semaphore_mem>> -> memref<!tpu.dma_semaphore, #tpu.memory_space<semaphore_mem>>
      tpu.enqueue_indirect_dma source(%dma_start3A_348 : memref<128x64xf32, #tpu.memory_space<vmem>>) target(%dma_start3A_354 : memref<10240x64xf32, #tpu.memory_space<vmem_shared>>) offsets(%dma_start3A_351 : memref<128xi32, #tpu.memory_space<vmem>>) semaphore(%dma_start3A_356 : memref<!tpu.dma_semaphore, #tpu.memory_space<semaphore_mem>>) {add = true}
      %gt3A_357 = arith.constant 0 : i32
      %gt3A_358 = arith.cmpi sgt, %add3A_189, %gt3A_357 : i32
      %convert_element_type3A_359 = arith.extui %gt3A_358 : i1 to i32
      %cond3A_360 = arith.constant 0 : i32
      %cond3A_361 = arith.cmpi ne, %convert_element_type3A_359, %cond3A_360 : i32
      scf.if %cond3A_361 {
        %sub3A = arith.constant 4 : i32
        %sub3A_738 = arith.subi %add3A_328, %sub3A : i32
        %dma_wait3A_739 = arith.constant 1 : i32
        %dma_wait3A_740 = arith.constant 1 : i32
        %dma_wait3A_741 = arith.constant 0 : i32
        %dma_wait3A_742 = tpu.memref_slice %arg16[%dma_wait3A_739, %dma_wait3A_741] : memref<4x128xf32, #tpu.memory_space<vmem>> -> memref<1x128xf32, #tpu.memory_space<vmem>>
        %dma_wait3A_743 = tpu.memref_squeeze %dma_wait3A_742 : memref<1x128xf32, #tpu.memory_space<vmem>> -> memref<128xf32, #tpu.memory_space<vmem>>
        %dma_wait3A_744 = arith.constant 0 : i32
        %dma_wait3A_745 = tpu.memref_slice %arg13[%sub3A_738, %dma_wait3A_744] : memref<80x128xi32, #tpu.memory_space<vmem>> -> memref<1x128xi32, #tpu.memory_space<vmem>>
        %dma_wait3A_746 = tpu.memref_squeeze %dma_wait3A_745 : memref<1x128xi32, #tpu.memory_space<vmem>> -> memref<128xi32, #tpu.memory_space<vmem>>
        %dma_wait3A_747 = arith.constant 0 : i32
        %dma_wait3A_748 = tpu.memref_slice %arg10[%dma_wait3A_747] : memref<10240xf32, #tpu.memory_space<vmem_shared>> -> memref<10240xf32, #tpu.memory_space<vmem_shared>>
        %dma_wait3A_749 = tpu.memref_slice %arg23[%dma_wait3A_740] : memref<4x!tpu.dma_semaphore, #tpu.memory_space<semaphore_mem>> -> memref<1x!tpu.dma_semaphore, #tpu.memory_space<semaphore_mem>>
        %dma_wait3A_750 = tpu.memref_squeeze %dma_wait3A_749 : memref<1x!tpu.dma_semaphore, #tpu.memory_space<semaphore_mem>> -> memref<!tpu.dma_semaphore, #tpu.memory_space<semaphore_mem>>
        tpu.wait_indirect_dma semaphore(%dma_wait3A_750 : memref<!tpu.dma_semaphore, #tpu.memory_space<semaphore_mem>>) src(%dma_wait3A_743 : memref<128xf32, #tpu.memory_space<vmem>>) dst(%dma_wait3A_748 : memref<10240xf32, #tpu.memory_space<vmem_shared>>)
      } else {
      }
      %get3A_362 = arith.constant 0 : i32
      %get3A_363 = tpu.memref_slice %arg14[%add3A_328, %get3A_362] : memref<80x128xi32, #tpu.memory_space<vmem>> -> memref<1x128xi32, #tpu.memory_space<vmem>>
      %get3A_364 = tpu.memref_squeeze %get3A_363 : memref<1x128xi32, #tpu.memory_space<vmem>> -> memref<128xi32, #tpu.memory_space<vmem>>
      %get3A_365 = arith.constant 0 : index
      %get3A_366 = tpu.vector_load %get3A_364[%get3A_365] {strides = array<i32>} : memref<128xi32, #tpu.memory_space<vmem>>, vector<16xi32>,
      %gather3A_367 = tpu.vector_load_idx %arg12[%get3A_366] : memref<10240xf32, #tpu.memory_space<vmem>>[vector<16xi32>], vector<16xf32>,
      %swap3A_368 = arith.constant 1 : i32
      %swap3A_369 = arith.index_cast %swap3A_368 : i32 to index
      %swap3A_370 = arith.constant 0 : index
      %swap3A_371 = tpu.vector_load %arg16[%swap3A_369, %swap3A_370] {strides = array<i32>} : memref<4x128xf32, #tpu.memory_space<vmem>>, vector<16xf32>,
      tpu.vector_store %arg16[%swap3A_369, %swap3A_370], %gather3A_367 {strides = array<i32>} : memref<4x128xf32, #tpu.memory_space<vmem>>, vector<16xf32>,
      %get3A_372 = arith.constant 0 : i32
      %get3A_373 = tpu.memref_slice %arg14[%add3A_328, %get3A_372] : memref<80x128xi32, #tpu.memory_space<vmem>> -> memref<1x128xi32, #tpu.memory_space<vmem>>
      %get3A_374 = tpu.memref_squeeze %get3A_373 : memref<1x128xi32, #tpu.memory_space<vmem>> -> memref<128xi32, #tpu.memory_space<vmem>>
      %get3A_375 = arith.constant 16 : index
      %get3A_376 = tpu.vector_load %get3A_374[%get3A_375] {strides = array<i32>} : memref<128xi32, #tpu.memory_space<vmem>>, vector<16xi32>,
      %gather3A_377 = tpu.vector_load_idx %arg12[%get3A_376] : memref<10240xf32, #tpu.memory_space<vmem>>[vector<16xi32>], vector<16xf32>,
      %swap3A_378 = arith.constant 1 : i32
      %swap3A_379 = arith.index_cast %swap3A_378 : i32 to index
      %swap3A_380 = arith.constant 16 : index
      %swap3A_381 = tpu.vector_load %arg16[%swap3A_379, %swap3A_380] {strides = array<i32>} : memref<4x128xf32, #tpu.memory_space<vmem>>, vector<16xf32>,
      tpu.vector_store %arg16[%swap3A_379, %swap3A_380], %gather3A_377 {strides = array<i32>} : memref<4x128xf32, #tpu.memory_space<vmem>>, vector<16xf32>,
      %get3A_382 = arith.constant 0 : i32
      %get3A_383 = tpu.memref_slice %arg14[%add3A_328, %get3A_382] : memref<80x128xi32, #tpu.memory_space<vmem>> -> memref<1x128xi32, #tpu.memory_space<vmem>>
      %get3A_384 = tpu.memref_squeeze %get3A_383 : memref<1x128xi32, #tpu.memory_space<vmem>> -> memref<128xi32, #tpu.memory_space<vmem>>
      %get3A_385 = arith.constant 32 : index
      %get3A_386 = tpu.vector_load %get3A_384[%get3A_385] {strides = array<i32>} : memref<128xi32, #tpu.memory_space<vmem>>, vector<16xi32>,
      %gather3A_387 = tpu.vector_load_idx %arg12[%get3A_386] : memref<10240xf32, #tpu.memory_space<vmem>>[vector<16xi32>], vector<16xf32>,
      %swap3A_388 = arith.constant 1 : i32
      %swap3A_389 = arith.index_cast %swap3A_388 : i32 to index
      %swap3A_390 = arith.constant 32 : index
      %swap3A_391 = tpu.vector_load %arg16[%swap3A_389, %swap3A_390] {strides = array<i32>} : memref<4x128xf32, #tpu.memory_space<vmem>>, vector<16xf32>,
      tpu.vector_store %arg16[%swap3A_389, %swap3A_390], %gather3A_387 {strides = array<i32>} : memref<4x128xf32, #tpu.memory_space<vmem>>, vector<16xf32>,
      %get3A_392 = arith.constant 0 : i32
      %get3A_393 = tpu.memref_slice %arg14[%add3A_328, %get3A_392] : memref<80x128xi32, #tpu.memory_space<vmem>> -> memref<1x128xi32, #tpu.memory_space<vmem>>
      %get3A_394 = tpu.memref_squeeze %get3A_393 : memref<1x128xi32, #tpu.memory_space<vmem>> -> memref<128xi32, #tpu.memory_space<vmem>>
      %get3A_395 = arith.constant 48 : index
      %get3A_396 = tpu.vector_load %get3A_394[%get3A_395] {strides = array<i32>} : memref<128xi32, #tpu.memory_space<vmem>>, vector<16xi32>,
      %gather3A_397 = tpu.vector_load_idx %arg12[%get3A_396] : memref<10240xf32, #tpu.memory_space<vmem>>[vector<16xi32>], vector<16xf32>,
      %swap3A_398 = arith.constant 1 : i32
      %swap3A_399 = arith.index_cast %swap3A_398 : i32 to index
      %swap3A_400 = arith.constant 48 : index
      %swap3A_401 = tpu.vector_load %arg16[%swap3A_399, %swap3A_400] {strides = array<i32>} : memref<4x128xf32, #tpu.memory_space<vmem>>, vector<16xf32>,
      tpu.vector_store %arg16[%swap3A_399, %swap3A_400], %gather3A_397 {strides = array<i32>} : memref<4x128xf32, #tpu.memory_space<vmem>>, vector<16xf32>,
      %get3A_402 = arith.constant 0 : i32
      %get3A_403 = tpu.memref_slice %arg14[%add3A_328, %get3A_402] : memref<80x128xi32, #tpu.memory_space<vmem>> -> memref<1x128xi32, #tpu.memory_space<vmem>>
      %get3A_404 = tpu.memref_squeeze %get3A_403 : memref<1x128xi32, #tpu.memory_space<vmem>> -> memref<128xi32, #tpu.memory_space<vmem>>
      %get3A_405 = arith.constant 64 : index
      %get3A_406 = tpu.vector_load %get3A_404[%get3A_405] {strides = array<i32>} : memref<128xi32, #tpu.memory_space<vmem>>, vector<16xi32>,
      %gather3A_407 = tpu.vector_load_idx %arg12[%get3A_406] : memref<10240xf32, #tpu.memory_space<vmem>>[vector<16xi32>], vector<16xf32>,
      %swap3A_408 = arith.constant 1 : i32
      %swap3A_409 = arith.index_cast %swap3A_408 : i32 to index
      %swap3A_410 = arith.constant 64 : index
      %swap3A_411 = tpu.vector_load %arg16[%swap3A_409, %swap3A_410] {strides = array<i32>} : memref<4x128xf32, #tpu.memory_space<vmem>>, vector<16xf32>,
      tpu.vector_store %arg16[%swap3A_409, %swap3A_410], %gather3A_407 {strides = array<i32>} : memref<4x128xf32, #tpu.memory_space<vmem>>, vector<16xf32>,
      %get3A_412 = arith.constant 0 : i32
      %get3A_413 = tpu.memref_slice %arg14[%add3A_328, %get3A_412] : memref<80x128xi32, #tpu.memory_space<vmem>> -> memref<1x128xi32, #tpu.memory_space<vmem>>
      %get3A_414 = tpu.memref_squeeze %get3A_413 : memref<1x128xi32, #tpu.memory_space<vmem>> -> memref<128xi32, #tpu.memory_space<vmem>>
      %get3A_415 = arith.constant 80 : index
      %get3A_416 = tpu.vector_load %get3A_414[%get3A_415] {strides = array<i32>} : memref<128xi32, #tpu.memory_space<vmem>>, vector<16xi32>,
      %gather3A_417 = tpu.vector_load_idx %arg12[%get3A_416] : memref<10240xf32, #tpu.memory_space<vmem>>[vector<16xi32>], vector<16xf32>,
      %swap3A_418 = arith.constant 1 : i32
      %swap3A_419 = arith.index_cast %swap3A_418 : i32 to index
      %swap3A_420 = arith.constant 80 : index
      %swap3A_421 = tpu.vector_load %arg16[%swap3A_419, %swap3A_420] {strides = array<i32>} : memref<4x128xf32, #tpu.memory_space<vmem>>, vector<16xf32>,
      tpu.vector_store %arg16[%swap3A_419, %swap3A_420], %gather3A_417 {strides = array<i32>} : memref<4x128xf32, #tpu.memory_space<vmem>>, vector<16xf32>,
      %get3A_422 = arith.constant 0 : i32
      %get3A_423 = tpu.memref_slice %arg14[%add3A_328, %get3A_422] : memref<80x128xi32, #tpu.memory_space<vmem>> -> memref<1x128xi32, #tpu.memory_space<vmem>>
      %get3A_424 = tpu.memref_squeeze %get3A_423 : memref<1x128xi32, #tpu.memory_space<vmem>> -> memref<128xi32, #tpu.memory_space<vmem>>
      %get3A_425 = arith.constant 96 : index
      %get3A_426 = tpu.vector_load %get3A_424[%get3A_425] {strides = array<i32>} : memref<128xi32, #tpu.memory_space<vmem>>, vector<16xi32>,
      %gather3A_427 = tpu.vector_load_idx %arg12[%get3A_426] : memref<10240xf32, #tpu.memory_space<vmem>>[vector<16xi32>], vector<16xf32>,
      %swap3A_428 = arith.constant 1 : i32
      %swap3A_429 = arith.index_cast %swap3A_428 : i32 to index
      %swap3A_430 = arith.constant 96 : index
      %swap3A_431 = tpu.vector_load %arg16[%swap3A_429, %swap3A_430] {strides = array<i32>} : memref<4x128xf32, #tpu.memory_space<vmem>>, vector<16xf32>,
      tpu.vector_store %arg16[%swap3A_429, %swap3A_430], %gather3A_427 {strides = array<i32>} : memref<4x128xf32, #tpu.memory_space<vmem>>, vector<16xf32>,
      %get3A_432 = arith.constant 0 : i32
      %get3A_433 = tpu.memref_slice %arg14[%add3A_328, %get3A_432] : memref<80x128xi32, #tpu.memory_space<vmem>> -> memref<1x128xi32, #tpu.memory_space<vmem>>
      %get3A_434 = tpu.memref_squeeze %get3A_433 : memref<1x128xi32, #tpu.memory_space<vmem>> -> memref<128xi32, #tpu.memory_space<vmem>>
      %get3A_435 = arith.constant 112 : index
      %get3A_436 = tpu.vector_load %get3A_434[%get3A_435] {strides = array<i32>} : memref<128xi32, #tpu.memory_space<vmem>>, vector<16xi32>,
      %gather3A_437 = tpu.vector_load_idx %arg12[%get3A_436] : memref<10240xf32, #tpu.memory_space<vmem>>[vector<16xi32>], vector<16xf32>,
      %swap3A_438 = arith.constant 1 : i32
      %swap3A_439 = arith.index_cast %swap3A_438 : i32 to index
      %swap3A_440 = arith.constant 112 : index
      %swap3A_441 = tpu.vector_load %arg16[%swap3A_439, %swap3A_440] {strides = array<i32>} : memref<4x128xf32, #tpu.memory_space<vmem>>, vector<16xf32>,
      tpu.vector_store %arg16[%swap3A_439, %swap3A_440], %gather3A_437 {strides = array<i32>} : memref<4x128xf32, #tpu.memory_space<vmem>>, vector<16xf32>,
      %dma_start3A_442 = arith.constant 1 : i32
      %dma_start3A_443 = arith.constant 1 : i32
      %dma_start3A_444 = arith.constant 0 : i32
      %dma_start3A_445 = tpu.memref_slice %arg16[%dma_start3A_442, %dma_start3A_444] : memref<4x128xf32, #tpu.memory_space<vmem>> -> memref<1x128xf32, #tpu.memory_space<vmem>>
      %dma_start3A_446 = tpu.memref_squeeze %dma_start3A_445 : memref<1x128xf32, #tpu.memory_space<vmem>> -> memref<128xf32, #tpu.memory_space<vmem>>
      %dma_start3A_447 = arith.constant 0 : i32
      %dma_start3A_448 = tpu.memref_slice %arg13[%add3A_328, %dma_start3A_447] : memref<80x128xi32, #tpu.memory_space<vmem>> -> memref<1x128xi32, #tpu.memory_space<vmem>>
      %dma_start3A_449 = tpu.memref_squeeze %dma_start3A_448 : memref<1x128xi32, #tpu.memory_space<vmem>> -> memref<128xi32, #tpu.memory_space<vmem>>
      %dma_start3A_450 = arith.constant 0 : i32
      %dma_start3A_451 = tpu.memref_slice %arg10[%dma_start3A_450] : memref<10240xf32, #tpu.memory_space<vmem_shared>> -> memref<10240xf32, #tpu.memory_space<vmem_shared>>
      %dma_start3A_452 = tpu.memref_slice %arg23[%dma_start3A_443] : memref<4x!tpu.dma_semaphore, #tpu.memory_space<semaphore_mem>> -> memref<1x!tpu.dma_semaphore, #tpu.memory_space<semaphore_mem>>
      %dma_start3A_453 = tpu.memref_squeeze %dma_start3A_452 : memref<1x!tpu.dma_semaphore, #tpu.memory_space<semaphore_mem>> -> memref<!tpu.dma_semaphore, #tpu.memory_space<semaphore_mem>>
      tpu.enqueue_indirect_dma source(%dma_start3A_446 : memref<128xf32, #tpu.memory_space<vmem>>) target(%dma_start3A_451 : memref<10240xf32, #tpu.memory_space<vmem_shared>>) offsets(%dma_start3A_449 : memref<128xi32, #tpu.memory_space<vmem>>) semaphore(%dma_start3A_453 : memref<!tpu.dma_semaphore, #tpu.memory_space<semaphore_mem>>) {add = true}
      %gt3A_454 = arith.constant 0 : i32
      %gt3A_455 = arith.cmpi sgt, %add3A_189, %gt3A_454 : i32
      %convert_element_type3A_456 = arith.extui %gt3A_455 : i1 to i32
      %cond3A_457 = arith.constant 0 : i32
      %cond3A_458 = arith.cmpi ne, %convert_element_type3A_456, %cond3A_457 : i32
      scf.if %cond3A_458 {
        %sub3A = arith.constant 2 : i32
        %sub3A_738 = arith.subi %add3A_328, %sub3A : i32
        %dma_wait3A_739 = arith.constant 3 : i32
        %dma_wait3A_740 = arith.constant 3 : i32
        %dma_wait3A_741 = arith.constant 0 : i32
        %dma_wait3A_742 = arith.constant 0 : i32
        %dma_wait3A_743 = tpu.memref_slice %arg15[%dma_wait3A_739, %dma_wait3A_741, %dma_wait3A_742] : memref<4x128x64xf32, #tpu.memory_space<vmem>> -> memref<1x128x64xf32, #tpu.memory_space<vmem>>
        %dma_wait3A_744 = tpu.memref_squeeze %dma_wait3A_743 : memref<1x128x64xf32, #tpu.memory_space<vmem>> -> memref<128x64xf32, #tpu.memory_space<vmem>>
        %dma_wait3A_745 = arith.constant 0 : i32
        %dma_wait3A_746 = tpu.memref_slice %arg14[%sub3A_738, %dma_wait3A_745] : memref<80x128xi32, #tpu.memory_space<vmem>> -> memref<1x128xi32, #tpu.memory_space<vmem>>
        %dma_wait3A_747 = tpu.memref_squeeze %dma_wait3A_746 : memref<1x128xi32, #tpu.memory_space<vmem>> -> memref<128xi32, #tpu.memory_space<vmem>>
        %dma_wait3A_748 = arith.constant 0 : i32
        %dma_wait3A_749 = arith.constant 0 : i32
        %dma_wait3A_750 = tpu.memref_slice %arg9[%dma_wait3A_748, %dma_wait3A_749] : memref<10240x64xf32, #tpu.memory_space<vmem_shared>> -> memref<10240x64xf32, #tpu.memory_space<vmem_shared>>
        %dma_wait3A_751 = tpu.memref_slice %arg22[%dma_wait3A_740] : memref<4x!tpu.dma_semaphore, #tpu.memory_space<semaphore_mem>> -> memref<1x!tpu.dma_semaphore, #tpu.memory_space<semaphore_mem>>
        %dma_wait3A_752 = tpu.memref_squeeze %dma_wait3A_751 : memref<1x!tpu.dma_semaphore, #tpu.memory_space<semaphore_mem>> -> memref<!tpu.dma_semaphore, #tpu.memory_space<semaphore_mem>>
        tpu.wait_indirect_dma semaphore(%dma_wait3A_752 : memref<!tpu.dma_semaphore, #tpu.memory_space<semaphore_mem>>) src(%dma_wait3A_744 : memref<128x64xf32, #tpu.memory_space<vmem>>) dst(%dma_wait3A_750 : memref<10240x64xf32, #tpu.memory_space<vmem_shared>>)
      } else {
      }
      %add3A_459 = arith.constant 2 : i32
      %add3A_460 = arith.addi %add3A_328, %add3A_459 : i32
      %lt3A_461 = arith.constant 80 : i32
      %lt3A_462 = arith.cmpi slt, %add3A_460, %lt3A_461 : i32
      %convert_element_type3A_463 = arith.extui %lt3A_462 : i1 to i32
      %cond3A_464 = arith.constant 0 : i32
      %cond3A_465 = arith.cmpi ne, %convert_element_type3A_463, %cond3A_464 : i32
      scf.if %cond3A_465 {
        %add3A_738 = arith.constant 2 : i32
        %add3A_739 = arith.addi %add3A_328, %add3A_738 : i32
        %dma_start3A_740 = arith.constant 3 : i32
        %dma_start3A_741 = arith.constant 3 : i32
        %dma_start3A_742 = arith.constant 0 : i32
        %dma_start3A_743 = arith.constant 0 : i32
        %dma_start3A_744 = tpu.memref_slice %arg15[%dma_start3A_740, %dma_start3A_742, %dma_start3A_743] : memref<4x128x64xf32, #tpu.memory_space<vmem>> -> memref<1x128x64xf32, #tpu.memory_space<vmem>>
        %dma_start3A_745 = tpu.memref_squeeze %dma_start3A_744 : memref<1x128x64xf32, #tpu.memory_space<vmem>> -> memref<128x64xf32, #tpu.memory_space<vmem>>
        %dma_start3A_746 = arith.constant 0 : i32
        %dma_start3A_747 = tpu.memref_slice %arg13[%add3A_739, %dma_start3A_746] : memref<80x128xi32, #tpu.memory_space<vmem>> -> memref<1x128xi32, #tpu.memory_space<vmem>>
        %dma_start3A_748 = tpu.memref_squeeze %dma_start3A_747 : memref<1x128xi32, #tpu.memory_space<vmem>> -> memref<128xi32, #tpu.memory_space<vmem>>
        %dma_start3A_749 = arith.constant 0 : i32
        %dma_start3A_750 = arith.constant 0 : i32
        %dma_start3A_751 = tpu.memref_slice %arg4[%dma_start3A_749, %dma_start3A_750] : memref<10240x64xf32, #tpu.memory_space<hbm>> -> memref<10240x64xf32, #tpu.memory_space<hbm>>
        %dma_start3A_752 = tpu.memref_slice %arg21[%dma_start3A_741] : memref<4x!tpu.dma_semaphore, #tpu.memory_space<semaphore_mem>> -> memref<1x!tpu.dma_semaphore, #tpu.memory_space<semaphore_mem>>
        %dma_start3A_753 = tpu.memref_squeeze %dma_start3A_752 : memref<1x!tpu.dma_semaphore, #tpu.memory_space<semaphore_mem>> -> memref<!tpu.dma_semaphore, #tpu.memory_space<semaphore_mem>>
        tpu.enqueue_indirect_dma source(%dma_start3A_751 : memref<10240x64xf32, #tpu.memory_space<hbm>>) target(%dma_start3A_745 : memref<128x64xf32, #tpu.memory_space<vmem>>) offsets(%dma_start3A_748 : memref<128xi32, #tpu.memory_space<vmem>>) semaphore(%dma_start3A_753 : memref<!tpu.dma_semaphore, #tpu.memory_space<semaphore_mem>>)
      } else {
      }
      %mul3A_466 = arith.constant 4 : i32
      %mul3A_467 = arith.muli %add3A_189, %mul3A_466 : i32
      %add3A_468 = arith.constant 2 : i32
      %add3A_469 = arith.addi %mul3A_467, %add3A_468 : i32
      %dma_wait3A_470 = arith.constant 2 : i32
      %dma_wait3A_471 = arith.constant 2 : i32
      %dma_wait3A_472 = arith.constant 0 : i32
      %dma_wait3A_473 = arith.constant 0 : i32
      %dma_wait3A_474 = tpu.memref_slice %arg15[%dma_wait3A_470, %dma_wait3A_472, %dma_wait3A_473] : memref<4x128x64xf32, #tpu.memory_space<vmem>> -> memref<1x128x64xf32, #tpu.memory_space<vmem>>
      %dma_wait3A_475 = tpu.memref_squeeze %dma_wait3A_474 : memref<1x128x64xf32, #tpu.memory_space<vmem>> -> memref<128x64xf32, #tpu.memory_space<vmem>>
      %dma_wait3A_476 = arith.constant 0 : i32
      %dma_wait3A_477 = tpu.memref_slice %arg13[%add3A_469, %dma_wait3A_476] : memref<80x128xi32, #tpu.memory_space<vmem>> -> memref<1x128xi32, #tpu.memory_space<vmem>>
      %dma_wait3A_478 = tpu.memref_squeeze %dma_wait3A_477 : memref<1x128xi32, #tpu.memory_space<vmem>> -> memref<128xi32, #tpu.memory_space<vmem>>
      %dma_wait3A_479 = arith.constant 0 : i32
      %dma_wait3A_480 = arith.constant 0 : i32
      %dma_wait3A_481 = tpu.memref_slice %arg4[%dma_wait3A_479, %dma_wait3A_480] : memref<10240x64xf32, #tpu.memory_space<hbm>> -> memref<10240x64xf32, #tpu.memory_space<hbm>>
      %dma_wait3A_482 = tpu.memref_slice %arg21[%dma_wait3A_471] : memref<4x!tpu.dma_semaphore, #tpu.memory_space<semaphore_mem>> -> memref<1x!tpu.dma_semaphore, #tpu.memory_space<semaphore_mem>>
      %dma_wait3A_483 = tpu.memref_squeeze %dma_wait3A_482 : memref<1x!tpu.dma_semaphore, #tpu.memory_space<semaphore_mem>> -> memref<!tpu.dma_semaphore, #tpu.memory_space<semaphore_mem>>
      tpu.wait_indirect_dma semaphore(%dma_wait3A_483 : memref<!tpu.dma_semaphore, #tpu.memory_space<semaphore_mem>>) src(%dma_wait3A_481 : memref<10240x64xf32, #tpu.memory_space<hbm>>) dst(%dma_wait3A_475 : memref<128x64xf32, #tpu.memory_space<vmem>>)
      %dma_start3A_484 = arith.constant 2 : i32
      %dma_start3A_485 = arith.constant 2 : i32
      %dma_start3A_486 = arith.constant 0 : i32
      %dma_start3A_487 = arith.constant 0 : i32
      %dma_start3A_488 = tpu.memref_slice %arg15[%dma_start3A_484, %dma_start3A_486, %dma_start3A_487] : memref<4x128x64xf32, #tpu.memory_space<vmem>> -> memref<1x128x64xf32, #tpu.memory_space<vmem>>
      %dma_start3A_489 = tpu.memref_squeeze %dma_start3A_488 : memref<1x128x64xf32, #tpu.memory_space<vmem>> -> memref<128x64xf32, #tpu.memory_space<vmem>>
      %dma_start3A_490 = arith.constant 0 : i32
      %dma_start3A_491 = tpu.memref_slice %arg14[%add3A_469, %dma_start3A_490] : memref<80x128xi32, #tpu.memory_space<vmem>> -> memref<1x128xi32, #tpu.memory_space<vmem>>
      %dma_start3A_492 = tpu.memref_squeeze %dma_start3A_491 : memref<1x128xi32, #tpu.memory_space<vmem>> -> memref<128xi32, #tpu.memory_space<vmem>>
      %dma_start3A_493 = arith.constant 0 : i32
      %dma_start3A_494 = arith.constant 0 : i32
      %dma_start3A_495 = tpu.memref_slice %arg9[%dma_start3A_493, %dma_start3A_494] : memref<10240x64xf32, #tpu.memory_space<vmem_shared>> -> memref<10240x64xf32, #tpu.memory_space<vmem_shared>>
      %dma_start3A_496 = tpu.memref_slice %arg22[%dma_start3A_485] : memref<4x!tpu.dma_semaphore, #tpu.memory_space<semaphore_mem>> -> memref<1x!tpu.dma_semaphore, #tpu.memory_space<semaphore_mem>>
      %dma_start3A_497 = tpu.memref_squeeze %dma_start3A_496 : memref<1x!tpu.dma_semaphore, #tpu.memory_space<semaphore_mem>> -> memref<!tpu.dma_semaphore, #tpu.memory_space<semaphore_mem>>
      tpu.enqueue_indirect_dma source(%dma_start3A_489 : memref<128x64xf32, #tpu.memory_space<vmem>>) target(%dma_start3A_495 : memref<10240x64xf32, #tpu.memory_space<vmem_shared>>) offsets(%dma_start3A_492 : memref<128xi32, #tpu.memory_space<vmem>>) semaphore(%dma_start3A_497 : memref<!tpu.dma_semaphore, #tpu.memory_space<semaphore_mem>>) {add = true}
      %gt3A_498 = arith.constant 0 : i32
      %gt3A_499 = arith.cmpi sgt, %add3A_189, %gt3A_498 : i32
      %convert_element_type3A_500 = arith.extui %gt3A_499 : i1 to i32
      %cond3A_501 = arith.constant 0 : i32
      %cond3A_502 = arith.cmpi ne, %convert_element_type3A_500, %cond3A_501 : i32
      scf.if %cond3A_502 {
        %sub3A = arith.constant 4 : i32
        %sub3A_738 = arith.subi %add3A_469, %sub3A : i32
        %dma_wait3A_739 = arith.constant 2 : i32
        %dma_wait3A_740 = arith.constant 2 : i32
        %dma_wait3A_741 = arith.constant 0 : i32
        %dma_wait3A_742 = tpu.memref_slice %arg16[%dma_wait3A_739, %dma_wait3A_741] : memref<4x128xf32, #tpu.memory_space<vmem>> -> memref<1x128xf32, #tpu.memory_space<vmem>>
        %dma_wait3A_743 = tpu.memref_squeeze %dma_wait3A_742 : memref<1x128xf32, #tpu.memory_space<vmem>> -> memref<128xf32, #tpu.memory_space<vmem>>
        %dma_wait3A_744 = arith.constant 0 : i32
        %dma_wait3A_745 = tpu.memref_slice %arg13[%sub3A_738, %dma_wait3A_744] : memref<80x128xi32, #tpu.memory_space<vmem>> -> memref<1x128xi32, #tpu.memory_space<vmem>>
        %dma_wait3A_746 = tpu.memref_squeeze %dma_wait3A_745 : memref<1x128xi32, #tpu.memory_space<vmem>> -> memref<128xi32, #tpu.memory_space<vmem>>
        %dma_wait3A_747 = arith.constant 0 : i32
        %dma_wait3A_748 = tpu.memref_slice %arg10[%dma_wait3A_747] : memref<10240xf32, #tpu.memory_space<vmem_shared>> -> memref<10240xf32, #tpu.memory_space<vmem_shared>>
        %dma_wait3A_749 = tpu.memref_slice %arg23[%dma_wait3A_740] : memref<4x!tpu.dma_semaphore, #tpu.memory_space<semaphore_mem>> -> memref<1x!tpu.dma_semaphore, #tpu.memory_space<semaphore_mem>>
        %dma_wait3A_750 = tpu.memref_squeeze %dma_wait3A_749 : memref<1x!tpu.dma_semaphore, #tpu.memory_space<semaphore_mem>> -> memref<!tpu.dma_semaphore, #tpu.memory_space<semaphore_mem>>
        tpu.wait_indirect_dma semaphore(%dma_wait3A_750 : memref<!tpu.dma_semaphore, #tpu.memory_space<semaphore_mem>>) src(%dma_wait3A_743 : memref<128xf32, #tpu.memory_space<vmem>>) dst(%dma_wait3A_748 : memref<10240xf32, #tpu.memory_space<vmem_shared>>)
      } else {
      }
      %get3A_503 = arith.constant 0 : i32
      %get3A_504 = tpu.memref_slice %arg14[%add3A_469, %get3A_503] : memref<80x128xi32, #tpu.memory_space<vmem>> -> memref<1x128xi32, #tpu.memory_space<vmem>>
      %get3A_505 = tpu.memref_squeeze %get3A_504 : memref<1x128xi32, #tpu.memory_space<vmem>> -> memref<128xi32, #tpu.memory_space<vmem>>
      %get3A_506 = arith.constant 0 : index
      %get3A_507 = tpu.vector_load %get3A_505[%get3A_506] {strides = array<i32>} : memref<128xi32, #tpu.memory_space<vmem>>, vector<16xi32>,
      %gather3A_508 = tpu.vector_load_idx %arg12[%get3A_507] : memref<10240xf32, #tpu.memory_space<vmem>>[vector<16xi32>], vector<16xf32>,
      %swap3A_509 = arith.constant 2 : i32
      %swap3A_510 = arith.index_cast %swap3A_509 : i32 to index
      %swap3A_511 = arith.constant 0 : index
      %swap3A_512 = tpu.vector_load %arg16[%swap3A_510, %swap3A_511] {strides = array<i32>} : memref<4x128xf32, #tpu.memory_space<vmem>>, vector<16xf32>,
      tpu.vector_store %arg16[%swap3A_510, %swap3A_511], %gather3A_508 {strides = array<i32>} : memref<4x128xf32, #tpu.memory_space<vmem>>, vector<16xf32>,
      %get3A_513 = arith.constant 0 : i32
      %get3A_514 = tpu.memref_slice %arg14[%add3A_469, %get3A_513] : memref<80x128xi32, #tpu.memory_space<vmem>> -> memref<1x128xi32, #tpu.memory_space<vmem>>
      %get3A_515 = tpu.memref_squeeze %get3A_514 : memref<1x128xi32, #tpu.memory_space<vmem>> -> memref<128xi32, #tpu.memory_space<vmem>>
      %get3A_516 = arith.constant 16 : index
      %get3A_517 = tpu.vector_load %get3A_515[%get3A_516] {strides = array<i32>} : memref<128xi32, #tpu.memory_space<vmem>>, vector<16xi32>,
      %gather3A_518 = tpu.vector_load_idx %arg12[%get3A_517] : memref<10240xf32, #tpu.memory_space<vmem>>[vector<16xi32>], vector<16xf32>,
      %swap3A_519 = arith.constant 2 : i32
      %swap3A_520 = arith.index_cast %swap3A_519 : i32 to index
      %swap3A_521 = arith.constant 16 : index
      %swap3A_522 = tpu.vector_load %arg16[%swap3A_520, %swap3A_521] {strides = array<i32>} : memref<4x128xf32, #tpu.memory_space<vmem>>, vector<16xf32>,
      tpu.vector_store %arg16[%swap3A_520, %swap3A_521], %gather3A_518 {strides = array<i32>} : memref<4x128xf32, #tpu.memory_space<vmem>>, vector<16xf32>,
      %get3A_523 = arith.constant 0 : i32
      %get3A_524 = tpu.memref_slice %arg14[%add3A_469, %get3A_523] : memref<80x128xi32, #tpu.memory_space<vmem>> -> memref<1x128xi32, #tpu.memory_space<vmem>>
      %get3A_525 = tpu.memref_squeeze %get3A_524 : memref<1x128xi32, #tpu.memory_space<vmem>> -> memref<128xi32, #tpu.memory_space<vmem>>
      %get3A_526 = arith.constant 32 : index
      %get3A_527 = tpu.vector_load %get3A_525[%get3A_526] {strides = array<i32>} : memref<128xi32, #tpu.memory_space<vmem>>, vector<16xi32>,
      %gather3A_528 = tpu.vector_load_idx %arg12[%get3A_527] : memref<10240xf32, #tpu.memory_space<vmem>>[vector<16xi32>], vector<16xf32>,
      %swap3A_529 = arith.constant 2 : i32
      %swap3A_530 = arith.index_cast %swap3A_529 : i32 to index
      %swap3A_531 = arith.constant 32 : index
      %swap3A_532 = tpu.vector_load %arg16[%swap3A_530, %swap3A_531] {strides = array<i32>} : memref<4x128xf32, #tpu.memory_space<vmem>>, vector<16xf32>,
      tpu.vector_store %arg16[%swap3A_530, %swap3A_531], %gather3A_528 {strides = array<i32>} : memref<4x128xf32, #tpu.memory_space<vmem>>, vector<16xf32>,
      %get3A_533 = arith.constant 0 : i32
      %get3A_534 = tpu.memref_slice %arg14[%add3A_469, %get3A_533] : memref<80x128xi32, #tpu.memory_space<vmem>> -> memref<1x128xi32, #tpu.memory_space<vmem>>
      %get3A_535 = tpu.memref_squeeze %get3A_534 : memref<1x128xi32, #tpu.memory_space<vmem>> -> memref<128xi32, #tpu.memory_space<vmem>>
      %get3A_536 = arith.constant 48 : index
      %get3A_537 = tpu.vector_load %get3A_535[%get3A_536] {strides = array<i32>} : memref<128xi32, #tpu.memory_space<vmem>>, vector<16xi32>,
      %gather3A_538 = tpu.vector_load_idx %arg12[%get3A_537] : memref<10240xf32, #tpu.memory_space<vmem>>[vector<16xi32>], vector<16xf32>,
      %swap3A_539 = arith.constant 2 : i32
      %swap3A_540 = arith.index_cast %swap3A_539 : i32 to index
      %swap3A_541 = arith.constant 48 : index
      %swap3A_542 = tpu.vector_load %arg16[%swap3A_540, %swap3A_541] {strides = array<i32>} : memref<4x128xf32, #tpu.memory_space<vmem>>, vector<16xf32>,
      tpu.vector_store %arg16[%swap3A_540, %swap3A_541], %gather3A_538 {strides = array<i32>} : memref<4x128xf32, #tpu.memory_space<vmem>>, vector<16xf32>,
      %get3A_543 = arith.constant 0 : i32
      %get3A_544 = tpu.memref_slice %arg14[%add3A_469, %get3A_543] : memref<80x128xi32, #tpu.memory_space<vmem>> -> memref<1x128xi32, #tpu.memory_space<vmem>>
      %get3A_545 = tpu.memref_squeeze %get3A_544 : memref<1x128xi32, #tpu.memory_space<vmem>> -> memref<128xi32, #tpu.memory_space<vmem>>
      %get3A_546 = arith.constant 64 : index
      %get3A_547 = tpu.vector_load %get3A_545[%get3A_546] {strides = array<i32>} : memref<128xi32, #tpu.memory_space<vmem>>, vector<16xi32>,
      %gather3A_548 = tpu.vector_load_idx %arg12[%get3A_547] : memref<10240xf32, #tpu.memory_space<vmem>>[vector<16xi32>], vector<16xf32>,
      %swap3A_549 = arith.constant 2 : i32
      %swap3A_550 = arith.index_cast %swap3A_549 : i32 to index
      %swap3A_551 = arith.constant 64 : index
      %swap3A_552 = tpu.vector_load %arg16[%swap3A_550, %swap3A_551] {strides = array<i32>} : memref<4x128xf32, #tpu.memory_space<vmem>>, vector<16xf32>,
      tpu.vector_store %arg16[%swap3A_550, %swap3A_551], %gather3A_548 {strides = array<i32>} : memref<4x128xf32, #tpu.memory_space<vmem>>, vector<16xf32>,
      %get3A_553 = arith.constant 0 : i32
      %get3A_554 = tpu.memref_slice %arg14[%add3A_469, %get3A_553] : memref<80x128xi32, #tpu.memory_space<vmem>> -> memref<1x128xi32, #tpu.memory_space<vmem>>
      %get3A_555 = tpu.memref_squeeze %get3A_554 : memref<1x128xi32, #tpu.memory_space<vmem>> -> memref<128xi32, #tpu.memory_space<vmem>>
      %get3A_556 = arith.constant 80 : index
      %get3A_557 = tpu.vector_load %get3A_555[%get3A_556] {strides = array<i32>} : memref<128xi32, #tpu.memory_space<vmem>>, vector<16xi32>,
      %gather3A_558 = tpu.vector_load_idx %arg12[%get3A_557] : memref<10240xf32, #tpu.memory_space<vmem>>[vector<16xi32>], vector<16xf32>,
      %swap3A_559 = arith.constant 2 : i32
      %swap3A_560 = arith.index_cast %swap3A_559 : i32 to index
      %swap3A_561 = arith.constant 80 : index
      %swap3A_562 = tpu.vector_load %arg16[%swap3A_560, %swap3A_561] {strides = array<i32>} : memref<4x128xf32, #tpu.memory_space<vmem>>, vector<16xf32>,
      tpu.vector_store %arg16[%swap3A_560, %swap3A_561], %gather3A_558 {strides = array<i32>} : memref<4x128xf32, #tpu.memory_space<vmem>>, vector<16xf32>,
      %get3A_563 = arith.constant 0 : i32
      %get3A_564 = tpu.memref_slice %arg14[%add3A_469, %get3A_563] : memref<80x128xi32, #tpu.memory_space<vmem>> -> memref<1x128xi32, #tpu.memory_space<vmem>>
      %get3A_565 = tpu.memref_squeeze %get3A_564 : memref<1x128xi32, #tpu.memory_space<vmem>> -> memref<128xi32, #tpu.memory_space<vmem>>
      %get3A_566 = arith.constant 96 : index
      %get3A_567 = tpu.vector_load %get3A_565[%get3A_566] {strides = array<i32>} : memref<128xi32, #tpu.memory_space<vmem>>, vector<16xi32>,
      %gather3A_568 = tpu.vector_load_idx %arg12[%get3A_567] : memref<10240xf32, #tpu.memory_space<vmem>>[vector<16xi32>], vector<16xf32>,
      %swap3A_569 = arith.constant 2 : i32
      %swap3A_570 = arith.index_cast %swap3A_569 : i32 to index
      %swap3A_571 = arith.constant 96 : index
      %swap3A_572 = tpu.vector_load %arg16[%swap3A_570, %swap3A_571] {strides = array<i32>} : memref<4x128xf32, #tpu.memory_space<vmem>>, vector<16xf32>,
      tpu.vector_store %arg16[%swap3A_570, %swap3A_571], %gather3A_568 {strides = array<i32>} : memref<4x128xf32, #tpu.memory_space<vmem>>, vector<16xf32>,
      %get3A_573 = arith.constant 0 : i32
      %get3A_574 = tpu.memref_slice %arg14[%add3A_469, %get3A_573] : memref<80x128xi32, #tpu.memory_space<vmem>> -> memref<1x128xi32, #tpu.memory_space<vmem>>
      %get3A_575 = tpu.memref_squeeze %get3A_574 : memref<1x128xi32, #tpu.memory_space<vmem>> -> memref<128xi32, #tpu.memory_space<vmem>>
      %get3A_576 = arith.constant 112 : index
      %get3A_577 = tpu.vector_load %get3A_575[%get3A_576] {strides = array<i32>} : memref<128xi32, #tpu.memory_space<vmem>>, vector<16xi32>,
      %gather3A_578 = tpu.vector_load_idx %arg12[%get3A_577] : memref<10240xf32, #tpu.memory_space<vmem>>[vector<16xi32>], vector<16xf32>,
      %swap3A_579 = arith.constant 2 : i32
      %swap3A_580 = arith.index_cast %swap3A_579 : i32 to index
      %swap3A_581 = arith.constant 112 : index
      %swap3A_582 = tpu.vector_load %arg16[%swap3A_580, %swap3A_581] {strides = array<i32>} : memref<4x128xf32, #tpu.memory_space<vmem>>, vector<16xf32>,
      tpu.vector_store %arg16[%swap3A_580, %swap3A_581], %gather3A_578 {strides = array<i32>} : memref<4x128xf32, #tpu.memory_space<vmem>>, vector<16xf32>,
      %dma_start3A_583 = arith.constant 2 : i32
      %dma_start3A_584 = arith.constant 2 : i32
      %dma_start3A_585 = arith.constant 0 : i32
      %dma_start3A_586 = tpu.memref_slice %arg16[%dma_start3A_583, %dma_start3A_585] : memref<4x128xf32, #tpu.memory_space<vmem>> -> memref<1x128xf32, #tpu.memory_space<vmem>>
      %dma_start3A_587 = tpu.memref_squeeze %dma_start3A_586 : memref<1x128xf32, #tpu.memory_space<vmem>> -> memref<128xf32, #tpu.memory_space<vmem>>
      %dma_start3A_588 = arith.constant 0 : i32
      %dma_start3A_589 = tpu.memref_slice %arg13[%add3A_469, %dma_start3A_588] : memref<80x128xi32, #tpu.memory_space<vmem>> -> memref<1x128xi32, #tpu.memory_space<vmem>>
      %dma_start3A_590 = tpu.memref_squeeze %dma_start3A_589 : memref<1x128xi32, #tpu.memory_space<vmem>> -> memref<128xi32, #tpu.memory_space<vmem>>
      %dma_start3A_591 = arith.constant 0 : i32
      %dma_start3A_592 = tpu.memref_slice %arg10[%dma_start3A_591] : memref<10240xf32, #tpu.memory_space<vmem_shared>> -> memref<10240xf32, #tpu.memory_space<vmem_shared>>
      %dma_start3A_593 = tpu.memref_slice %arg23[%dma_start3A_584] : memref<4x!tpu.dma_semaphore, #tpu.memory_space<semaphore_mem>> -> memref<1x!tpu.dma_semaphore, #tpu.memory_space<semaphore_mem>>
      %dma_start3A_594 = tpu.memref_squeeze %dma_start3A_593 : memref<1x!tpu.dma_semaphore, #tpu.memory_space<semaphore_mem>> -> memref<!tpu.dma_semaphore, #tpu.memory_space<semaphore_mem>>
      tpu.enqueue_indirect_dma source(%dma_start3A_587 : memref<128xf32, #tpu.memory_space<vmem>>) target(%dma_start3A_592 : memref<10240xf32, #tpu.memory_space<vmem_shared>>) offsets(%dma_start3A_590 : memref<128xi32, #tpu.memory_space<vmem>>) semaphore(%dma_start3A_594 : memref<!tpu.dma_semaphore, #tpu.memory_space<semaphore_mem>>) {add = true}
      %add3A_595 = arith.constant 2 : i32
      %add3A_596 = arith.addi %add3A_469, %add3A_595 : i32
      %lt3A_597 = arith.constant 80 : i32
      %lt3A_598 = arith.cmpi slt, %add3A_596, %lt3A_597 : i32
      %convert_element_type3A_599 = arith.extui %lt3A_598 : i1 to i32
      %cond3A_600 = arith.constant 0 : i32
      %cond3A_601 = arith.cmpi ne, %convert_element_type3A_599, %cond3A_600 : i32
      scf.if %cond3A_601 {
        %sub3A = arith.constant 2 : i32
        %sub3A_738 = arith.subi %add3A_469, %sub3A : i32
        %dma_wait3A_739 = arith.constant 0 : i32
        %dma_wait3A_740 = arith.constant 0 : i32
        %dma_wait3A_741 = arith.constant 0 : i32
        %dma_wait3A_742 = arith.constant 0 : i32
        %dma_wait3A_743 = tpu.memref_slice %arg15[%dma_wait3A_739, %dma_wait3A_741, %dma_wait3A_742] : memref<4x128x64xf32, #tpu.memory_space<vmem>> -> memref<1x128x64xf32, #tpu.memory_space<vmem>>
        %dma_wait3A_744 = tpu.memref_squeeze %dma_wait3A_743 : memref<1x128x64xf32, #tpu.memory_space<vmem>> -> memref<128x64xf32, #tpu.memory_space<vmem>>
        %dma_wait3A_745 = arith.constant 0 : i32
        %dma_wait3A_746 = tpu.memref_slice %arg14[%sub3A_738, %dma_wait3A_745] : memref<80x128xi32, #tpu.memory_space<vmem>> -> memref<1x128xi32, #tpu.memory_space<vmem>>
        %dma_wait3A_747 = tpu.memref_squeeze %dma_wait3A_746 : memref<1x128xi32, #tpu.memory_space<vmem>> -> memref<128xi32, #tpu.memory_space<vmem>>
        %dma_wait3A_748 = arith.constant 0 : i32
        %dma_wait3A_749 = arith.constant 0 : i32
        %dma_wait3A_750 = tpu.memref_slice %arg9[%dma_wait3A_748, %dma_wait3A_749] : memref<10240x64xf32, #tpu.memory_space<vmem_shared>> -> memref<10240x64xf32, #tpu.memory_space<vmem_shared>>
        %dma_wait3A_751 = tpu.memref_slice %arg22[%dma_wait3A_740] : memref<4x!tpu.dma_semaphore, #tpu.memory_space<semaphore_mem>> -> memref<1x!tpu.dma_semaphore, #tpu.memory_space<semaphore_mem>>
        %dma_wait3A_752 = tpu.memref_squeeze %dma_wait3A_751 : memref<1x!tpu.dma_semaphore, #tpu.memory_space<semaphore_mem>> -> memref<!tpu.dma_semaphore, #tpu.memory_space<semaphore_mem>>
        tpu.wait_indirect_dma semaphore(%dma_wait3A_752 : memref<!tpu.dma_semaphore, #tpu.memory_space<semaphore_mem>>) src(%dma_wait3A_744 : memref<128x64xf32, #tpu.memory_space<vmem>>) dst(%dma_wait3A_750 : memref<10240x64xf32, #tpu.memory_space<vmem_shared>>)
        %add3A_753 = arith.constant 2 : i32
        %add3A_754 = arith.addi %add3A_469, %add3A_753 : i32
        %dma_start3A_755 = arith.constant 0 : i32
        %dma_start3A_756 = arith.constant 0 : i32
        %dma_start3A_757 = arith.constant 0 : i32
        %dma_start3A_758 = arith.constant 0 : i32
        %dma_start3A_759 = tpu.memref_slice %arg15[%dma_start3A_755, %dma_start3A_757, %dma_start3A_758] : memref<4x128x64xf32, #tpu.memory_space<vmem>> -> memref<1x128x64xf32, #tpu.memory_space<vmem>>
        %dma_start3A_760 = tpu.memref_squeeze %dma_start3A_759 : memref<1x128x64xf32, #tpu.memory_space<vmem>> -> memref<128x64xf32, #tpu.memory_space<vmem>>
        %dma_start3A_761 = arith.constant 0 : i32
        %dma_start3A_762 = tpu.memref_slice %arg13[%add3A_754, %dma_start3A_761] : memref<80x128xi32, #tpu.memory_space<vmem>> -> memref<1x128xi32, #tpu.memory_space<vmem>>
        %dma_start3A_763 = tpu.memref_squeeze %dma_start3A_762 : memref<1x128xi32, #tpu.memory_space<vmem>> -> memref<128xi32, #tpu.memory_space<vmem>>
        %dma_start3A_764 = arith.constant 0 : i32
        %dma_start3A_765 = arith.constant 0 : i32
        %dma_start3A_766 = tpu.memref_slice %arg4[%dma_start3A_764, %dma_start3A_765] : memref<10240x64xf32, #tpu.memory_space<hbm>> -> memref<10240x64xf32, #tpu.memory_space<hbm>>
        %dma_start3A_767 = tpu.memref_slice %arg21[%dma_start3A_756] : memref<4x!tpu.dma_semaphore, #tpu.memory_space<semaphore_mem>> -> memref<1x!tpu.dma_semaphore, #tpu.memory_space<semaphore_mem>>
        %dma_start3A_768 = tpu.memref_squeeze %dma_start3A_767 : memref<1x!tpu.dma_semaphore, #tpu.memory_space<semaphore_mem>> -> memref<!tpu.dma_semaphore, #tpu.memory_space<semaphore_mem>>
        tpu.enqueue_indirect_dma source(%dma_start3A_766 : memref<10240x64xf32, #tpu.memory_space<hbm>>) target(%dma_start3A_760 : memref<128x64xf32, #tpu.memory_space<vmem>>) offsets(%dma_start3A_763 : memref<128xi32, #tpu.memory_space<vmem>>) semaphore(%dma_start3A_768 : memref<!tpu.dma_semaphore, #tpu.memory_space<semaphore_mem>>)
      } else {
      }
      %mul3A_602 = arith.constant 4 : i32
      %mul3A_603 = arith.muli %add3A_189, %mul3A_602 : i32
      %add3A_604 = arith.constant 3 : i32
      %add3A_605 = arith.addi %mul3A_603, %add3A_604 : i32
      %dma_wait3A_606 = arith.constant 3 : i32
      %dma_wait3A_607 = arith.constant 3 : i32
      %dma_wait3A_608 = arith.constant 0 : i32
      %dma_wait3A_609 = arith.constant 0 : i32
      %dma_wait3A_610 = tpu.memref_slice %arg15[%dma_wait3A_606, %dma_wait3A_608, %dma_wait3A_609] : memref<4x128x64xf32, #tpu.memory_space<vmem>> -> memref<1x128x64xf32, #tpu.memory_space<vmem>>
      %dma_wait3A_611 = tpu.memref_squeeze %dma_wait3A_610 : memref<1x128x64xf32, #tpu.memory_space<vmem>> -> memref<128x64xf32, #tpu.memory_space<vmem>>
      %dma_wait3A_612 = arith.constant 0 : i32
      %dma_wait3A_613 = tpu.memref_slice %arg13[%add3A_605, %dma_wait3A_612] : memref<80x128xi32, #tpu.memory_space<vmem>> -> memref<1x128xi32, #tpu.memory_space<vmem>>
      %dma_wait3A_614 = tpu.memref_squeeze %dma_wait3A_613 : memref<1x128xi32, #tpu.memory_space<vmem>> -> memref<128xi32, #tpu.memory_space<vmem>>
      %dma_wait3A_615 = arith.constant 0 : i32
      %dma_wait3A_616 = arith.constant 0 : i32
      %dma_wait3A_617 = tpu.memref_slice %arg4[%dma_wait3A_615, %dma_wait3A_616] : memref<10240x64xf32, #tpu.memory_space<hbm>> -> memref<10240x64xf32, #tpu.memory_space<hbm>>
      %dma_wait3A_618 = tpu.memref_slice %arg21[%dma_wait3A_607] : memref<4x!tpu.dma_semaphore, #tpu.memory_space<semaphore_mem>> -> memref<1x!tpu.dma_semaphore, #tpu.memory_space<semaphore_mem>>
      %dma_wait3A_619 = tpu.memref_squeeze %dma_wait3A_618 : memref<1x!tpu.dma_semaphore, #tpu.memory_space<semaphore_mem>> -> memref<!tpu.dma_semaphore, #tpu.memory_space<semaphore_mem>>
      tpu.wait_indirect_dma semaphore(%dma_wait3A_619 : memref<!tpu.dma_semaphore, #tpu.memory_space<semaphore_mem>>) src(%dma_wait3A_617 : memref<10240x64xf32, #tpu.memory_space<hbm>>) dst(%dma_wait3A_611 : memref<128x64xf32, #tpu.memory_space<vmem>>)
      %dma_start3A_620 = arith.constant 3 : i32
      %dma_start3A_621 = arith.constant 3 : i32
      %dma_start3A_622 = arith.constant 0 : i32
      %dma_start3A_623 = arith.constant 0 : i32
      %dma_start3A_624 = tpu.memref_slice %arg15[%dma_start3A_620, %dma_start3A_622, %dma_start3A_623] : memref<4x128x64xf32, #tpu.memory_space<vmem>> -> memref<1x128x64xf32, #tpu.memory_space<vmem>>
      %dma_start3A_625 = tpu.memref_squeeze %dma_start3A_624 : memref<1x128x64xf32, #tpu.memory_space<vmem>> -> memref<128x64xf32, #tpu.memory_space<vmem>>
      %dma_start3A_626 = arith.constant 0 : i32
      %dma_start3A_627 = tpu.memref_slice %arg14[%add3A_605, %dma_start3A_626] : memref<80x128xi32, #tpu.memory_space<vmem>> -> memref<1x128xi32, #tpu.memory_space<vmem>>
      %dma_start3A_628 = tpu.memref_squeeze %dma_start3A_627 : memref<1x128xi32, #tpu.memory_space<vmem>> -> memref<128xi32, #tpu.memory_space<vmem>>
      %dma_start3A_629 = arith.constant 0 : i32
      %dma_start3A_630 = arith.constant 0 : i32
      %dma_start3A_631 = tpu.memref_slice %arg9[%dma_start3A_629, %dma_start3A_630] : memref<10240x64xf32, #tpu.memory_space<vmem_shared>> -> memref<10240x64xf32, #tpu.memory_space<vmem_shared>>
      %dma_start3A_632 = tpu.memref_slice %arg22[%dma_start3A_621] : memref<4x!tpu.dma_semaphore, #tpu.memory_space<semaphore_mem>> -> memref<1x!tpu.dma_semaphore, #tpu.memory_space<semaphore_mem>>
      %dma_start3A_633 = tpu.memref_squeeze %dma_start3A_632 : memref<1x!tpu.dma_semaphore, #tpu.memory_space<semaphore_mem>> -> memref<!tpu.dma_semaphore, #tpu.memory_space<semaphore_mem>>
      tpu.enqueue_indirect_dma source(%dma_start3A_625 : memref<128x64xf32, #tpu.memory_space<vmem>>) target(%dma_start3A_631 : memref<10240x64xf32, #tpu.memory_space<vmem_shared>>) offsets(%dma_start3A_628 : memref<128xi32, #tpu.memory_space<vmem>>) semaphore(%dma_start3A_633 : memref<!tpu.dma_semaphore, #tpu.memory_space<semaphore_mem>>) {add = true}
      %gt3A_634 = arith.constant 0 : i32
      %gt3A_635 = arith.cmpi sgt, %add3A_189, %gt3A_634 : i32
      %convert_element_type3A_636 = arith.extui %gt3A_635 : i1 to i32
      %cond3A_637 = arith.constant 0 : i32
      %cond3A_638 = arith.cmpi ne, %convert_element_type3A_636, %cond3A_637 : i32
      scf.if %cond3A_638 {
        %sub3A = arith.constant 4 : i32
        %sub3A_738 = arith.subi %add3A_605, %sub3A : i32
        %dma_wait3A_739 = arith.constant 3 : i32
        %dma_wait3A_740 = arith.constant 3 : i32
        %dma_wait3A_741 = arith.constant 0 : i32
        %dma_wait3A_742 = tpu.memref_slice %arg16[%dma_wait3A_739, %dma_wait3A_741] : memref<4x128xf32, #tpu.memory_space<vmem>> -> memref<1x128xf32, #tpu.memory_space<vmem>>
        %dma_wait3A_743 = tpu.memref_squeeze %dma_wait3A_742 : memref<1x128xf32, #tpu.memory_space<vmem>> -> memref<128xf32, #tpu.memory_space<vmem>>
        %dma_wait3A_744 = arith.constant 0 : i32
        %dma_wait3A_745 = tpu.memref_slice %arg13[%sub3A_738, %dma_wait3A_744] : memref<80x128xi32, #tpu.memory_space<vmem>> -> memref<1x128xi32, #tpu.memory_space<vmem>>
        %dma_wait3A_746 = tpu.memref_squeeze %dma_wait3A_745 : memref<1x128xi32, #tpu.memory_space<vmem>> -> memref<128xi32, #tpu.memory_space<vmem>>
        %dma_wait3A_747 = arith.constant 0 : i32
        %dma_wait3A_748 = tpu.memref_slice %arg10[%dma_wait3A_747] : memref<10240xf32, #tpu.memory_space<vmem_shared>> -> memref<10240xf32, #tpu.memory_space<vmem_shared>>
        %dma_wait3A_749 = tpu.memref_slice %arg23[%dma_wait3A_740] : memref<4x!tpu.dma_semaphore, #tpu.memory_space<semaphore_mem>> -> memref<1x!tpu.dma_semaphore, #tpu.memory_space<semaphore_mem>>
        %dma_wait3A_750 = tpu.memref_squeeze %dma_wait3A_749 : memref<1x!tpu.dma_semaphore, #tpu.memory_space<semaphore_mem>> -> memref<!tpu.dma_semaphore, #tpu.memory_space<semaphore_mem>>
        tpu.wait_indirect_dma semaphore(%dma_wait3A_750 : memref<!tpu.dma_semaphore, #tpu.memory_space<semaphore_mem>>) src(%dma_wait3A_743 : memref<128xf32, #tpu.memory_space<vmem>>) dst(%dma_wait3A_748 : memref<10240xf32, #tpu.memory_space<vmem_shared>>)
      } else {
      }
      %get3A_639 = arith.constant 0 : i32
      %get3A_640 = tpu.memref_slice %arg14[%add3A_605, %get3A_639] : memref<80x128xi32, #tpu.memory_space<vmem>> -> memref<1x128xi32, #tpu.memory_space<vmem>>
      %get3A_641 = tpu.memref_squeeze %get3A_640 : memref<1x128xi32, #tpu.memory_space<vmem>> -> memref<128xi32, #tpu.memory_space<vmem>>
      %get3A_642 = arith.constant 0 : index
      %get3A_643 = tpu.vector_load %get3A_641[%get3A_642] {strides = array<i32>} : memref<128xi32, #tpu.memory_space<vmem>>, vector<16xi32>,
      %gather3A_644 = tpu.vector_load_idx %arg12[%get3A_643] : memref<10240xf32, #tpu.memory_space<vmem>>[vector<16xi32>], vector<16xf32>,
      %swap3A_645 = arith.constant 3 : i32
      %swap3A_646 = arith.index_cast %swap3A_645 : i32 to index
      %swap3A_647 = arith.constant 0 : index
      %swap3A_648 = tpu.vector_load %arg16[%swap3A_646, %swap3A_647] {strides = array<i32>} : memref<4x128xf32, #tpu.memory_space<vmem>>, vector<16xf32>,
      tpu.vector_store %arg16[%swap3A_646, %swap3A_647], %gather3A_644 {strides = array<i32>} : memref<4x128xf32, #tpu.memory_space<vmem>>, vector<16xf32>,
      %get3A_649 = arith.constant 0 : i32
      %get3A_650 = tpu.memref_slice %arg14[%add3A_605, %get3A_649] : memref<80x128xi32, #tpu.memory_space<vmem>> -> memref<1x128xi32, #tpu.memory_space<vmem>>
      %get3A_651 = tpu.memref_squeeze %get3A_650 : memref<1x128xi32, #tpu.memory_space<vmem>> -> memref<128xi32, #tpu.memory_space<vmem>>
      %get3A_652 = arith.constant 16 : index
      %get3A_653 = tpu.vector_load %get3A_651[%get3A_652] {strides = array<i32>} : memref<128xi32, #tpu.memory_space<vmem>>, vector<16xi32>,
      %gather3A_654 = tpu.vector_load_idx %arg12[%get3A_653] : memref<10240xf32, #tpu.memory_space<vmem>>[vector<16xi32>], vector<16xf32>,
      %swap3A_655 = arith.constant 3 : i32
      %swap3A_656 = arith.index_cast %swap3A_655 : i32 to index
      %swap3A_657 = arith.constant 16 : index
      %swap3A_658 = tpu.vector_load %arg16[%swap3A_656, %swap3A_657] {strides = array<i32>} : memref<4x128xf32, #tpu.memory_space<vmem>>, vector<16xf32>,
      tpu.vector_store %arg16[%swap3A_656, %swap3A_657], %gather3A_654 {strides = array<i32>} : memref<4x128xf32, #tpu.memory_space<vmem>>, vector<16xf32>,
      %get3A_659 = arith.constant 0 : i32
      %get3A_660 = tpu.memref_slice %arg14[%add3A_605, %get3A_659] : memref<80x128xi32, #tpu.memory_space<vmem>> -> memref<1x128xi32, #tpu.memory_space<vmem>>
      %get3A_661 = tpu.memref_squeeze %get3A_660 : memref<1x128xi32, #tpu.memory_space<vmem>> -> memref<128xi32, #tpu.memory_space<vmem>>
      %get3A_662 = arith.constant 32 : index
      %get3A_663 = tpu.vector_load %get3A_661[%get3A_662] {strides = array<i32>} : memref<128xi32, #tpu.memory_space<vmem>>, vector<16xi32>,
      %gather3A_664 = tpu.vector_load_idx %arg12[%get3A_663] : memref<10240xf32, #tpu.memory_space<vmem>>[vector<16xi32>], vector<16xf32>,
      %swap3A_665 = arith.constant 3 : i32
      %swap3A_666 = arith.index_cast %swap3A_665 : i32 to index
      %swap3A_667 = arith.constant 32 : index
      %swap3A_668 = tpu.vector_load %arg16[%swap3A_666, %swap3A_667] {strides = array<i32>} : memref<4x128xf32, #tpu.memory_space<vmem>>, vector<16xf32>,
      tpu.vector_store %arg16[%swap3A_666, %swap3A_667], %gather3A_664 {strides = array<i32>} : memref<4x128xf32, #tpu.memory_space<vmem>>, vector<16xf32>,
      %get3A_669 = arith.constant 0 : i32
      %get3A_670 = tpu.memref_slice %arg14[%add3A_605, %get3A_669] : memref<80x128xi32, #tpu.memory_space<vmem>> -> memref<1x128xi32, #tpu.memory_space<vmem>>
      %get3A_671 = tpu.memref_squeeze %get3A_670 : memref<1x128xi32, #tpu.memory_space<vmem>> -> memref<128xi32, #tpu.memory_space<vmem>>
      %get3A_672 = arith.constant 48 : index
      %get3A_673 = tpu.vector_load %get3A_671[%get3A_672] {strides = array<i32>} : memref<128xi32, #tpu.memory_space<vmem>>, vector<16xi32>,
      %gather3A_674 = tpu.vector_load_idx %arg12[%get3A_673] : memref<10240xf32, #tpu.memory_space<vmem>>[vector<16xi32>], vector<16xf32>,
      %swap3A_675 = arith.constant 3 : i32
      %swap3A_676 = arith.index_cast %swap3A_675 : i32 to index
      %swap3A_677 = arith.constant 48 : index
      %swap3A_678 = tpu.vector_load %arg16[%swap3A_676, %swap3A_677] {strides = array<i32>} : memref<4x128xf32, #tpu.memory_space<vmem>>, vector<16xf32>,
      tpu.vector_store %arg16[%swap3A_676, %swap3A_677], %gather3A_674 {strides = array<i32>} : memref<4x128xf32, #tpu.memory_space<vmem>>, vector<16xf32>,
      %get3A_679 = arith.constant 0 : i32
      %get3A_680 = tpu.memref_slice %arg14[%add3A_605, %get3A_679] : memref<80x128xi32, #tpu.memory_space<vmem>> -> memref<1x128xi32, #tpu.memory_space<vmem>>
      %get3A_681 = tpu.memref_squeeze %get3A_680 : memref<1x128xi32, #tpu.memory_space<vmem>> -> memref<128xi32, #tpu.memory_space<vmem>>
      %get3A_682 = arith.constant 64 : index
      %get3A_683 = tpu.vector_load %get3A_681[%get3A_682] {strides = array<i32>} : memref<128xi32, #tpu.memory_space<vmem>>, vector<16xi32>,
      %gather3A_684 = tpu.vector_load_idx %arg12[%get3A_683] : memref<10240xf32, #tpu.memory_space<vmem>>[vector<16xi32>], vector<16xf32>,
      %swap3A_685 = arith.constant 3 : i32
      %swap3A_686 = arith.index_cast %swap3A_685 : i32 to index
      %swap3A_687 = arith.constant 64 : index
      %swap3A_688 = tpu.vector_load %arg16[%swap3A_686, %swap3A_687] {strides = array<i32>} : memref<4x128xf32, #tpu.memory_space<vmem>>, vector<16xf32>,
      tpu.vector_store %arg16[%swap3A_686, %swap3A_687], %gather3A_684 {strides = array<i32>} : memref<4x128xf32, #tpu.memory_space<vmem>>, vector<16xf32>,
      %get3A_689 = arith.constant 0 : i32
      %get3A_690 = tpu.memref_slice %arg14[%add3A_605, %get3A_689] : memref<80x128xi32, #tpu.memory_space<vmem>> -> memref<1x128xi32, #tpu.memory_space<vmem>>
      %get3A_691 = tpu.memref_squeeze %get3A_690 : memref<1x128xi32, #tpu.memory_space<vmem>> -> memref<128xi32, #tpu.memory_space<vmem>>
      %get3A_692 = arith.constant 80 : index
      %get3A_693 = tpu.vector_load %get3A_691[%get3A_692] {strides = array<i32>} : memref<128xi32, #tpu.memory_space<vmem>>, vector<16xi32>,
      %gather3A_694 = tpu.vector_load_idx %arg12[%get3A_693] : memref<10240xf32, #tpu.memory_space<vmem>>[vector<16xi32>], vector<16xf32>,
      %swap3A_695 = arith.constant 3 : i32
      %swap3A_696 = arith.index_cast %swap3A_695 : i32 to index
      %swap3A_697 = arith.constant 80 : index
      %swap3A_698 = tpu.vector_load %arg16[%swap3A_696, %swap3A_697] {strides = array<i32>} : memref<4x128xf32, #tpu.memory_space<vmem>>, vector<16xf32>,
      tpu.vector_store %arg16[%swap3A_696, %swap3A_697], %gather3A_694 {strides = array<i32>} : memref<4x128xf32, #tpu.memory_space<vmem>>, vector<16xf32>,
      %get3A_699 = arith.constant 0 : i32
      %get3A_700 = tpu.memref_slice %arg14[%add3A_605, %get3A_699] : memref<80x128xi32, #tpu.memory_space<vmem>> -> memref<1x128xi32, #tpu.memory_space<vmem>>
      %get3A_701 = tpu.memref_squeeze %get3A_700 : memref<1x128xi32, #tpu.memory_space<vmem>> -> memref<128xi32, #tpu.memory_space<vmem>>
      %get3A_702 = arith.constant 96 : index
      %get3A_703 = tpu.vector_load %get3A_701[%get3A_702] {strides = array<i32>} : memref<128xi32, #tpu.memory_space<vmem>>, vector<16xi32>,
      %gather3A_704 = tpu.vector_load_idx %arg12[%get3A_703] : memref<10240xf32, #tpu.memory_space<vmem>>[vector<16xi32>], vector<16xf32>,
      %swap3A_705 = arith.constant 3 : i32
      %swap3A_706 = arith.index_cast %swap3A_705 : i32 to index
      %swap3A_707 = arith.constant 96 : index
      %swap3A_708 = tpu.vector_load %arg16[%swap3A_706, %swap3A_707] {strides = array<i32>} : memref<4x128xf32, #tpu.memory_space<vmem>>, vector<16xf32>,
      tpu.vector_store %arg16[%swap3A_706, %swap3A_707], %gather3A_704 {strides = array<i32>} : memref<4x128xf32, #tpu.memory_space<vmem>>, vector<16xf32>,
      %get3A_709 = arith.constant 0 : i32
      %get3A_710 = tpu.memref_slice %arg14[%add3A_605, %get3A_709] : memref<80x128xi32, #tpu.memory_space<vmem>> -> memref<1x128xi32, #tpu.memory_space<vmem>>
      %get3A_711 = tpu.memref_squeeze %get3A_710 : memref<1x128xi32, #tpu.memory_space<vmem>> -> memref<128xi32, #tpu.memory_space<vmem>>
      %get3A_712 = arith.constant 112 : index
      %get3A_713 = tpu.vector_load %get3A_711[%get3A_712] {strides = array<i32>} : memref<128xi32, #tpu.memory_space<vmem>>, vector<16xi32>,
      %gather3A_714 = tpu.vector_load_idx %arg12[%get3A_713] : memref<10240xf32, #tpu.memory_space<vmem>>[vector<16xi32>], vector<16xf32>,
      %swap3A_715 = arith.constant 3 : i32
      %swap3A_716 = arith.index_cast %swap3A_715 : i32 to index
      %swap3A_717 = arith.constant 112 : index
      %swap3A_718 = tpu.vector_load %arg16[%swap3A_716, %swap3A_717] {strides = array<i32>} : memref<4x128xf32, #tpu.memory_space<vmem>>, vector<16xf32>,
      tpu.vector_store %arg16[%swap3A_716, %swap3A_717], %gather3A_714 {strides = array<i32>} : memref<4x128xf32, #tpu.memory_space<vmem>>, vector<16xf32>,
      %dma_start3A_719 = arith.constant 3 : i32
      %dma_start3A_720 = arith.constant 3 : i32
      %dma_start3A_721 = arith.constant 0 : i32
      %dma_start3A_722 = tpu.memref_slice %arg16[%dma_start3A_719, %dma_start3A_721] : memref<4x128xf32, #tpu.memory_space<vmem>> -> memref<1x128xf32, #tpu.memory_space<vmem>>
      %dma_start3A_723 = tpu.memref_squeeze %dma_start3A_722 : memref<1x128xf32, #tpu.memory_space<vmem>> -> memref<128xf32, #tpu.memory_space<vmem>>
      %dma_start3A_724 = arith.constant 0 : i32
      %dma_start3A_725 = tpu.memref_slice %arg13[%add3A_605, %dma_start3A_724] : memref<80x128xi32, #tpu.memory_space<vmem>> -> memref<1x128xi32, #tpu.memory_space<vmem>>
      %dma_start3A_726 = tpu.memref_squeeze %dma_start3A_725 : memref<1x128xi32, #tpu.memory_space<vmem>> -> memref<128xi32, #tpu.memory_space<vmem>>
      %dma_start3A_727 = arith.constant 0 : i32
      %dma_start3A_728 = tpu.memref_slice %arg10[%dma_start3A_727] : memref<10240xf32, #tpu.memory_space<vmem_shared>> -> memref<10240xf32, #tpu.memory_space<vmem_shared>>
      %dma_start3A_729 = tpu.memref_slice %arg23[%dma_start3A_720] : memref<4x!tpu.dma_semaphore, #tpu.memory_space<semaphore_mem>> -> memref<1x!tpu.dma_semaphore, #tpu.memory_space<semaphore_mem>>
      %dma_start3A_730 = tpu.memref_squeeze %dma_start3A_729 : memref<1x!tpu.dma_semaphore, #tpu.memory_space<semaphore_mem>> -> memref<!tpu.dma_semaphore, #tpu.memory_space<semaphore_mem>>
      tpu.enqueue_indirect_dma source(%dma_start3A_723 : memref<128xf32, #tpu.memory_space<vmem>>) target(%dma_start3A_728 : memref<10240xf32, #tpu.memory_space<vmem_shared>>) offsets(%dma_start3A_726 : memref<128xi32, #tpu.memory_space<vmem>>) semaphore(%dma_start3A_730 : memref<!tpu.dma_semaphore, #tpu.memory_space<semaphore_mem>>) {add = true}
      %add3A_731 = arith.constant 2 : i32
      %add3A_732 = arith.addi %add3A_605, %add3A_731 : i32
      %lt3A_733 = arith.constant 80 : i32
      %lt3A_734 = arith.cmpi slt, %add3A_732, %lt3A_733 : i32
      %convert_element_type3A_735 = arith.extui %lt3A_734 : i1 to i32
      %cond3A_736 = arith.constant 0 : i32
      %cond3A_737 = arith.cmpi ne, %convert_element_type3A_735, %cond3A_736 : i32
      scf.if %cond3A_737 {
        %sub3A = arith.constant 2 : i32
        %sub3A_738 = arith.subi %add3A_605, %sub3A : i32
        %dma_wait3A_739 = arith.constant 1 : i32
        %dma_wait3A_740 = arith.constant 1 : i32
        %dma_wait3A_741 = arith.constant 0 : i32
        %dma_wait3A_742 = arith.constant 0 : i32
        %dma_wait3A_743 = tpu.memref_slice %arg15[%dma_wait3A_739, %dma_wait3A_741, %dma_wait3A_742] : memref<4x128x64xf32, #tpu.memory_space<vmem>> -> memref<1x128x64xf32, #tpu.memory_space<vmem>>
        %dma_wait3A_744 = tpu.memref_squeeze %dma_wait3A_743 : memref<1x128x64xf32, #tpu.memory_space<vmem>> -> memref<128x64xf32, #tpu.memory_space<vmem>>
        %dma_wait3A_745 = arith.constant 0 : i32
        %dma_wait3A_746 = tpu.memref_slice %arg14[%sub3A_738, %dma_wait3A_745] : memref<80x128xi32, #tpu.memory_space<vmem>> -> memref<1x128xi32, #tpu.memory_space<vmem>>
        %dma_wait3A_747 = tpu.memref_squeeze %dma_wait3A_746 : memref<1x128xi32, #tpu.memory_space<vmem>> -> memref<128xi32, #tpu.memory_space<vmem>>
        %dma_wait3A_748 = arith.constant 0 : i32
        %dma_wait3A_749 = arith.constant 0 : i32
        %dma_wait3A_750 = tpu.memref_slice %arg9[%dma_wait3A_748, %dma_wait3A_749] : memref<10240x64xf32, #tpu.memory_space<vmem_shared>> -> memref<10240x64xf32, #tpu.memory_space<vmem_shared>>
        %dma_wait3A_751 = tpu.memref_slice %arg22[%dma_wait3A_740] : memref<4x!tpu.dma_semaphore, #tpu.memory_space<semaphore_mem>> -> memref<1x!tpu.dma_semaphore, #tpu.memory_space<semaphore_mem>>
        %dma_wait3A_752 = tpu.memref_squeeze %dma_wait3A_751 : memref<1x!tpu.dma_semaphore, #tpu.memory_space<semaphore_mem>> -> memref<!tpu.dma_semaphore, #tpu.memory_space<semaphore_mem>>
        tpu.wait_indirect_dma semaphore(%dma_wait3A_752 : memref<!tpu.dma_semaphore, #tpu.memory_space<semaphore_mem>>) src(%dma_wait3A_744 : memref<128x64xf32, #tpu.memory_space<vmem>>) dst(%dma_wait3A_750 : memref<10240x64xf32, #tpu.memory_space<vmem_shared>>)
        %add3A_753 = arith.constant 2 : i32
        %add3A_754 = arith.addi %add3A_605, %add3A_753 : i32
        %dma_start3A_755 = arith.constant 1 : i32
        %dma_start3A_756 = arith.constant 1 : i32
        %dma_start3A_757 = arith.constant 0 : i32
        %dma_start3A_758 = arith.constant 0 : i32
        %dma_start3A_759 = tpu.memref_slice %arg15[%dma_start3A_755, %dma_start3A_757, %dma_start3A_758] : memref<4x128x64xf32, #tpu.memory_space<vmem>> -> memref<1x128x64xf32, #tpu.memory_space<vmem>>
        %dma_start3A_760 = tpu.memref_squeeze %dma_start3A_759 : memref<1x128x64xf32, #tpu.memory_space<vmem>> -> memref<128x64xf32, #tpu.memory_space<vmem>>
        %dma_start3A_761 = arith.constant 0 : i32
        %dma_start3A_762 = tpu.memref_slice %arg13[%add3A_754, %dma_start3A_761] : memref<80x128xi32, #tpu.memory_space<vmem>> -> memref<1x128xi32, #tpu.memory_space<vmem>>
        %dma_start3A_763 = tpu.memref_squeeze %dma_start3A_762 : memref<1x128xi32, #tpu.memory_space<vmem>> -> memref<128xi32, #tpu.memory_space<vmem>>
        %dma_start3A_764 = arith.constant 0 : i32
        %dma_start3A_765 = arith.constant 0 : i32
        %dma_start3A_766 = tpu.memref_slice %arg4[%dma_start3A_764, %dma_start3A_765] : memref<10240x64xf32, #tpu.memory_space<hbm>> -> memref<10240x64xf32, #tpu.memory_space<hbm>>
        %dma_start3A_767 = tpu.memref_slice %arg21[%dma_start3A_756] : memref<4x!tpu.dma_semaphore, #tpu.memory_space<semaphore_mem>> -> memref<1x!tpu.dma_semaphore, #tpu.memory_space<semaphore_mem>>
        %dma_start3A_768 = tpu.memref_squeeze %dma_start3A_767 : memref<1x!tpu.dma_semaphore, #tpu.memory_space<semaphore_mem>> -> memref<!tpu.dma_semaphore, #tpu.memory_space<semaphore_mem>>
        tpu.enqueue_indirect_dma source(%dma_start3A_766 : memref<10240x64xf32, #tpu.memory_space<hbm>>) target(%dma_start3A_760 : memref<128x64xf32, #tpu.memory_space<vmem>>) offsets(%dma_start3A_763 : memref<128xi32, #tpu.memory_space<vmem>>) semaphore(%dma_start3A_768 : memref<!tpu.dma_semaphore, #tpu.memory_space<semaphore_mem>>)
      } else {
      }
    }
    %scan3A_62 = arith.constant 20 : i32
    %dma_wait3A = arith.constant 0 : i32
    %dma_wait3A_63 = arith.constant 76 : i32
    %dma_wait3A_64 = arith.constant 0 : i32
    %dma_wait3A_65 = arith.constant 0 : i32
    %dma_wait3A_66 = arith.constant 0 : i32
    %dma_wait3A_67 = tpu.memref_slice %arg15[%dma_wait3A, %dma_wait3A_65, %dma_wait3A_66] : memref<4x128x64xf32, #tpu.memory_space<vmem>> -> memref<1x128x64xf32, #tpu.memory_space<vmem>>
    %dma_wait3A_68 = tpu.memref_squeeze %dma_wait3A_67 : memref<1x128x64xf32, #tpu.memory_space<vmem>> -> memref<128x64xf32, #tpu.memory_space<vmem>>
    %dma_wait3A_69 = arith.constant 0 : i32
    %dma_wait3A_70 = tpu.memref_slice %arg14[%dma_wait3A_63, %dma_wait3A_69] : memref<80x128xi32, #tpu.memory_space<vmem>> -> memref<1x128xi32, #tpu.memory_space<vmem>>
    %dma_wait3A_71 = tpu.memref_squeeze %dma_wait3A_70 : memref<1x128xi32, #tpu.memory_space<vmem>> -> memref<128xi32, #tpu.memory_space<vmem>>
    %dma_wait3A_72 = arith.constant 0 : i32
    %dma_wait3A_73 = arith.constant 0 : i32
    %dma_wait3A_74 = tpu.memref_slice %arg9[%dma_wait3A_72, %dma_wait3A_73] : memref<10240x64xf32, #tpu.memory_space<vmem_shared>> -> memref<10240x64xf32, #tpu.memory_space<vmem_shared>>
    %dma_wait3A_75 = tpu.memref_slice %arg22[%dma_wait3A_64] : memref<4x!tpu.dma_semaphore, #tpu.memory_space<semaphore_mem>> -> memref<1x!tpu.dma_semaphore, #tpu.memory_space<semaphore_mem>>
    %dma_wait3A_76 = tpu.memref_squeeze %dma_wait3A_75 : memref<1x!tpu.dma_semaphore, #tpu.memory_space<semaphore_mem>> -> memref<!tpu.dma_semaphore, #tpu.memory_space<semaphore_mem>>
    tpu.wait_indirect_dma semaphore(%dma_wait3A_76 : memref<!tpu.dma_semaphore, #tpu.memory_space<semaphore_mem>>) src(%dma_wait3A_68 : memref<128x64xf32, #tpu.memory_space<vmem>>) dst(%dma_wait3A_74 : memref<10240x64xf32, #tpu.memory_space<vmem_shared>>)
    %dma_wait3A_77 = arith.constant 0 : i32
    %dma_wait3A_78 = arith.constant 76 : i32
    %dma_wait3A_79 = arith.constant 0 : i32
    %dma_wait3A_80 = arith.constant 0 : i32
    %dma_wait3A_81 = tpu.memref_slice %arg16[%dma_wait3A_77, %dma_wait3A_80] : memref<4x128xf32, #tpu.memory_space<vmem>> -> memref<1x128xf32, #tpu.memory_space<vmem>>
    %dma_wait3A_82 = tpu.memref_squeeze %dma_wait3A_81 : memref<1x128xf32, #tpu.memory_space<vmem>> -> memref<128xf32, #tpu.memory_space<vmem>>
    %dma_wait3A_83 = arith.constant 0 : i32
    %dma_wait3A_84 = tpu.memref_slice %arg13[%dma_wait3A_78, %dma_wait3A_83] : memref<80x128xi32, #tpu.memory_space<vmem>> -> memref<1x128xi32, #tpu.memory_space<vmem>>
    %dma_wait3A_85 = tpu.memref_squeeze %dma_wait3A_84 : memref<1x128xi32, #tpu.memory_space<vmem>> -> memref<128xi32, #tpu.memory_space<vmem>>
    %dma_wait3A_86 = arith.constant 0 : i32
    %dma_wait3A_87 = tpu.memref_slice %arg10[%dma_wait3A_86] : memref<10240xf32, #tpu.memory_space<vmem_shared>> -> memref<10240xf32, #tpu.memory_space<vmem_shared>>
    %dma_wait3A_88 = tpu.memref_slice %arg23[%dma_wait3A_79] : memref<4x!tpu.dma_semaphore, #tpu.memory_space<semaphore_mem>> -> memref<1x!tpu.dma_semaphore, #tpu.memory_space<semaphore_mem>>
    %dma_wait3A_89 = tpu.memref_squeeze %dma_wait3A_88 : memref<1x!tpu.dma_semaphore, #tpu.memory_space<semaphore_mem>> -> memref<!tpu.dma_semaphore, #tpu.memory_space<semaphore_mem>>
    tpu.wait_indirect_dma semaphore(%dma_wait3A_89 : memref<!tpu.dma_semaphore, #tpu.memory_space<semaphore_mem>>) src(%dma_wait3A_82 : memref<128xf32, #tpu.memory_space<vmem>>) dst(%dma_wait3A_87 : memref<10240xf32, #tpu.memory_space<vmem_shared>>)
    %dma_wait3A_90 = arith.constant 1 : i32
    %dma_wait3A_91 = arith.constant 77 : i32
    %dma_wait3A_92 = arith.constant 1 : i32
    %dma_wait3A_93 = arith.constant 0 : i32
    %dma_wait3A_94 = arith.constant 0 : i32
    %dma_wait3A_95 = tpu.memref_slice %arg15[%dma_wait3A_90, %dma_wait3A_93, %dma_wait3A_94] : memref<4x128x64xf32, #tpu.memory_space<vmem>> -> memref<1x128x64xf32, #tpu.memory_space<vmem>>
    %dma_wait3A_96 = tpu.memref_squeeze %dma_wait3A_95 : memref<1x128x64xf32, #tpu.memory_space<vmem>> -> memref<128x64xf32, #tpu.memory_space<vmem>>
    %dma_wait3A_97 = arith.constant 0 : i32
    %dma_wait3A_98 = tpu.memref_slice %arg14[%dma_wait3A_91, %dma_wait3A_97] : memref<80x128xi32, #tpu.memory_space<vmem>> -> memref<1x128xi32, #tpu.memory_space<vmem>>
    %dma_wait3A_99 = tpu.memref_squeeze %dma_wait3A_98 : memref<1x128xi32, #tpu.memory_space<vmem>> -> memref<128xi32, #tpu.memory_space<vmem>>
    %dma_wait3A_100 = arith.constant 0 : i32
    %dma_wait3A_101 = arith.constant 0 : i32
    %dma_wait3A_102 = tpu.memref_slice %arg9[%dma_wait3A_100, %dma_wait3A_101] : memref<10240x64xf32, #tpu.memory_space<vmem_shared>> -> memref<10240x64xf32, #tpu.memory_space<vmem_shared>>
    %dma_wait3A_103 = tpu.memref_slice %arg22[%dma_wait3A_92] : memref<4x!tpu.dma_semaphore, #tpu.memory_space<semaphore_mem>> -> memref<1x!tpu.dma_semaphore, #tpu.memory_space<semaphore_mem>>
    %dma_wait3A_104 = tpu.memref_squeeze %dma_wait3A_103 : memref<1x!tpu.dma_semaphore, #tpu.memory_space<semaphore_mem>> -> memref<!tpu.dma_semaphore, #tpu.memory_space<semaphore_mem>>
    tpu.wait_indirect_dma semaphore(%dma_wait3A_104 : memref<!tpu.dma_semaphore, #tpu.memory_space<semaphore_mem>>) src(%dma_wait3A_96 : memref<128x64xf32, #tpu.memory_space<vmem>>) dst(%dma_wait3A_102 : memref<10240x64xf32, #tpu.memory_space<vmem_shared>>)
    %dma_wait3A_105 = arith.constant 1 : i32
    %dma_wait3A_106 = arith.constant 77 : i32
    %dma_wait3A_107 = arith.constant 1 : i32
    %dma_wait3A_108 = arith.constant 0 : i32
    %dma_wait3A_109 = tpu.memref_slice %arg16[%dma_wait3A_105, %dma_wait3A_108] : memref<4x128xf32, #tpu.memory_space<vmem>> -> memref<1x128xf32, #tpu.memory_space<vmem>>
    %dma_wait3A_110 = tpu.memref_squeeze %dma_wait3A_109 : memref<1x128xf32, #tpu.memory_space<vmem>> -> memref<128xf32, #tpu.memory_space<vmem>>
    %dma_wait3A_111 = arith.constant 0 : i32
    %dma_wait3A_112 = tpu.memref_slice %arg13[%dma_wait3A_106, %dma_wait3A_111] : memref<80x128xi32, #tpu.memory_space<vmem>> -> memref<1x128xi32, #tpu.memory_space<vmem>>
    %dma_wait3A_113 = tpu.memref_squeeze %dma_wait3A_112 : memref<1x128xi32, #tpu.memory_space<vmem>> -> memref<128xi32, #tpu.memory_space<vmem>>
    %dma_wait3A_114 = arith.constant 0 : i32
    %dma_wait3A_115 = tpu.memref_slice %arg10[%dma_wait3A_114] : memref<10240xf32, #tpu.memory_space<vmem_shared>> -> memref<10240xf32, #tpu.memory_space<vmem_shared>>
    %dma_wait3A_116 = tpu.memref_slice %arg23[%dma_wait3A_107] : memref<4x!tpu.dma_semaphore, #tpu.memory_space<semaphore_mem>> -> memref<1x!tpu.dma_semaphore, #tpu.memory_space<semaphore_mem>>
    %dma_wait3A_117 = tpu.memref_squeeze %dma_wait3A_116 : memref<1x!tpu.dma_semaphore, #tpu.memory_space<semaphore_mem>> -> memref<!tpu.dma_semaphore, #tpu.memory_space<semaphore_mem>>
    tpu.wait_indirect_dma semaphore(%dma_wait3A_117 : memref<!tpu.dma_semaphore, #tpu.memory_space<semaphore_mem>>) src(%dma_wait3A_110 : memref<128xf32, #tpu.memory_space<vmem>>) dst(%dma_wait3A_115 : memref<10240xf32, #tpu.memory_space<vmem_shared>>)
    %dma_wait3A_118 = arith.constant 2 : i32
    %dma_wait3A_119 = arith.constant 78 : i32
    %dma_wait3A_120 = arith.constant 2 : i32
    %dma_wait3A_121 = arith.constant 0 : i32
    %dma_wait3A_122 = arith.constant 0 : i32
    %dma_wait3A_123 = tpu.memref_slice %arg15[%dma_wait3A_118, %dma_wait3A_121, %dma_wait3A_122] : memref<4x128x64xf32, #tpu.memory_space<vmem>> -> memref<1x128x64xf32, #tpu.memory_space<vmem>>
    %dma_wait3A_124 = tpu.memref_squeeze %dma_wait3A_123 : memref<1x128x64xf32, #tpu.memory_space<vmem>> -> memref<128x64xf32, #tpu.memory_space<vmem>>
    %dma_wait3A_125 = arith.constant 0 : i32
    %dma_wait3A_126 = tpu.memref_slice %arg14[%dma_wait3A_119, %dma_wait3A_125] : memref<80x128xi32, #tpu.memory_space<vmem>> -> memref<1x128xi32, #tpu.memory_space<vmem>>
    %dma_wait3A_127 = tpu.memref_squeeze %dma_wait3A_126 : memref<1x128xi32, #tpu.memory_space<vmem>> -> memref<128xi32, #tpu.memory_space<vmem>>
    %dma_wait3A_128 = arith.constant 0 : i32
    %dma_wait3A_129 = arith.constant 0 : i32
    %dma_wait3A_130 = tpu.memref_slice %arg9[%dma_wait3A_128, %dma_wait3A_129] : memref<10240x64xf32, #tpu.memory_space<vmem_shared>> -> memref<10240x64xf32, #tpu.memory_space<vmem_shared>>
    %dma_wait3A_131 = tpu.memref_slice %arg22[%dma_wait3A_120] : memref<4x!tpu.dma_semaphore, #tpu.memory_space<semaphore_mem>> -> memref<1x!tpu.dma_semaphore, #tpu.memory_space<semaphore_mem>>
    %dma_wait3A_132 = tpu.memref_squeeze %dma_wait3A_131 : memref<1x!tpu.dma_semaphore, #tpu.memory_space<semaphore_mem>> -> memref<!tpu.dma_semaphore, #tpu.memory_space<semaphore_mem>>
    tpu.wait_indirect_dma semaphore(%dma_wait3A_132 : memref<!tpu.dma_semaphore, #tpu.memory_space<semaphore_mem>>) src(%dma_wait3A_124 : memref<128x64xf32, #tpu.memory_space<vmem>>) dst(%dma_wait3A_130 : memref<10240x64xf32, #tpu.memory_space<vmem_shared>>)
    %dma_wait3A_133 = arith.constant 2 : i32
    %dma_wait3A_134 = arith.constant 78 : i32
    %dma_wait3A_135 = arith.constant 2 : i32
    %dma_wait3A_136 = arith.constant 0 : i32
    %dma_wait3A_137 = tpu.memref_slice %arg16[%dma_wait3A_133, %dma_wait3A_136] : memref<4x128xf32, #tpu.memory_space<vmem>> -> memref<1x128xf32, #tpu.memory_space<vmem>>
    %dma_wait3A_138 = tpu.memref_squeeze %dma_wait3A_137 : memref<1x128xf32, #tpu.memory_space<vmem>> -> memref<128xf32, #tpu.memory_space<vmem>>
    %dma_wait3A_139 = arith.constant 0 : i32
    %dma_wait3A_140 = tpu.memref_slice %arg13[%dma_wait3A_134, %dma_wait3A_139] : memref<80x128xi32, #tpu.memory_space<vmem>> -> memref<1x128xi32, #tpu.memory_space<vmem>>
    %dma_wait3A_141 = tpu.memref_squeeze %dma_wait3A_140 : memref<1x128xi32, #tpu.memory_space<vmem>> -> memref<128xi32, #tpu.memory_space<vmem>>
    %dma_wait3A_142 = arith.constant 0 : i32
    %dma_wait3A_143 = tpu.memref_slice %arg10[%dma_wait3A_142] : memref<10240xf32, #tpu.memory_space<vmem_shared>> -> memref<10240xf32, #tpu.memory_space<vmem_shared>>
    %dma_wait3A_144 = tpu.memref_slice %arg23[%dma_wait3A_135] : memref<4x!tpu.dma_semaphore, #tpu.memory_space<semaphore_mem>> -> memref<1x!tpu.dma_semaphore, #tpu.memory_space<semaphore_mem>>
    %dma_wait3A_145 = tpu.memref_squeeze %dma_wait3A_144 : memref<1x!tpu.dma_semaphore, #tpu.memory_space<semaphore_mem>> -> memref<!tpu.dma_semaphore, #tpu.memory_space<semaphore_mem>>
    tpu.wait_indirect_dma semaphore(%dma_wait3A_145 : memref<!tpu.dma_semaphore, #tpu.memory_space<semaphore_mem>>) src(%dma_wait3A_138 : memref<128xf32, #tpu.memory_space<vmem>>) dst(%dma_wait3A_143 : memref<10240xf32, #tpu.memory_space<vmem_shared>>)
    %dma_wait3A_146 = arith.constant 3 : i32
    %dma_wait3A_147 = arith.constant 79 : i32
    %dma_wait3A_148 = arith.constant 3 : i32
    %dma_wait3A_149 = arith.constant 0 : i32
    %dma_wait3A_150 = arith.constant 0 : i32
    %dma_wait3A_151 = tpu.memref_slice %arg15[%dma_wait3A_146, %dma_wait3A_149, %dma_wait3A_150] : memref<4x128x64xf32, #tpu.memory_space<vmem>> -> memref<1x128x64xf32, #tpu.memory_space<vmem>>
    %dma_wait3A_152 = tpu.memref_squeeze %dma_wait3A_151 : memref<1x128x64xf32, #tpu.memory_space<vmem>> -> memref<128x64xf32, #tpu.memory_space<vmem>>
    %dma_wait3A_153 = arith.constant 0 : i32
    %dma_wait3A_154 = tpu.memref_slice %arg14[%dma_wait3A_147, %dma_wait3A_153] : memref<80x128xi32, #tpu.memory_space<vmem>> -> memref<1x128xi32, #tpu.memory_space<vmem>>
    %dma_wait3A_155 = tpu.memref_squeeze %dma_wait3A_154 : memref<1x128xi32, #tpu.memory_space<vmem>> -> memref<128xi32, #tpu.memory_space<vmem>>
    %dma_wait3A_156 = arith.constant 0 : i32
    %dma_wait3A_157 = arith.constant 0 : i32
    %dma_wait3A_158 = tpu.memref_slice %arg9[%dma_wait3A_156, %dma_wait3A_157] : memref<10240x64xf32, #tpu.memory_space<vmem_shared>> -> memref<10240x64xf32, #tpu.memory_space<vmem_shared>>
    %dma_wait3A_159 = tpu.memref_slice %arg22[%dma_wait3A_148] : memref<4x!tpu.dma_semaphore, #tpu.memory_space<semaphore_mem>> -> memref<1x!tpu.dma_semaphore, #tpu.memory_space<semaphore_mem>>
    %dma_wait3A_160 = tpu.memref_squeeze %dma_wait3A_159 : memref<1x!tpu.dma_semaphore, #tpu.memory_space<semaphore_mem>> -> memref<!tpu.dma_semaphore, #tpu.memory_space<semaphore_mem>>
    tpu.wait_indirect_dma semaphore(%dma_wait3A_160 : memref<!tpu.dma_semaphore, #tpu.memory_space<semaphore_mem>>) src(%dma_wait3A_152 : memref<128x64xf32, #tpu.memory_space<vmem>>) dst(%dma_wait3A_158 : memref<10240x64xf32, #tpu.memory_space<vmem_shared>>)
    %dma_wait3A_161 = arith.constant 3 : i32
    %dma_wait3A_162 = arith.constant 79 : i32
    %dma_wait3A_163 = arith.constant 3 : i32
    %dma_wait3A_164 = arith.constant 0 : i32
    %dma_wait3A_165 = tpu.memref_slice %arg16[%dma_wait3A_161, %dma_wait3A_164] : memref<4x128xf32, #tpu.memory_space<vmem>> -> memref<1x128xf32, #tpu.memory_space<vmem>>
    %dma_wait3A_166 = tpu.memref_squeeze %dma_wait3A_165 : memref<1x128xf32, #tpu.memory_space<vmem>> -> memref<128xf32, #tpu.memory_space<vmem>>
    %dma_wait3A_167 = arith.constant 0 : i32
    %dma_wait3A_168 = tpu.memref_slice %arg13[%dma_wait3A_162, %dma_wait3A_167] : memref<80x128xi32, #tpu.memory_space<vmem>> -> memref<1x128xi32, #tpu.memory_space<vmem>>
    %dma_wait3A_169 = tpu.memref_squeeze %dma_wait3A_168 : memref<1x128xi32, #tpu.memory_space<vmem>> -> memref<128xi32, #tpu.memory_space<vmem>>
    %dma_wait3A_170 = arith.constant 0 : i32
    %dma_wait3A_171 = tpu.memref_slice %arg10[%dma_wait3A_170] : memref<10240xf32, #tpu.memory_space<vmem_shared>> -> memref<10240xf32, #tpu.memory_space<vmem_shared>>
    %dma_wait3A_172 = tpu.memref_slice %arg23[%dma_wait3A_163] : memref<4x!tpu.dma_semaphore, #tpu.memory_space<semaphore_mem>> -> memref<1x!tpu.dma_semaphore, #tpu.memory_space<semaphore_mem>>
    %dma_wait3A_173 = tpu.memref_squeeze %dma_wait3A_172 : memref<1x!tpu.dma_semaphore, #tpu.memory_space<semaphore_mem>> -> memref<!tpu.dma_semaphore, #tpu.memory_space<semaphore_mem>>
    tpu.wait_indirect_dma semaphore(%dma_wait3A_173 : memref<!tpu.dma_semaphore, #tpu.memory_space<semaphore_mem>>) src(%dma_wait3A_166 : memref<128xf32, #tpu.memory_space<vmem>>) dst(%dma_wait3A_171 : memref<10240xf32, #tpu.memory_space<vmem_shared>>)
    %barrier3A_174 = arith.constant 0 : index
    tpu.barrier barrier_id(%barrier3A_174)
    "tpu.region"() ({
      %run_scoped3A_185 = tpu.sem_alloc : memref<!tpu.dma_semaphore, #tpu.memory_space<semaphore_mem>>
      %dma_start3A_186 = tpu.memref_slice %arg10[%mul3A_2] : memref<10240xf32, #tpu.memory_space<vmem_shared>> -> memref<640xf32, #tpu.memory_space<vmem_shared>>
      %dma_start3A_187 = tpu.memref_slice %arg10[%mul3A_2] : memref<10240xf32, #tpu.memory_space<vmem_shared>> -> memref<640xf32, #tpu.memory_space<vmem_shared>>
      tpu.enqueue_dma source(%dma_start3A_187 : memref<640xf32, #tpu.memory_space<vmem_shared>>) target(%arg17 : memref<640xf32, #tpu.memory_space<vmem>>) target_semaphore(%run_scoped3A_185 : memref<!tpu.dma_semaphore, #tpu.memory_space<semaphore_mem>>)
      %dma_wait3A_188 = tpu.memref_slice %arg10[%mul3A_2] : memref<10240xf32, #tpu.memory_space<vmem_shared>> -> memref<640xf32, #tpu.memory_space<vmem_shared>>
      %dma_wait3A_189 = tpu.memref_slice %arg10[%mul3A_2] : memref<10240xf32, #tpu.memory_space<vmem_shared>> -> memref<640xf32, #tpu.memory_space<vmem_shared>>
      tpu.wait_dma2 semaphore(%run_scoped3A_185 : memref<!tpu.dma_semaphore, #tpu.memory_space<semaphore_mem>>) src(%dma_wait3A_189 : memref<640xf32, #tpu.memory_space<vmem_shared>>) dst(%arg17 : memref<640xf32, #tpu.memory_space<vmem>>)
      tpu.yield
    }) : () -> ()
    %broadcast_in_dim3A = arith.constant 1.000000e+00 : f32
    %broadcast_in_dim3A_175 = vector.broadcast %broadcast_in_dim3A : f32 to vector<16xf32>
    %eq3A = arith.constant 0 : i32
    %eq3A_176 = arith.cmpi eq, %arg0, %eq3A : i32
    %convert_element_type3A = arith.extui %eq3A_176 : i1 to i32
    %convert_element_type3A_177 = arith.sitofp %convert_element_type3A : i32 to f32
    %mul3A_178 = vector.broadcast %convert_element_type3A_177 : f32 to vector<16xf32>
    %mul3A_179 = arith.mulf %broadcast_in_dim3A_175, %mul3A_178 : vector<16xf32>
    %scan3A_180 = arith.constant 0 : i32
    %scan3A_181 = arith.constant 5 : i32
    %scan3A_182 = arith.addi %scan3A_180, %scan3A_181 : i32
    %scan3A_183 = arith.constant 1 : i32
    scf.for %scan3A_185 = %scan3A_180 to %scan3A_182 step %scan3A_183  : i32 {
      %mul3A_186 = arith.constant 128 : i32
      %mul3A_187 = arith.muli %scan3A_185, %mul3A_186 : i32
      %add3A_188 = arith.constant 0 : i32
      %add3A_189 = arith.addi %add3A_188, %mul3A_187 : i32
      %add3A_190 = arith.addi %mul3A_2, %add3A_189 : i32
      %run_scoped3A_191 = arith.constant 0 : i32
      "tpu.region"() ({
        %run_scoped3A_248 = tpu.sem_alloc : memref<!tpu.dma_semaphore, #tpu.memory_space<semaphore_mem>>
        %dma_start3A_249 = arith.constant 0 : i32
        %dma_start3A_250 = arith.constant 0 : i32
        %dma_start3A_251 = tpu.memref_slice %arg15[%run_scoped3A_191, %dma_start3A_249, %dma_start3A_250] : memref<4x128x64xf32, #tpu.memory_space<vmem>> -> memref<1x128x64xf32, #tpu.memory_space<vmem>>
        %dma_start3A_252 = tpu.memref_squeeze %dma_start3A_251 : memref<1x128x64xf32, #tpu.memory_space<vmem>> -> memref<128x64xf32, #tpu.memory_space<vmem>>
        %dma_start3A_253 = arith.constant 0 : i32
        %dma_start3A_254 = tpu.memref_slice %arg9[%add3A_190, %dma_start3A_253] : memref<10240x64xf32, #tpu.memory_space<vmem_shared>> -> memref<128x64xf32, #tpu.memory_space<vmem_shared>>
        %dma_start3A_255 = arith.constant 0 : i32
        %dma_start3A_256 = arith.constant 0 : i32
        %dma_start3A_257 = tpu.memref_slice %arg15[%run_scoped3A_191, %dma_start3A_255, %dma_start3A_256] : memref<4x128x64xf32, #tpu.memory_space<vmem>> -> memref<1x128x64xf32, #tpu.memory_space<vmem>>
        %dma_start3A_258 = tpu.memref_squeeze %dma_start3A_257 : memref<1x128x64xf32, #tpu.memory_space<vmem>> -> memref<128x64xf32, #tpu.memory_space<vmem>>
        %dma_start3A_259 = arith.constant 0 : i32
        %dma_start3A_260 = tpu.memref_slice %arg9[%add3A_190, %dma_start3A_259] : memref<10240x64xf32, #tpu.memory_space<vmem_shared>> -> memref<128x64xf32, #tpu.memory_space<vmem_shared>>
        tpu.enqueue_dma source(%dma_start3A_260 : memref<128x64xf32, #tpu.memory_space<vmem_shared>>) target(%dma_start3A_258 : memref<128x64xf32, #tpu.memory_space<vmem>>) target_semaphore(%run_scoped3A_248 : memref<!tpu.dma_semaphore, #tpu.memory_space<semaphore_mem>>)
        %dma_wait3A_261 = arith.constant 0 : i32
        %dma_wait3A_262 = arith.constant 0 : i32
        %dma_wait3A_263 = tpu.memref_slice %arg15[%run_scoped3A_191, %dma_wait3A_261, %dma_wait3A_262] : memref<4x128x64xf32, #tpu.memory_space<vmem>> -> memref<1x128x64xf32, #tpu.memory_space<vmem>>
        %dma_wait3A_264 = tpu.memref_squeeze %dma_wait3A_263 : memref<1x128x64xf32, #tpu.memory_space<vmem>> -> memref<128x64xf32, #tpu.memory_space<vmem>>
        %dma_wait3A_265 = arith.constant 0 : i32
        %dma_wait3A_266 = tpu.memref_slice %arg9[%add3A_190, %dma_wait3A_265] : memref<10240x64xf32, #tpu.memory_space<vmem_shared>> -> memref<128x64xf32, #tpu.memory_space<vmem_shared>>
        %dma_wait3A_267 = arith.constant 0 : i32
        %dma_wait3A_268 = arith.constant 0 : i32
        %dma_wait3A_269 = tpu.memref_slice %arg15[%run_scoped3A_191, %dma_wait3A_267, %dma_wait3A_268] : memref<4x128x64xf32, #tpu.memory_space<vmem>> -> memref<1x128x64xf32, #tpu.memory_space<vmem>>
        %dma_wait3A_270 = tpu.memref_squeeze %dma_wait3A_269 : memref<1x128x64xf32, #tpu.memory_space<vmem>> -> memref<128x64xf32, #tpu.memory_space<vmem>>
        %dma_wait3A_271 = arith.constant 0 : i32
        %dma_wait3A_272 = tpu.memref_slice %arg9[%add3A_190, %dma_wait3A_271] : memref<10240x64xf32, #tpu.memory_space<vmem_shared>> -> memref<128x64xf32, #tpu.memory_space<vmem_shared>>
        tpu.wait_dma2 semaphore(%run_scoped3A_248 : memref<!tpu.dma_semaphore, #tpu.memory_space<semaphore_mem>>) src(%dma_wait3A_272 : memref<128x64xf32, #tpu.memory_space<vmem_shared>>) dst(%dma_wait3A_270 : memref<128x64xf32, #tpu.memory_space<vmem>>)
        tpu.yield
      }) : () -> ()
      %add3A_192 = arith.addi %mul3A_2, %add3A_189 : i32
      %run_scoped3A_193 = arith.constant 1 : i32
      "tpu.region"() ({
        %run_scoped3A_248 = tpu.sem_alloc : memref<!tpu.dma_semaphore, #tpu.memory_space<semaphore_mem>>
        %dma_start3A_249 = arith.constant 0 : i32
        %dma_start3A_250 = arith.constant 0 : i32
        %dma_start3A_251 = tpu.memref_slice %arg15[%run_scoped3A_193, %dma_start3A_249, %dma_start3A_250] : memref<4x128x64xf32, #tpu.memory_space<vmem>> -> memref<1x128x64xf32, #tpu.memory_space<vmem>>
        %dma_start3A_252 = tpu.memref_squeeze %dma_start3A_251 : memref<1x128x64xf32, #tpu.memory_space<vmem>> -> memref<128x64xf32, #tpu.memory_space<vmem>>
        %dma_start3A_253 = arith.constant 0 : i32
        %dma_start3A_254 = tpu.memref_slice %arg5[%add3A_192, %dma_start3A_253] : memref<10240x64xf32, #tpu.memory_space<hbm>> -> memref<128x64xf32, #tpu.memory_space<hbm>>
        %dma_start3A_255 = arith.constant 0 : i32
        %dma_start3A_256 = arith.constant 0 : i32
        %dma_start3A_257 = tpu.memref_slice %arg15[%run_scoped3A_193, %dma_start3A_255, %dma_start3A_256] : memref<4x128x64xf32, #tpu.memory_space<vmem>> -> memref<1x128x64xf32, #tpu.memory_space<vmem>>
        %dma_start3A_258 = tpu.memref_squeeze %dma_start3A_257 : memref<1x128x64xf32, #tpu.memory_space<vmem>> -> memref<128x64xf32, #tpu.memory_space<vmem>>
        %dma_start3A_259 = arith.constant 0 : i32
        %dma_start3A_260 = tpu.memref_slice %arg5[%add3A_192, %dma_start3A_259] : memref<10240x64xf32, #tpu.memory_space<hbm>> -> memref<128x64xf32, #tpu.memory_space<hbm>>
        tpu.enqueue_dma source(%dma_start3A_260 : memref<128x64xf32, #tpu.memory_space<hbm>>) target(%dma_start3A_258 : memref<128x64xf32, #tpu.memory_space<vmem>>) target_semaphore(%run_scoped3A_248 : memref<!tpu.dma_semaphore, #tpu.memory_space<semaphore_mem>>)
        %dma_wait3A_261 = arith.constant 0 : i32
        %dma_wait3A_262 = arith.constant 0 : i32
        %dma_wait3A_263 = tpu.memref_slice %arg15[%run_scoped3A_193, %dma_wait3A_261, %dma_wait3A_262] : memref<4x128x64xf32, #tpu.memory_space<vmem>> -> memref<1x128x64xf32, #tpu.memory_space<vmem>>
        %dma_wait3A_264 = tpu.memref_squeeze %dma_wait3A_263 : memref<1x128x64xf32, #tpu.memory_space<vmem>> -> memref<128x64xf32, #tpu.memory_space<vmem>>
        %dma_wait3A_265 = arith.constant 0 : i32
        %dma_wait3A_266 = tpu.memref_slice %arg5[%add3A_192, %dma_wait3A_265] : memref<10240x64xf32, #tpu.memory_space<hbm>> -> memref<128x64xf32, #tpu.memory_space<hbm>>
        %dma_wait3A_267 = arith.constant 0 : i32
        %dma_wait3A_268 = arith.constant 0 : i32
        %dma_wait3A_269 = tpu.memref_slice %arg15[%run_scoped3A_193, %dma_wait3A_267, %dma_wait3A_268] : memref<4x128x64xf32, #tpu.memory_space<vmem>> -> memref<1x128x64xf32, #tpu.memory_space<vmem>>
        %dma_wait3A_270 = tpu.memref_squeeze %dma_wait3A_269 : memref<1x128x64xf32, #tpu.memory_space<vmem>> -> memref<128x64xf32, #tpu.memory_space<vmem>>
        %dma_wait3A_271 = arith.constant 0 : i32
        %dma_wait3A_272 = tpu.memref_slice %arg5[%add3A_192, %dma_wait3A_271] : memref<10240x64xf32, #tpu.memory_space<hbm>> -> memref<128x64xf32, #tpu.memory_space<hbm>>
        tpu.wait_dma2 semaphore(%run_scoped3A_248 : memref<!tpu.dma_semaphore, #tpu.memory_space<semaphore_mem>>) src(%dma_wait3A_272 : memref<128x64xf32, #tpu.memory_space<hbm>>) dst(%dma_wait3A_270 : memref<128x64xf32, #tpu.memory_space<vmem>>)
        tpu.yield
      }) : () -> ()
      %scan3A_194 = arith.constant 0 : i32
      %scan3A_195 = arith.constant 1 : i32
      %scan3A_196 = arith.constant 0 : i32
      %scan3A_197 = arith.constant 64 : i32
      %scan3A_198 = arith.addi %scan3A_196, %scan3A_197 : i32
      %scan3A_199 = arith.constant 1 : i32
      scf.for %scan3A_248 = %scan3A_196 to %scan3A_198 step %scan3A_199  : i32 {
        %mul3A_249 = arith.constant 1 : i32
        %mul3A_250 = arith.muli %scan3A_248, %mul3A_249 : i32
        %add3A_251 = arith.constant 0 : i32
        %add3A_252 = arith.addi %add3A_251, %mul3A_250 : i32
        %mul3A_253 = arith.constant 2 : i32
        %mul3A_254 = arith.muli %mul3A_253, %add3A_252 : i32
        %add3A_255 = arith.addi %add3A_189, %mul3A_254 : i32
        %broadcast_in_dim3A_256 = vector.broadcast %add3A_255 : i32 to vector<16xi32>
        %gather3A = tpu.vector_load_idx %arg19[%broadcast_in_dim3A_256] : memref<640xf32, #tpu.memory_space<vmem>>[vector<16xi32>], vector<16xf32>,
        %mul3A_257 = arith.constant 2 : i32
        %mul3A_258 = arith.muli %mul3A_257, %add3A_252 : i32
        %add3A_259 = arith.addi %add3A_189, %mul3A_258 : i32
        %add3A_260 = arith.constant 1 : i32
        %add3A_261 = arith.addi %add3A_259, %add3A_260 : i32
        %broadcast_in_dim3A_262 = vector.broadcast %add3A_261 : i32 to vector<16xi32>
        %gather3A_263 = tpu.vector_load_idx %arg19[%broadcast_in_dim3A_262] : memref<640xf32, #tpu.memory_space<vmem>>[vector<16xi32>], vector<16xf32>,
        %mul3A_264 = arith.constant 2 : i32
        %mul3A_265 = arith.muli %mul3A_264, %add3A_252 : i32
        %get3A = arith.constant 0 : i32
        %get3A_266 = arith.constant 0 : i32
        %get3A_267 = tpu.memref_slice %arg15[%scan3A_194, %get3A, %get3A_266] : memref<4x128x64xf32, #tpu.memory_space<vmem>> -> memref<1x128x64xf32, #tpu.memory_space<vmem>>
        %get3A_268 = tpu.memref_squeeze %get3A_267 : memref<1x128x64xf32, #tpu.memory_space<vmem>> -> memref<128x64xf32, #tpu.memory_space<vmem>>
        %get3A_269 = arith.index_cast %mul3A_265 : i32 to index
        %get3A_270 = arith.constant 0 : index
        %get3A_271 = tpu.vector_load %get3A_268[%get3A_269, %get3A_270] {strides = array<i32>} : memref<128x64xf32, #tpu.memory_space<vmem>>, vector<16xf32>,
        %mul3A_272 = arith.mulf %get3A_271, %gather3A : vector<16xf32>
        %mul3A_273 = arith.constant 2 : i32
        %mul3A_274 = arith.muli %mul3A_273, %add3A_252 : i32
        %get3A_275 = arith.constant 0 : i32
        %get3A_276 = arith.constant 0 : i32
        %get3A_277 = tpu.memref_slice %arg15[%scan3A_195, %get3A_275, %get3A_276] : memref<4x128x64xf32, #tpu.memory_space<vmem>> -> memref<1x128x64xf32, #tpu.memory_space<vmem>>
        %get3A_278 = tpu.memref_squeeze %get3A_277 : memref<1x128x64xf32, #tpu.memory_space<vmem>> -> memref<128x64xf32, #tpu.memory_space<vmem>>
        %get3A_279 = arith.index_cast %mul3A_274 : i32 to index
        %get3A_280 = arith.constant 0 : index
        %get3A_281 = tpu.vector_load %get3A_278[%get3A_279, %get3A_280] {strides = array<i32>} : memref<128x64xf32, #tpu.memory_space<vmem>>, vector<16xf32>,
        %mul3A_282 = arith.mulf %get3A_281, %mul3A_179 : vector<16xf32>
        %add3A_283 = arith.addf %mul3A_272, %mul3A_282 : vector<16xf32>
        %swap3A = arith.index_cast %add3A_252 : i32 to index
        %swap3A_284 = arith.constant 0 : index
        %swap3A_285 = tpu.vector_load %arg20[%swap3A, %swap3A_284] {strides = array<i32>} : memref<64x128xf32, #tpu.memory_space<vmem>>, vector<16xf32>,
        tpu.vector_store %arg20[%swap3A, %swap3A_284], %add3A_283 {strides = array<i32>} : memref<64x128xf32, #tpu.memory_space<vmem>>, vector<16xf32>,
        %mul3A_286 = arith.constant 2 : i32
        %mul3A_287 = arith.muli %mul3A_286, %add3A_252 : i32
        %add3A_288 = arith.constant 1 : i32
        %add3A_289 = arith.addi %mul3A_287, %add3A_288 : i32
        %get3A_290 = arith.constant 0 : i32
        %get3A_291 = arith.constant 0 : i32
        %get3A_292 = tpu.memref_slice %arg15[%scan3A_194, %get3A_290, %get3A_291] : memref<4x128x64xf32, #tpu.memory_space<vmem>> -> memref<1x128x64xf32, #tpu.memory_space<vmem>>
        %get3A_293 = tpu.memref_squeeze %get3A_292 : memref<1x128x64xf32, #tpu.memory_space<vmem>> -> memref<128x64xf32, #tpu.memory_space<vmem>>
        %get3A_294 = arith.index_cast %add3A_289 : i32 to index
        %get3A_295 = arith.constant 0 : index
        %get3A_296 = tpu.vector_load %get3A_293[%get3A_294, %get3A_295] {strides = array<i32>} : memref<128x64xf32, #tpu.memory_space<vmem>>, vector<16xf32>,
        %mul3A_297 = arith.mulf %get3A_296, %gather3A_263 : vector<16xf32>
        %mul3A_298 = arith.constant 2 : i32
        %mul3A_299 = arith.muli %mul3A_298, %add3A_252 : i32
        %add3A_300 = arith.constant 1 : i32
        %add3A_301 = arith.addi %mul3A_299, %add3A_300 : i32
        %get3A_302 = arith.constant 0 : i32
        %get3A_303 = arith.constant 0 : i32
        %get3A_304 = tpu.memref_slice %arg15[%scan3A_195, %get3A_302, %get3A_303] : memref<4x128x64xf32, #tpu.memory_space<vmem>> -> memref<1x128x64xf32, #tpu.memory_space<vmem>>
        %get3A_305 = tpu.memref_squeeze %get3A_304 : memref<1x128x64xf32, #tpu.memory_space<vmem>> -> memref<128x64xf32, #tpu.memory_space<vmem>>
        %get3A_306 = arith.index_cast %add3A_301 : i32 to index
        %get3A_307 = arith.constant 0 : index
        %get3A_308 = tpu.vector_load %get3A_305[%get3A_306, %get3A_307] {strides = array<i32>} : memref<128x64xf32, #tpu.memory_space<vmem>>, vector<16xf32>,
        %mul3A_309 = arith.mulf %get3A_308, %mul3A_179 : vector<16xf32>
        %add3A_310 = arith.addf %mul3A_297, %mul3A_309 : vector<16xf32>
        %swap3A_311 = arith.index_cast %add3A_252 : i32 to index
        %swap3A_312 = arith.constant 64 : index
        %swap3A_313 = tpu.vector_load %arg20[%swap3A_311, %swap3A_312] {strides = array<i32>} : memref<64x128xf32, #tpu.memory_space<vmem>>, vector<16xf32>,
        tpu.vector_store %arg20[%swap3A_311, %swap3A_312], %add3A_310 {strides = array<i32>} : memref<64x128xf32, #tpu.memory_space<vmem>>, vector<16xf32>,
        %mul3A_314 = arith.constant 2 : i32
        %mul3A_315 = arith.muli %mul3A_314, %add3A_252 : i32
        %get3A_316 = arith.constant 0 : i32
        %get3A_317 = arith.constant 0 : i32
        %get3A_318 = tpu.memref_slice %arg15[%scan3A_194, %get3A_316, %get3A_317] : memref<4x128x64xf32, #tpu.memory_space<vmem>> -> memref<1x128x64xf32, #tpu.memory_space<vmem>>
        %get3A_319 = tpu.memref_squeeze %get3A_318 : memref<1x128x64xf32, #tpu.memory_space<vmem>> -> memref<128x64xf32, #tpu.memory_space<vmem>>
        %get3A_320 = arith.index_cast %mul3A_315 : i32 to index
        %get3A_321 = arith.constant 16 : index
        %get3A_322 = tpu.vector_load %get3A_319[%get3A_320, %get3A_321] {strides = array<i32>} : memref<128x64xf32, #tpu.memory_space<vmem>>, vector<16xf32>,
        %mul3A_323 = arith.mulf %get3A_322, %gather3A : vector<16xf32>
        %mul3A_324 = arith.constant 2 : i32
        %mul3A_325 = arith.muli %mul3A_324, %add3A_252 : i32
        %get3A_326 = arith.constant 0 : i32
        %get3A_327 = arith.constant 0 : i32
        %get3A_328 = tpu.memref_slice %arg15[%scan3A_195, %get3A_326, %get3A_327] : memref<4x128x64xf32, #tpu.memory_space<vmem>> -> memref<1x128x64xf32, #tpu.memory_space<vmem>>
        %get3A_329 = tpu.memref_squeeze %get3A_328 : memref<1x128x64xf32, #tpu.memory_space<vmem>> -> memref<128x64xf32, #tpu.memory_space<vmem>>
        %get3A_330 = arith.index_cast %mul3A_325 : i32 to index
        %get3A_331 = arith.constant 16 : index
        %get3A_332 = tpu.vector_load %get3A_329[%get3A_330, %get3A_331] {strides = array<i32>} : memref<128x64xf32, #tpu.memory_space<vmem>>, vector<16xf32>,
        %mul3A_333 = arith.mulf %get3A_332, %mul3A_179 : vector<16xf32>
        %add3A_334 = arith.addf %mul3A_323, %mul3A_333 : vector<16xf32>
        %swap3A_335 = arith.index_cast %add3A_252 : i32 to index
        %swap3A_336 = arith.constant 16 : index
        %swap3A_337 = tpu.vector_load %arg20[%swap3A_335, %swap3A_336] {strides = array<i32>} : memref<64x128xf32, #tpu.memory_space<vmem>>, vector<16xf32>,
        tpu.vector_store %arg20[%swap3A_335, %swap3A_336], %add3A_334 {strides = array<i32>} : memref<64x128xf32, #tpu.memory_space<vmem>>, vector<16xf32>,
        %mul3A_338 = arith.constant 2 : i32
        %mul3A_339 = arith.muli %mul3A_338, %add3A_252 : i32
        %add3A_340 = arith.constant 1 : i32
        %add3A_341 = arith.addi %mul3A_339, %add3A_340 : i32
        %get3A_342 = arith.constant 0 : i32
        %get3A_343 = arith.constant 0 : i32
        %get3A_344 = tpu.memref_slice %arg15[%scan3A_194, %get3A_342, %get3A_343] : memref<4x128x64xf32, #tpu.memory_space<vmem>> -> memref<1x128x64xf32, #tpu.memory_space<vmem>>
        %get3A_345 = tpu.memref_squeeze %get3A_344 : memref<1x128x64xf32, #tpu.memory_space<vmem>> -> memref<128x64xf32, #tpu.memory_space<vmem>>
        %get3A_346 = arith.index_cast %add3A_341 : i32 to index
        %get3A_347 = arith.constant 16 : index
        %get3A_348 = tpu.vector_load %get3A_345[%get3A_346, %get3A_347] {strides = array<i32>} : memref<128x64xf32, #tpu.memory_space<vmem>>, vector<16xf32>,
        %mul3A_349 = arith.mulf %get3A_348, %gather3A_263 : vector<16xf32>
        %mul3A_350 = arith.constant 2 : i32
        %mul3A_351 = arith.muli %mul3A_350, %add3A_252 : i32
        %add3A_352 = arith.constant 1 : i32
        %add3A_353 = arith.addi %mul3A_351, %add3A_352 : i32
        %get3A_354 = arith.constant 0 : i32
        %get3A_355 = arith.constant 0 : i32
        %get3A_356 = tpu.memref_slice %arg15[%scan3A_195, %get3A_354, %get3A_355] : memref<4x128x64xf32, #tpu.memory_space<vmem>> -> memref<1x128x64xf32, #tpu.memory_space<vmem>>
        %get3A_357 = tpu.memref_squeeze %get3A_356 : memref<1x128x64xf32, #tpu.memory_space<vmem>> -> memref<128x64xf32, #tpu.memory_space<vmem>>
        %get3A_358 = arith.index_cast %add3A_353 : i32 to index
        %get3A_359 = arith.constant 16 : index
        %get3A_360 = tpu.vector_load %get3A_357[%get3A_358, %get3A_359] {strides = array<i32>} : memref<128x64xf32, #tpu.memory_space<vmem>>, vector<16xf32>,
        %mul3A_361 = arith.mulf %get3A_360, %mul3A_179 : vector<16xf32>
        %add3A_362 = arith.addf %mul3A_349, %mul3A_361 : vector<16xf32>
        %swap3A_363 = arith.index_cast %add3A_252 : i32 to index
        %swap3A_364 = arith.constant 80 : index
        %swap3A_365 = tpu.vector_load %arg20[%swap3A_363, %swap3A_364] {strides = array<i32>} : memref<64x128xf32, #tpu.memory_space<vmem>>, vector<16xf32>,
        tpu.vector_store %arg20[%swap3A_363, %swap3A_364], %add3A_362 {strides = array<i32>} : memref<64x128xf32, #tpu.memory_space<vmem>>, vector<16xf32>,
        %mul3A_366 = arith.constant 2 : i32
        %mul3A_367 = arith.muli %mul3A_366, %add3A_252 : i32
        %get3A_368 = arith.constant 0 : i32
        %get3A_369 = arith.constant 0 : i32
        %get3A_370 = tpu.memref_slice %arg15[%scan3A_194, %get3A_368, %get3A_369] : memref<4x128x64xf32, #tpu.memory_space<vmem>> -> memref<1x128x64xf32, #tpu.memory_space<vmem>>
        %get3A_371 = tpu.memref_squeeze %get3A_370 : memref<1x128x64xf32, #tpu.memory_space<vmem>> -> memref<128x64xf32, #tpu.memory_space<vmem>>
        %get3A_372 = arith.index_cast %mul3A_367 : i32 to index
        %get3A_373 = arith.constant 32 : index
        %get3A_374 = tpu.vector_load %get3A_371[%get3A_372, %get3A_373] {strides = array<i32>} : memref<128x64xf32, #tpu.memory_space<vmem>>, vector<16xf32>,
        %mul3A_375 = arith.mulf %get3A_374, %gather3A : vector<16xf32>
        %mul3A_376 = arith.constant 2 : i32
        %mul3A_377 = arith.muli %mul3A_376, %add3A_252 : i32
        %get3A_378 = arith.constant 0 : i32
        %get3A_379 = arith.constant 0 : i32
        %get3A_380 = tpu.memref_slice %arg15[%scan3A_195, %get3A_378, %get3A_379] : memref<4x128x64xf32, #tpu.memory_space<vmem>> -> memref<1x128x64xf32, #tpu.memory_space<vmem>>
        %get3A_381 = tpu.memref_squeeze %get3A_380 : memref<1x128x64xf32, #tpu.memory_space<vmem>> -> memref<128x64xf32, #tpu.memory_space<vmem>>
        %get3A_382 = arith.index_cast %mul3A_377 : i32 to index
        %get3A_383 = arith.constant 32 : index
        %get3A_384 = tpu.vector_load %get3A_381[%get3A_382, %get3A_383] {strides = array<i32>} : memref<128x64xf32, #tpu.memory_space<vmem>>, vector<16xf32>,
        %mul3A_385 = arith.mulf %get3A_384, %mul3A_179 : vector<16xf32>
        %add3A_386 = arith.addf %mul3A_375, %mul3A_385 : vector<16xf32>
        %swap3A_387 = arith.index_cast %add3A_252 : i32 to index
        %swap3A_388 = arith.constant 32 : index
        %swap3A_389 = tpu.vector_load %arg20[%swap3A_387, %swap3A_388] {strides = array<i32>} : memref<64x128xf32, #tpu.memory_space<vmem>>, vector<16xf32>,
        tpu.vector_store %arg20[%swap3A_387, %swap3A_388], %add3A_386 {strides = array<i32>} : memref<64x128xf32, #tpu.memory_space<vmem>>, vector<16xf32>,
        %mul3A_390 = arith.constant 2 : i32
        %mul3A_391 = arith.muli %mul3A_390, %add3A_252 : i32
        %add3A_392 = arith.constant 1 : i32
        %add3A_393 = arith.addi %mul3A_391, %add3A_392 : i32
        %get3A_394 = arith.constant 0 : i32
        %get3A_395 = arith.constant 0 : i32
        %get3A_396 = tpu.memref_slice %arg15[%scan3A_194, %get3A_394, %get3A_395] : memref<4x128x64xf32, #tpu.memory_space<vmem>> -> memref<1x128x64xf32, #tpu.memory_space<vmem>>
        %get3A_397 = tpu.memref_squeeze %get3A_396 : memref<1x128x64xf32, #tpu.memory_space<vmem>> -> memref<128x64xf32, #tpu.memory_space<vmem>>
        %get3A_398 = arith.index_cast %add3A_393 : i32 to index
        %get3A_399 = arith.constant 32 : index
        %get3A_400 = tpu.vector_load %get3A_397[%get3A_398, %get3A_399] {strides = array<i32>} : memref<128x64xf32, #tpu.memory_space<vmem>>, vector<16xf32>,
        %mul3A_401 = arith.mulf %get3A_400, %gather3A_263 : vector<16xf32>
        %mul3A_402 = arith.constant 2 : i32
        %mul3A_403 = arith.muli %mul3A_402, %add3A_252 : i32
        %add3A_404 = arith.constant 1 : i32
        %add3A_405 = arith.addi %mul3A_403, %add3A_404 : i32
        %get3A_406 = arith.constant 0 : i32
        %get3A_407 = arith.constant 0 : i32
        %get3A_408 = tpu.memref_slice %arg15[%scan3A_195, %get3A_406, %get3A_407] : memref<4x128x64xf32, #tpu.memory_space<vmem>> -> memref<1x128x64xf32, #tpu.memory_space<vmem>>
        %get3A_409 = tpu.memref_squeeze %get3A_408 : memref<1x128x64xf32, #tpu.memory_space<vmem>> -> memref<128x64xf32, #tpu.memory_space<vmem>>
        %get3A_410 = arith.index_cast %add3A_405 : i32 to index
        %get3A_411 = arith.constant 32 : index
        %get3A_412 = tpu.vector_load %get3A_409[%get3A_410, %get3A_411] {strides = array<i32>} : memref<128x64xf32, #tpu.memory_space<vmem>>, vector<16xf32>,
        %mul3A_413 = arith.mulf %get3A_412, %mul3A_179 : vector<16xf32>
        %add3A_414 = arith.addf %mul3A_401, %mul3A_413 : vector<16xf32>
        %swap3A_415 = arith.index_cast %add3A_252 : i32 to index
        %swap3A_416 = arith.constant 96 : index
        %swap3A_417 = tpu.vector_load %arg20[%swap3A_415, %swap3A_416] {strides = array<i32>} : memref<64x128xf32, #tpu.memory_space<vmem>>, vector<16xf32>,
        tpu.vector_store %arg20[%swap3A_415, %swap3A_416], %add3A_414 {strides = array<i32>} : memref<64x128xf32, #tpu.memory_space<vmem>>, vector<16xf32>,
        %mul3A_418 = arith.constant 2 : i32
        %mul3A_419 = arith.muli %mul3A_418, %add3A_252 : i32
        %get3A_420 = arith.constant 0 : i32
        %get3A_421 = arith.constant 0 : i32
        %get3A_422 = tpu.memref_slice %arg15[%scan3A_194, %get3A_420, %get3A_421] : memref<4x128x64xf32, #tpu.memory_space<vmem>> -> memref<1x128x64xf32, #tpu.memory_space<vmem>>
        %get3A_423 = tpu.memref_squeeze %get3A_422 : memref<1x128x64xf32, #tpu.memory_space<vmem>> -> memref<128x64xf32, #tpu.memory_space<vmem>>
        %get3A_424 = arith.index_cast %mul3A_419 : i32 to index
        %get3A_425 = arith.constant 48 : index
        %get3A_426 = tpu.vector_load %get3A_423[%get3A_424, %get3A_425] {strides = array<i32>} : memref<128x64xf32, #tpu.memory_space<vmem>>, vector<16xf32>,
        %mul3A_427 = arith.mulf %get3A_426, %gather3A : vector<16xf32>
        %mul3A_428 = arith.constant 2 : i32
        %mul3A_429 = arith.muli %mul3A_428, %add3A_252 : i32
        %get3A_430 = arith.constant 0 : i32
        %get3A_431 = arith.constant 0 : i32
        %get3A_432 = tpu.memref_slice %arg15[%scan3A_195, %get3A_430, %get3A_431] : memref<4x128x64xf32, #tpu.memory_space<vmem>> -> memref<1x128x64xf32, #tpu.memory_space<vmem>>
        %get3A_433 = tpu.memref_squeeze %get3A_432 : memref<1x128x64xf32, #tpu.memory_space<vmem>> -> memref<128x64xf32, #tpu.memory_space<vmem>>
        %get3A_434 = arith.index_cast %mul3A_429 : i32 to index
        %get3A_435 = arith.constant 48 : index
        %get3A_436 = tpu.vector_load %get3A_433[%get3A_434, %get3A_435] {strides = array<i32>} : memref<128x64xf32, #tpu.memory_space<vmem>>, vector<16xf32>,
        %mul3A_437 = arith.mulf %get3A_436, %mul3A_179 : vector<16xf32>
        %add3A_438 = arith.addf %mul3A_427, %mul3A_437 : vector<16xf32>
        %swap3A_439 = arith.index_cast %add3A_252 : i32 to index
        %swap3A_440 = arith.constant 48 : index
        %swap3A_441 = tpu.vector_load %arg20[%swap3A_439, %swap3A_440] {strides = array<i32>} : memref<64x128xf32, #tpu.memory_space<vmem>>, vector<16xf32>,
        tpu.vector_store %arg20[%swap3A_439, %swap3A_440], %add3A_438 {strides = array<i32>} : memref<64x128xf32, #tpu.memory_space<vmem>>, vector<16xf32>,
        %mul3A_442 = arith.constant 2 : i32
        %mul3A_443 = arith.muli %mul3A_442, %add3A_252 : i32
        %add3A_444 = arith.constant 1 : i32
        %add3A_445 = arith.addi %mul3A_443, %add3A_444 : i32
        %get3A_446 = arith.constant 0 : i32
        %get3A_447 = arith.constant 0 : i32
        %get3A_448 = tpu.memref_slice %arg15[%scan3A_194, %get3A_446, %get3A_447] : memref<4x128x64xf32, #tpu.memory_space<vmem>> -> memref<1x128x64xf32, #tpu.memory_space<vmem>>
        %get3A_449 = tpu.memref_squeeze %get3A_448 : memref<1x128x64xf32, #tpu.memory_space<vmem>> -> memref<128x64xf32, #tpu.memory_space<vmem>>
        %get3A_450 = arith.index_cast %add3A_445 : i32 to index
        %get3A_451 = arith.constant 48 : index
        %get3A_452 = tpu.vector_load %get3A_449[%get3A_450, %get3A_451] {strides = array<i32>} : memref<128x64xf32, #tpu.memory_space<vmem>>, vector<16xf32>,
        %mul3A_453 = arith.mulf %get3A_452, %gather3A_263 : vector<16xf32>
        %mul3A_454 = arith.constant 2 : i32
        %mul3A_455 = arith.muli %mul3A_454, %add3A_252 : i32
        %add3A_456 = arith.constant 1 : i32
        %add3A_457 = arith.addi %mul3A_455, %add3A_456 : i32
        %get3A_458 = arith.constant 0 : i32
        %get3A_459 = arith.constant 0 : i32
        %get3A_460 = tpu.memref_slice %arg15[%scan3A_195, %get3A_458, %get3A_459] : memref<4x128x64xf32, #tpu.memory_space<vmem>> -> memref<1x128x64xf32, #tpu.memory_space<vmem>>
        %get3A_461 = tpu.memref_squeeze %get3A_460 : memref<1x128x64xf32, #tpu.memory_space<vmem>> -> memref<128x64xf32, #tpu.memory_space<vmem>>
        %get3A_462 = arith.index_cast %add3A_457 : i32 to index
        %get3A_463 = arith.constant 48 : index
        %get3A_464 = tpu.vector_load %get3A_461[%get3A_462, %get3A_463] {strides = array<i32>} : memref<128x64xf32, #tpu.memory_space<vmem>>, vector<16xf32>,
        %mul3A_465 = arith.mulf %get3A_464, %mul3A_179 : vector<16xf32>
        %add3A_466 = arith.addf %mul3A_453, %mul3A_465 : vector<16xf32>
        %swap3A_467 = arith.index_cast %add3A_252 : i32 to index
        %swap3A_468 = arith.constant 112 : index
        %swap3A_469 = tpu.vector_load %arg20[%swap3A_467, %swap3A_468] {strides = array<i32>} : memref<64x128xf32, #tpu.memory_space<vmem>>, vector<16xf32>,
        tpu.vector_store %arg20[%swap3A_467, %swap3A_468], %add3A_466 {strides = array<i32>} : memref<64x128xf32, #tpu.memory_space<vmem>>, vector<16xf32>,
      }
      %scan3A_200 = arith.constant 64 : i32
      %add3A_201 = arith.addi %mul3A_2, %add3A_189 : i32
      %jit3A = arith.constant 2 : i32
      %div3A = arith.divsi %add3A_201, %jit3A : i32
      %sign3A = arith.constant 0 : i32
      %sign3A_202 = arith.cmpi sgt, %add3A_201, %sign3A : i32
      %sign3A_203 = arith.extui %sign3A_202 : i1 to i32
      %sign3A_204 = arith.constant 0 : i32
      %sign3A_205 = arith.cmpi slt, %add3A_201, %sign3A_204 : i32
      %sign3A_206 = arith.extui %sign3A_205 : i1 to i32
      %sign3A_207 = arith.subi %sign3A_203, %sign3A_206 : i32
      %sign3A_208 = arith.constant 0 : i32
      %sign3A_209 = arith.cmpi sgt, %jit3A, %sign3A_208 : i32
      %sign3A_210 = arith.extui %sign3A_209 : i1 to i32
      %sign3A_211 = arith.constant 0 : i32
      %sign3A_212 = arith.cmpi slt, %jit3A, %sign3A_211 : i32
      %sign3A_213 = arith.extui %sign3A_212 : i1 to i32
      %sign3A_214 = arith.subi %sign3A_210, %sign3A_213 : i32
      %ne3A = arith.cmpi ne, %sign3A_207, %sign3A_214 : i32
      %rem3A = arith.remsi %add3A_201, %jit3A : i32
      %ne3A_215 = arith.constant 0 : i32
      %ne3A_216 = arith.cmpi ne, %rem3A, %ne3A_215 : i32
      %and3A = arith.andi %ne3A, %ne3A_216 : i1
      %sub3A = arith.constant 1 : i32
      %sub3A_217 = arith.subi %div3A, %sub3A : i32
      %select_n3A = arith.select %and3A, %sub3A_217, %div3A : i32
      "tpu.region"() ({
        %run_scoped3A_248 = tpu.sem_alloc : memref<!tpu.dma_semaphore, #tpu.memory_space<semaphore_mem>>
        %dma_start3A_249 = arith.constant 0 : i32
        %dma_start3A_250 = tpu.memref_slice %arg7[%arg0, %select_n3A, %dma_start3A_249] : memref<2x5120x128xf32, #tpu.memory_space<hbm>> -> memref<1x64x128xf32, #tpu.memory_space<hbm>>
        %dma_start3A_251 = tpu.memref_squeeze %dma_start3A_250 : memref<1x64x128xf32, #tpu.memory_space<hbm>> -> memref<64x128xf32, #tpu.memory_space<hbm>>
        %dma_start3A_252 = arith.constant 0 : i32
        %dma_start3A_253 = tpu.memref_slice %arg7[%arg0, %select_n3A, %dma_start3A_252] : memref<2x5120x128xf32, #tpu.memory_space<hbm>> -> memref<1x64x128xf32, #tpu.memory_space<hbm>>
        %dma_start3A_254 = tpu.memref_squeeze %dma_start3A_253 : memref<1x64x128xf32, #tpu.memory_space<hbm>> -> memref<64x128xf32, #tpu.memory_space<hbm>>
        tpu.enqueue_dma source(%arg20 : memref<64x128xf32, #tpu.memory_space<vmem>>) target(%dma_start3A_254 : memref<64x128xf32, #tpu.memory_space<hbm>>) target_semaphore(%run_scoped3A_248 : memref<!tpu.dma_semaphore, #tpu.memory_space<semaphore_mem>>)
        %dma_wait3A_255 = arith.constant 0 : i32
        %dma_wait3A_256 = tpu.memref_slice %arg7[%arg0, %select_n3A, %dma_wait3A_255] : memref<2x5120x128xf32, #tpu.memory_space<hbm>> -> memref<1x64x128xf32, #tpu.memory_space<hbm>>
        %dma_wait3A_257 = tpu.memref_squeeze %dma_wait3A_256 : memref<1x64x128xf32, #tpu.memory_space<hbm>> -> memref<64x128xf32, #tpu.memory_space<hbm>>
        %dma_wait3A_258 = arith.constant 0 : i32
        %dma_wait3A_259 = tpu.memref_slice %arg7[%arg0, %select_n3A, %dma_wait3A_258] : memref<2x5120x128xf32, #tpu.memory_space<hbm>> -> memref<1x64x128xf32, #tpu.memory_space<hbm>>
        %dma_wait3A_260 = tpu.memref_squeeze %dma_wait3A_259 : memref<1x64x128xf32, #tpu.memory_space<hbm>> -> memref<64x128xf32, #tpu.memory_space<hbm>>
        tpu.wait_dma2 semaphore(%run_scoped3A_248 : memref<!tpu.dma_semaphore, #tpu.memory_space<semaphore_mem>>) src(%arg20 : memref<64x128xf32, #tpu.memory_space<vmem>>) dst(%dma_wait3A_260 : memref<64x128xf32, #tpu.memory_space<hbm>>)
        tpu.yield
      }) : () -> ()
      %scan3A_218 = arith.constant 0 : i32
      %scan3A_219 = arith.constant 64 : i32
      %scan3A_220 = arith.addi %scan3A_218, %scan3A_219 : i32
      %scan3A_221 = arith.constant 1 : i32
      scf.for %scan3A_248 = %scan3A_218 to %scan3A_220 step %scan3A_221  : i32 {
        %mul3A_249 = arith.constant 1 : i32
        %mul3A_250 = arith.muli %scan3A_248, %mul3A_249 : i32
        %add3A_251 = arith.constant 0 : i32
        %add3A_252 = arith.addi %add3A_251, %mul3A_250 : i32
        %mul3A_253 = arith.constant 2 : i32
        %mul3A_254 = arith.muli %mul3A_253, %add3A_252 : i32
        %add3A_255 = arith.addi %add3A_189, %mul3A_254 : i32
        %broadcast_in_dim3A_256 = vector.broadcast %add3A_255 : i32 to vector<16xi32>
        %gather3A = tpu.vector_load_idx %arg17[%broadcast_in_dim3A_256] : memref<640xf32, #tpu.memory_space<vmem>>[vector<16xi32>], vector<16xf32>,
        %mul3A_257 = arith.constant 2 : i32
        %mul3A_258 = arith.muli %mul3A_257, %add3A_252 : i32
        %add3A_259 = arith.addi %add3A_189, %mul3A_258 : i32
        %add3A_260 = arith.constant 1 : i32
        %add3A_261 = arith.addi %add3A_259, %add3A_260 : i32
        %broadcast_in_dim3A_262 = vector.broadcast %add3A_261 : i32 to vector<16xi32>
        %gather3A_263 = tpu.vector_load_idx %arg17[%broadcast_in_dim3A_262] : memref<640xf32, #tpu.memory_space<vmem>>[vector<16xi32>], vector<16xf32>,
        %swap3A = arith.index_cast %add3A_252 : i32 to index
        %swap3A_264 = arith.constant 0 : index
        %swap3A_265 = tpu.vector_load %arg20[%swap3A, %swap3A_264] {strides = array<i32>} : memref<64x128xf32, #tpu.memory_space<vmem>>, vector<16xf32>,
        tpu.vector_store %arg20[%swap3A, %swap3A_264], %gather3A {strides = array<i32>} : memref<64x128xf32, #tpu.memory_space<vmem>>, vector<16xf32>,
        %swap3A_266 = arith.index_cast %add3A_252 : i32 to index
        %swap3A_267 = arith.constant 64 : index
        %swap3A_268 = tpu.vector_load %arg20[%swap3A_266, %swap3A_267] {strides = array<i32>} : memref<64x128xf32, #tpu.memory_space<vmem>>, vector<16xf32>,
        tpu.vector_store %arg20[%swap3A_266, %swap3A_267], %gather3A_263 {strides = array<i32>} : memref<64x128xf32, #tpu.memory_space<vmem>>, vector<16xf32>,
        %swap3A_269 = arith.index_cast %add3A_252 : i32 to index
        %swap3A_270 = arith.constant 16 : index
        %swap3A_271 = tpu.vector_load %arg20[%swap3A_269, %swap3A_270] {strides = array<i32>} : memref<64x128xf32, #tpu.memory_space<vmem>>, vector<16xf32>,
        tpu.vector_store %arg20[%swap3A_269, %swap3A_270], %gather3A {strides = array<i32>} : memref<64x128xf32, #tpu.memory_space<vmem>>, vector<16xf32>,
        %swap3A_272 = arith.index_cast %add3A_252 : i32 to index
        %swap3A_273 = arith.constant 80 : index
        %swap3A_274 = tpu.vector_load %arg20[%swap3A_272, %swap3A_273] {strides = array<i32>} : memref<64x128xf32, #tpu.memory_space<vmem>>, vector<16xf32>,
        tpu.vector_store %arg20[%swap3A_272, %swap3A_273], %gather3A_263 {strides = array<i32>} : memref<64x128xf32, #tpu.memory_space<vmem>>, vector<16xf32>,
        %swap3A_275 = arith.index_cast %add3A_252 : i32 to index
        %swap3A_276 = arith.constant 32 : index
        %swap3A_277 = tpu.vector_load %arg20[%swap3A_275, %swap3A_276] {strides = array<i32>} : memref<64x128xf32, #tpu.memory_space<vmem>>, vector<16xf32>,
        tpu.vector_store %arg20[%swap3A_275, %swap3A_276], %gather3A {strides = array<i32>} : memref<64x128xf32, #tpu.memory_space<vmem>>, vector<16xf32>,
        %swap3A_278 = arith.index_cast %add3A_252 : i32 to index
        %swap3A_279 = arith.constant 96 : index
        %swap3A_280 = tpu.vector_load %arg20[%swap3A_278, %swap3A_279] {strides = array<i32>} : memref<64x128xf32, #tpu.memory_space<vmem>>, vector<16xf32>,
        tpu.vector_store %arg20[%swap3A_278, %swap3A_279], %gather3A_263 {strides = array<i32>} : memref<64x128xf32, #tpu.memory_space<vmem>>, vector<16xf32>,
        %swap3A_281 = arith.index_cast %add3A_252 : i32 to index
        %swap3A_282 = arith.constant 48 : index
        %swap3A_283 = tpu.vector_load %arg20[%swap3A_281, %swap3A_282] {strides = array<i32>} : memref<64x128xf32, #tpu.memory_space<vmem>>, vector<16xf32>,
        tpu.vector_store %arg20[%swap3A_281, %swap3A_282], %gather3A {strides = array<i32>} : memref<64x128xf32, #tpu.memory_space<vmem>>, vector<16xf32>,
        %swap3A_284 = arith.index_cast %add3A_252 : i32 to index
        %swap3A_285 = arith.constant 112 : index
        %swap3A_286 = tpu.vector_load %arg20[%swap3A_284, %swap3A_285] {strides = array<i32>} : memref<64x128xf32, #tpu.memory_space<vmem>>, vector<16xf32>,
        tpu.vector_store %arg20[%swap3A_284, %swap3A_285], %gather3A_263 {strides = array<i32>} : memref<64x128xf32, #tpu.memory_space<vmem>>, vector<16xf32>,
      }
      %scan3A_222 = arith.constant 64 : i32
      %add3A_223 = arith.addi %mul3A_2, %add3A_189 : i32
      %jit3A_224 = arith.constant 2 : i32
      %div3A_225 = arith.divsi %add3A_223, %jit3A_224 : i32
      %sign3A_226 = arith.constant 0 : i32
      %sign3A_227 = arith.cmpi sgt, %add3A_223, %sign3A_226 : i32
      %sign3A_228 = arith.extui %sign3A_227 : i1 to i32
      %sign3A_229 = arith.constant 0 : i32
      %sign3A_230 = arith.cmpi slt, %add3A_223, %sign3A_229 : i32
      %sign3A_231 = arith.extui %sign3A_230 : i1 to i32
      %sign3A_232 = arith.subi %sign3A_228, %sign3A_231 : i32
      %sign3A_233 = arith.constant 0 : i32
      %sign3A_234 = arith.cmpi sgt, %jit3A_224, %sign3A_233 : i32
      %sign3A_235 = arith.extui %sign3A_234 : i1 to i32
      %sign3A_236 = arith.constant 0 : i32
      %sign3A_237 = arith.cmpi slt, %jit3A_224, %sign3A_236 : i32
      %sign3A_238 = arith.extui %sign3A_237 : i1 to i32
      %sign3A_239 = arith.subi %sign3A_235, %sign3A_238 : i32
      %ne3A_240 = arith.cmpi ne, %sign3A_232, %sign3A_239 : i32
      %rem3A_241 = arith.remsi %add3A_223, %jit3A_224 : i32
      %ne3A_242 = arith.constant 0 : i32
      %ne3A_243 = arith.cmpi ne, %rem3A_241, %ne3A_242 : i32
      %and3A_244 = arith.andi %ne3A_240, %ne3A_243 : i1
      %sub3A_245 = arith.constant 1 : i32
      %sub3A_246 = arith.subi %div3A_225, %sub3A_245 : i32
      %select_n3A_247 = arith.select %and3A_244, %sub3A_246, %div3A_225 : i32
      "tpu.region"() ({
        %run_scoped3A_248 = tpu.sem_alloc : memref<!tpu.dma_semaphore, #tpu.memory_space<semaphore_mem>>
        %dma_start3A_249 = arith.constant 0 : i32
        %dma_start3A_250 = tpu.memref_slice %arg8[%arg0, %select_n3A_247, %dma_start3A_249] : memref<2x5120x128xf32, #tpu.memory_space<hbm>> -> memref<1x64x128xf32, #tpu.memory_space<hbm>>
        %dma_start3A_251 = tpu.memref_squeeze %dma_start3A_250 : memref<1x64x128xf32, #tpu.memory_space<hbm>> -> memref<64x128xf32, #tpu.memory_space<hbm>>
        %dma_start3A_252 = arith.constant 0 : i32
        %dma_start3A_253 = tpu.memref_slice %arg8[%arg0, %select_n3A_247, %dma_start3A_252] : memref<2x5120x128xf32, #tpu.memory_space<hbm>> -> memref<1x64x128xf32, #tpu.memory_space<hbm>>
        %dma_start3A_254 = tpu.memref_squeeze %dma_start3A_253 : memref<1x64x128xf32, #tpu.memory_space<hbm>> -> memref<64x128xf32, #tpu.memory_space<hbm>>
        tpu.enqueue_dma source(%arg20 : memref<64x128xf32, #tpu.memory_space<vmem>>) target(%dma_start3A_254 : memref<64x128xf32, #tpu.memory_space<hbm>>) target_semaphore(%run_scoped3A_248 : memref<!tpu.dma_semaphore, #tpu.memory_space<semaphore_mem>>)
        %dma_wait3A_255 = arith.constant 0 : i32
        %dma_wait3A_256 = tpu.memref_slice %arg8[%arg0, %select_n3A_247, %dma_wait3A_255] : memref<2x5120x128xf32, #tpu.memory_space<hbm>> -> memref<1x64x128xf32, #tpu.memory_space<hbm>>
        %dma_wait3A_257 = tpu.memref_squeeze %dma_wait3A_256 : memref<1x64x128xf32, #tpu.memory_space<hbm>> -> memref<64x128xf32, #tpu.memory_space<hbm>>
        %dma_wait3A_258 = arith.constant 0 : i32
        %dma_wait3A_259 = tpu.memref_slice %arg8[%arg0, %select_n3A_247, %dma_wait3A_258] : memref<2x5120x128xf32, #tpu.memory_space<hbm>> -> memref<1x64x128xf32, #tpu.memory_space<hbm>>
        %dma_wait3A_260 = tpu.memref_squeeze %dma_wait3A_259 : memref<1x64x128xf32, #tpu.memory_space<hbm>> -> memref<64x128xf32, #tpu.memory_space<hbm>>
        tpu.wait_dma2 semaphore(%run_scoped3A_248 : memref<!tpu.dma_semaphore, #tpu.memory_space<semaphore_mem>>) src(%arg20 : memref<64x128xf32, #tpu.memory_space<vmem>>) dst(%dma_wait3A_260 : memref<64x128xf32, #tpu.memory_space<hbm>>)
        tpu.yield
      }) : () -> ()
    }
    %scan3A_184 = arith.constant 5 : i32
    return
  }
}

#map = affine_map<(d0, d1) -> (0, 0)>
module attributes {stable_mosaic.version = 14 : i64} {
  func.func @_sc_degree(%arg0: i32, %arg1: i32, %arg2: memref<2560x128xi32, #tpu.memory_space<hbm>>, %arg3: memref<2x10240xf32, #tpu.memory_space<hbm>>, %arg4: memref<10240xf32, #tpu.memory_space<vmem_shared>>, %arg5: memref<80x128xi32, #tpu.memory_space<vmem>>, %arg6: memref<128xf32, #tpu.memory_space<vmem>>, %arg7: memref<640xf32, #tpu.memory_space<vmem>>, %arg8: memref<!tpu.dma_semaphore, #tpu.memory_space<semaphore_mem>>) attributes {dimension_semantics = [#tpu.dimension_semantics<core_parallel>, #tpu.dimension_semantics<subcore_parallel>], iteration_bounds = array<i64: 2, 16>, scalar_prefetch = 0 : i64, scratch_operands = 5 : i64, tpu.core_type = #tpu.core_type<sc_vector_subcore>, window_params = [{transform_indices = #map}, {transform_indices = #map}]} {
    %mul3A = arith.constant 16 : i32
    %mul3A_0 = arith.muli %arg0, %mul3A : i32
    %add3A = arith.addi %mul3A_0, %arg1 : i32
    %mul3A_1 = arith.constant 640 : i32
    %mul3A_2 = arith.muli %arg1, %mul3A_1 : i32
    %scan3A = arith.constant 0 : i32
    %scan3A_3 = arith.constant 40 : i32
    %scan3A_4 = arith.addi %scan3A, %scan3A_3 : i32
    %scan3A_5 = arith.constant 1 : i32
    scf.for %scan3A_20 = %scan3A to %scan3A_4 step %scan3A_5  : i32 {
      %mul3A_21 = arith.constant 16 : i32
      %mul3A_22 = arith.muli %scan3A_20, %mul3A_21 : i32
      %add3A_23 = arith.constant 0 : i32
      %add3A_24 = arith.addi %add3A_23, %mul3A_22 : i32
      %broadcast_in_dim3A = arith.constant 0.000000e+00 : f32
      %broadcast_in_dim3A_25 = vector.broadcast %broadcast_in_dim3A : f32 to vector<16xf32>
      %swap3A = arith.index_cast %add3A_24 : i32 to index
      %swap3A_26 = tpu.vector_load %arg7[%swap3A] {strides = array<i32>} : memref<640xf32, #tpu.memory_space<vmem>>, vector<16xf32>,
      %swap3A_27 = vector.shape_cast %swap3A_26 : vector<16xf32> to vector<16xf32>
      %swap3A_28 = vector.shape_cast %broadcast_in_dim3A_25 : vector<16xf32> to vector<16xf32>
      tpu.vector_store %arg7[%swap3A], %swap3A_28 {strides = array<i32>} : memref<640xf32, #tpu.memory_space<vmem>>, vector<16xf32>,
    }
    %scan3A_6 = arith.constant 40 : i32
    "tpu.region"() ({
      %run_scoped3A = tpu.sem_alloc : memref<!tpu.dma_semaphore, #tpu.memory_space<semaphore_mem>>
      %dma_start3A = tpu.memref_slice %arg4[%mul3A_2] : memref<10240xf32, #tpu.memory_space<vmem_shared>> -> memref<640xf32, #tpu.memory_space<vmem_shared>>
      %dma_start3A_20 = tpu.memref_slice %arg4[%mul3A_2] : memref<10240xf32, #tpu.memory_space<vmem_shared>> -> memref<640xf32, #tpu.memory_space<vmem_shared>>
      tpu.enqueue_dma source(%arg7 : memref<640xf32, #tpu.memory_space<vmem>>) target(%dma_start3A_20 : memref<640xf32, #tpu.memory_space<vmem_shared>>) target_semaphore(%run_scoped3A : memref<!tpu.dma_semaphore, #tpu.memory_space<semaphore_mem>>)
      %dma_wait3A = tpu.memref_slice %arg4[%mul3A_2] : memref<10240xf32, #tpu.memory_space<vmem_shared>> -> memref<640xf32, #tpu.memory_space<vmem_shared>>
      %dma_wait3A_21 = tpu.memref_slice %arg4[%mul3A_2] : memref<10240xf32, #tpu.memory_space<vmem_shared>> -> memref<640xf32, #tpu.memory_space<vmem_shared>>
      tpu.wait_dma2 semaphore(%run_scoped3A : memref<!tpu.dma_semaphore, #tpu.memory_space<semaphore_mem>>) src(%arg7 : memref<640xf32, #tpu.memory_space<vmem>>) dst(%dma_wait3A_21 : memref<640xf32, #tpu.memory_space<vmem_shared>>)
      tpu.yield
    }) : () -> ()
    %mul3A_7 = arith.constant 80 : i32
    %mul3A_8 = arith.muli %add3A, %mul3A_7 : i32
    "tpu.region"() ({
      %run_scoped3A = tpu.sem_alloc : memref<!tpu.dma_semaphore, #tpu.memory_space<semaphore_mem>>
      %dma_start3A = arith.constant 0 : i32
      %dma_start3A_20 = tpu.memref_slice %arg2[%mul3A_8, %dma_start3A] : memref<2560x128xi32, #tpu.memory_space<hbm>> -> memref<80x128xi32, #tpu.memory_space<hbm>>
      %dma_start3A_21 = arith.constant 0 : i32
      %dma_start3A_22 = tpu.memref_slice %arg2[%mul3A_8, %dma_start3A_21] : memref<2560x128xi32, #tpu.memory_space<hbm>> -> memref<80x128xi32, #tpu.memory_space<hbm>>
      tpu.enqueue_dma source(%dma_start3A_22 : memref<80x128xi32, #tpu.memory_space<hbm>>) target(%arg5 : memref<80x128xi32, #tpu.memory_space<vmem>>) target_semaphore(%run_scoped3A : memref<!tpu.dma_semaphore, #tpu.memory_space<semaphore_mem>>)
      %dma_wait3A = arith.constant 0 : i32
      %dma_wait3A_23 = tpu.memref_slice %arg2[%mul3A_8, %dma_wait3A] : memref<2560x128xi32, #tpu.memory_space<hbm>> -> memref<80x128xi32, #tpu.memory_space<hbm>>
      %dma_wait3A_24 = arith.constant 0 : i32
      %dma_wait3A_25 = tpu.memref_slice %arg2[%mul3A_8, %dma_wait3A_24] : memref<2560x128xi32, #tpu.memory_space<hbm>> -> memref<80x128xi32, #tpu.memory_space<hbm>>
      tpu.wait_dma2 semaphore(%run_scoped3A : memref<!tpu.dma_semaphore, #tpu.memory_space<semaphore_mem>>) src(%dma_wait3A_25 : memref<80x128xi32, #tpu.memory_space<hbm>>) dst(%arg5 : memref<80x128xi32, #tpu.memory_space<vmem>>)
      tpu.yield
    }) : () -> ()
    %scan3A_9 = arith.constant 0 : i32
    %scan3A_10 = arith.constant 8 : i32
    %scan3A_11 = arith.addi %scan3A_9, %scan3A_10 : i32
    %scan3A_12 = arith.constant 1 : i32
    scf.for %scan3A_20 = %scan3A_9 to %scan3A_11 step %scan3A_12  : i32 {
      %mul3A_21 = arith.constant 16 : i32
      %mul3A_22 = arith.muli %scan3A_20, %mul3A_21 : i32
      %add3A_23 = arith.constant 0 : i32
      %add3A_24 = arith.addi %add3A_23, %mul3A_22 : i32
      %broadcast_in_dim3A = arith.constant 1.000000e+00 : f32
      %broadcast_in_dim3A_25 = vector.broadcast %broadcast_in_dim3A : f32 to vector<16xf32>
      %swap3A = arith.index_cast %add3A_24 : i32 to index
      %swap3A_26 = tpu.vector_load %arg6[%swap3A] {strides = array<i32>} : memref<128xf32, #tpu.memory_space<vmem>>, vector<16xf32>,
      %swap3A_27 = vector.shape_cast %swap3A_26 : vector<16xf32> to vector<16xf32>
      %swap3A_28 = vector.shape_cast %broadcast_in_dim3A_25 : vector<16xf32> to vector<16xf32>
      tpu.vector_store %arg6[%swap3A], %swap3A_28 {strides = array<i32>} : memref<128xf32, #tpu.memory_space<vmem>>, vector<16xf32>,
    }
    %scan3A_13 = arith.constant 8 : i32
    %barrier3A = arith.constant 0 : index
    tpu.barrier barrier_id(%barrier3A)
    %scan3A_14 = arith.constant 0 : i32
    %scan3A_15 = arith.constant 16 : i32
    %scan3A_16 = arith.addi %scan3A_14, %scan3A_15 : i32
    %scan3A_17 = arith.constant 1 : i32
    scf.for %scan3A_20 = %scan3A_14 to %scan3A_16 step %scan3A_17  : i32 {
      %mul3A_21 = arith.constant 5 : i32
      %mul3A_22 = arith.muli %scan3A_20, %mul3A_21 : i32
      %add3A_23 = arith.constant 0 : i32
      %add3A_24 = arith.addi %add3A_23, %mul3A_22 : i32
      %add3A_25 = arith.constant 0 : i32
      %add3A_26 = arith.addi %add3A_24, %add3A_25 : i32
      %dma_start3A = arith.constant 0 : i32
      %dma_start3A_27 = tpu.memref_slice %arg5[%add3A_26, %dma_start3A] : memref<80x128xi32, #tpu.memory_space<vmem>> -> memref<1x128xi32, #tpu.memory_space<vmem>>
      %dma_start3A_28 = tpu.memref_squeeze %dma_start3A_27 : memref<1x128xi32, #tpu.memory_space<vmem>> -> memref<128xi32, #tpu.memory_space<vmem>>
      %dma_start3A_29 = arith.constant 0 : i32
      %dma_start3A_30 = tpu.memref_slice %arg4[%dma_start3A_29] : memref<10240xf32, #tpu.memory_space<vmem_shared>> -> memref<10240xf32, #tpu.memory_space<vmem_shared>>
      tpu.enqueue_indirect_dma source(%arg6 : memref<128xf32, #tpu.memory_space<vmem>>) target(%dma_start3A_30 : memref<10240xf32, #tpu.memory_space<vmem_shared>>) offsets(%dma_start3A_28 : memref<128xi32, #tpu.memory_space<vmem>>) semaphore(%arg8 : memref<!tpu.dma_semaphore, #tpu.memory_space<semaphore_mem>>) {add = true}
      %add3A_31 = arith.constant 1 : i32
      %add3A_32 = arith.addi %add3A_24, %add3A_31 : i32
      %dma_start3A_33 = arith.constant 0 : i32
      %dma_start3A_34 = tpu.memref_slice %arg5[%add3A_32, %dma_start3A_33] : memref<80x128xi32, #tpu.memory_space<vmem>> -> memref<1x128xi32, #tpu.memory_space<vmem>>
      %dma_start3A_35 = tpu.memref_squeeze %dma_start3A_34 : memref<1x128xi32, #tpu.memory_space<vmem>> -> memref<128xi32, #tpu.memory_space<vmem>>
      %dma_start3A_36 = arith.constant 0 : i32
      %dma_start3A_37 = tpu.memref_slice %arg4[%dma_start3A_36] : memref<10240xf32, #tpu.memory_space<vmem_shared>> -> memref<10240xf32, #tpu.memory_space<vmem_shared>>
      tpu.enqueue_indirect_dma source(%arg6 : memref<128xf32, #tpu.memory_space<vmem>>) target(%dma_start3A_37 : memref<10240xf32, #tpu.memory_space<vmem_shared>>) offsets(%dma_start3A_35 : memref<128xi32, #tpu.memory_space<vmem>>) semaphore(%arg8 : memref<!tpu.dma_semaphore, #tpu.memory_space<semaphore_mem>>) {add = true}
      %add3A_38 = arith.constant 2 : i32
      %add3A_39 = arith.addi %add3A_24, %add3A_38 : i32
      %dma_start3A_40 = arith.constant 0 : i32
      %dma_start3A_41 = tpu.memref_slice %arg5[%add3A_39, %dma_start3A_40] : memref<80x128xi32, #tpu.memory_space<vmem>> -> memref<1x128xi32, #tpu.memory_space<vmem>>
      %dma_start3A_42 = tpu.memref_squeeze %dma_start3A_41 : memref<1x128xi32, #tpu.memory_space<vmem>> -> memref<128xi32, #tpu.memory_space<vmem>>
      %dma_start3A_43 = arith.constant 0 : i32
      %dma_start3A_44 = tpu.memref_slice %arg4[%dma_start3A_43] : memref<10240xf32, #tpu.memory_space<vmem_shared>> -> memref<10240xf32, #tpu.memory_space<vmem_shared>>
      tpu.enqueue_indirect_dma source(%arg6 : memref<128xf32, #tpu.memory_space<vmem>>) target(%dma_start3A_44 : memref<10240xf32, #tpu.memory_space<vmem_shared>>) offsets(%dma_start3A_42 : memref<128xi32, #tpu.memory_space<vmem>>) semaphore(%arg8 : memref<!tpu.dma_semaphore, #tpu.memory_space<semaphore_mem>>) {add = true}
      %add3A_45 = arith.constant 3 : i32
      %add3A_46 = arith.addi %add3A_24, %add3A_45 : i32
      %dma_start3A_47 = arith.constant 0 : i32
      %dma_start3A_48 = tpu.memref_slice %arg5[%add3A_46, %dma_start3A_47] : memref<80x128xi32, #tpu.memory_space<vmem>> -> memref<1x128xi32, #tpu.memory_space<vmem>>
      %dma_start3A_49 = tpu.memref_squeeze %dma_start3A_48 : memref<1x128xi32, #tpu.memory_space<vmem>> -> memref<128xi32, #tpu.memory_space<vmem>>
      %dma_start3A_50 = arith.constant 0 : i32
      %dma_start3A_51 = tpu.memref_slice %arg4[%dma_start3A_50] : memref<10240xf32, #tpu.memory_space<vmem_shared>> -> memref<10240xf32, #tpu.memory_space<vmem_shared>>
      tpu.enqueue_indirect_dma source(%arg6 : memref<128xf32, #tpu.memory_space<vmem>>) target(%dma_start3A_51 : memref<10240xf32, #tpu.memory_space<vmem_shared>>) offsets(%dma_start3A_49 : memref<128xi32, #tpu.memory_space<vmem>>) semaphore(%arg8 : memref<!tpu.dma_semaphore, #tpu.memory_space<semaphore_mem>>) {add = true}
      %add3A_52 = arith.constant 4 : i32
      %add3A_53 = arith.addi %add3A_24, %add3A_52 : i32
      %dma_start3A_54 = arith.constant 0 : i32
      %dma_start3A_55 = tpu.memref_slice %arg5[%add3A_53, %dma_start3A_54] : memref<80x128xi32, #tpu.memory_space<vmem>> -> memref<1x128xi32, #tpu.memory_space<vmem>>
      %dma_start3A_56 = tpu.memref_squeeze %dma_start3A_55 : memref<1x128xi32, #tpu.memory_space<vmem>> -> memref<128xi32, #tpu.memory_space<vmem>>
      %dma_start3A_57 = arith.constant 0 : i32
      %dma_start3A_58 = tpu.memref_slice %arg4[%dma_start3A_57] : memref<10240xf32, #tpu.memory_space<vmem_shared>> -> memref<10240xf32, #tpu.memory_space<vmem_shared>>
      tpu.enqueue_indirect_dma source(%arg6 : memref<128xf32, #tpu.memory_space<vmem>>) target(%dma_start3A_58 : memref<10240xf32, #tpu.memory_space<vmem_shared>>) offsets(%dma_start3A_56 : memref<128xi32, #tpu.memory_space<vmem>>) semaphore(%arg8 : memref<!tpu.dma_semaphore, #tpu.memory_space<semaphore_mem>>) {add = true}
      %add3A_59 = arith.constant 0 : i32
      %add3A_60 = arith.addi %add3A_24, %add3A_59 : i32
      %dma_wait3A = arith.constant 0 : i32
      %dma_wait3A_61 = tpu.memref_slice %arg5[%add3A_60, %dma_wait3A] : memref<80x128xi32, #tpu.memory_space<vmem>> -> memref<1x128xi32, #tpu.memory_space<vmem>>
      %dma_wait3A_62 = tpu.memref_squeeze %dma_wait3A_61 : memref<1x128xi32, #tpu.memory_space<vmem>> -> memref<128xi32, #tpu.memory_space<vmem>>
      %dma_wait3A_63 = arith.constant 0 : i32
      %dma_wait3A_64 = tpu.memref_slice %arg4[%dma_wait3A_63] : memref<10240xf32, #tpu.memory_space<vmem_shared>> -> memref<10240xf32, #tpu.memory_space<vmem_shared>>
      tpu.wait_indirect_dma semaphore(%arg8 : memref<!tpu.dma_semaphore, #tpu.memory_space<semaphore_mem>>) src(%arg6 : memref<128xf32, #tpu.memory_space<vmem>>) dst(%dma_wait3A_64 : memref<10240xf32, #tpu.memory_space<vmem_shared>>)
      %add3A_65 = arith.constant 1 : i32
      %add3A_66 = arith.addi %add3A_24, %add3A_65 : i32
      %dma_wait3A_67 = arith.constant 0 : i32
      %dma_wait3A_68 = tpu.memref_slice %arg5[%add3A_66, %dma_wait3A_67] : memref<80x128xi32, #tpu.memory_space<vmem>> -> memref<1x128xi32, #tpu.memory_space<vmem>>
      %dma_wait3A_69 = tpu.memref_squeeze %dma_wait3A_68 : memref<1x128xi32, #tpu.memory_space<vmem>> -> memref<128xi32, #tpu.memory_space<vmem>>
      %dma_wait3A_70 = arith.constant 0 : i32
      %dma_wait3A_71 = tpu.memref_slice %arg4[%dma_wait3A_70] : memref<10240xf32, #tpu.memory_space<vmem_shared>> -> memref<10240xf32, #tpu.memory_space<vmem_shared>>
      tpu.wait_indirect_dma semaphore(%arg8 : memref<!tpu.dma_semaphore, #tpu.memory_space<semaphore_mem>>) src(%arg6 : memref<128xf32, #tpu.memory_space<vmem>>) dst(%dma_wait3A_71 : memref<10240xf32, #tpu.memory_space<vmem_shared>>)
      %add3A_72 = arith.constant 2 : i32
      %add3A_73 = arith.addi %add3A_24, %add3A_72 : i32
      %dma_wait3A_74 = arith.constant 0 : i32
      %dma_wait3A_75 = tpu.memref_slice %arg5[%add3A_73, %dma_wait3A_74] : memref<80x128xi32, #tpu.memory_space<vmem>> -> memref<1x128xi32, #tpu.memory_space<vmem>>
      %dma_wait3A_76 = tpu.memref_squeeze %dma_wait3A_75 : memref<1x128xi32, #tpu.memory_space<vmem>> -> memref<128xi32, #tpu.memory_space<vmem>>
      %dma_wait3A_77 = arith.constant 0 : i32
      %dma_wait3A_78 = tpu.memref_slice %arg4[%dma_wait3A_77] : memref<10240xf32, #tpu.memory_space<vmem_shared>> -> memref<10240xf32, #tpu.memory_space<vmem_shared>>
      tpu.wait_indirect_dma semaphore(%arg8 : memref<!tpu.dma_semaphore, #tpu.memory_space<semaphore_mem>>) src(%arg6 : memref<128xf32, #tpu.memory_space<vmem>>) dst(%dma_wait3A_78 : memref<10240xf32, #tpu.memory_space<vmem_shared>>)
      %add3A_79 = arith.constant 3 : i32
      %add3A_80 = arith.addi %add3A_24, %add3A_79 : i32
      %dma_wait3A_81 = arith.constant 0 : i32
      %dma_wait3A_82 = tpu.memref_slice %arg5[%add3A_80, %dma_wait3A_81] : memref<80x128xi32, #tpu.memory_space<vmem>> -> memref<1x128xi32, #tpu.memory_space<vmem>>
      %dma_wait3A_83 = tpu.memref_squeeze %dma_wait3A_82 : memref<1x128xi32, #tpu.memory_space<vmem>> -> memref<128xi32, #tpu.memory_space<vmem>>
      %dma_wait3A_84 = arith.constant 0 : i32
      %dma_wait3A_85 = tpu.memref_slice %arg4[%dma_wait3A_84] : memref<10240xf32, #tpu.memory_space<vmem_shared>> -> memref<10240xf32, #tpu.memory_space<vmem_shared>>
      tpu.wait_indirect_dma semaphore(%arg8 : memref<!tpu.dma_semaphore, #tpu.memory_space<semaphore_mem>>) src(%arg6 : memref<128xf32, #tpu.memory_space<vmem>>) dst(%dma_wait3A_85 : memref<10240xf32, #tpu.memory_space<vmem_shared>>)
      %add3A_86 = arith.constant 4 : i32
      %add3A_87 = arith.addi %add3A_24, %add3A_86 : i32
      %dma_wait3A_88 = arith.constant 0 : i32
      %dma_wait3A_89 = tpu.memref_slice %arg5[%add3A_87, %dma_wait3A_88] : memref<80x128xi32, #tpu.memory_space<vmem>> -> memref<1x128xi32, #tpu.memory_space<vmem>>
      %dma_wait3A_90 = tpu.memref_squeeze %dma_wait3A_89 : memref<1x128xi32, #tpu.memory_space<vmem>> -> memref<128xi32, #tpu.memory_space<vmem>>
      %dma_wait3A_91 = arith.constant 0 : i32
      %dma_wait3A_92 = tpu.memref_slice %arg4[%dma_wait3A_91] : memref<10240xf32, #tpu.memory_space<vmem_shared>> -> memref<10240xf32, #tpu.memory_space<vmem_shared>>
      tpu.wait_indirect_dma semaphore(%arg8 : memref<!tpu.dma_semaphore, #tpu.memory_space<semaphore_mem>>) src(%arg6 : memref<128xf32, #tpu.memory_space<vmem>>) dst(%dma_wait3A_92 : memref<10240xf32, #tpu.memory_space<vmem_shared>>)
    }
    %scan3A_18 = arith.constant 16 : i32
    %barrier3A_19 = arith.constant 0 : index
    tpu.barrier barrier_id(%barrier3A_19)
    "tpu.region"() ({
      %run_scoped3A = tpu.sem_alloc : memref<!tpu.dma_semaphore, #tpu.memory_space<semaphore_mem>>
      %dma_start3A = tpu.memref_slice %arg3[%arg0, %mul3A_2] : memref<2x10240xf32, #tpu.memory_space<hbm>> -> memref<1x640xf32, #tpu.memory_space<hbm>>
      %dma_start3A_20 = tpu.memref_squeeze %dma_start3A : memref<1x640xf32, #tpu.memory_space<hbm>> -> memref<640xf32, #tpu.memory_space<hbm>>
      %dma_start3A_21 = tpu.memref_slice %arg4[%mul3A_2] : memref<10240xf32, #tpu.memory_space<vmem_shared>> -> memref<640xf32, #tpu.memory_space<vmem_shared>>
      tpu.enqueue_dma source(%dma_start3A_21 : memref<640xf32, #tpu.memory_space<vmem_shared>>) target(%dma_start3A_20 : memref<640xf32, #tpu.memory_space<hbm>>) target_semaphore(%run_scoped3A : memref<!tpu.dma_semaphore, #tpu.memory_space<semaphore_mem>>)
      %dma_wait3A = tpu.memref_slice %arg3[%arg0, %mul3A_2] : memref<2x10240xf32, #tpu.memory_space<hbm>> -> memref<1x640xf32, #tpu.memory_space<hbm>>
      %dma_wait3A_22 = tpu.memref_squeeze %dma_wait3A : memref<1x640xf32, #tpu.memory_space<hbm>> -> memref<640xf32, #tpu.memory_space<hbm>>
      %dma_wait3A_23 = tpu.memref_slice %arg4[%mul3A_2] : memref<10240xf32, #tpu.memory_space<vmem_shared>> -> memref<640xf32, #tpu.memory_space<vmem_shared>>
      tpu.wait_dma2 semaphore(%run_scoped3A : memref<!tpu.dma_semaphore, #tpu.memory_space<semaphore_mem>>) src(%dma_wait3A_23 : memref<640xf32, #tpu.memory_space<vmem_shared>>) dst(%dma_wait3A_22 : memref<640xf32, #tpu.memory_space<hbm>>)
      tpu.yield
    }) : () -> ()
    return
  }
}

module attributes {stable_mosaic.version = 14 : i64} {
  func.func @_tc_pre_body(%arg0: memref<10000x128xf32, #tpu.memory_space<vmem>>, %arg1: memref<128x64xf32, #tpu.memory_space<vmem>>, %arg2: memref<128x64xf32, #tpu.memory_space<vmem>>, %arg3: memref<10240x64xf32, #tpu.memory_space<vmem>>, %arg4: memref<10240x64xf32, #tpu.memory_space<vmem>>) attributes {dimension_semantics = [], scalar_prefetch = 0 : i64, scratch_operands = 0 : i64, tpu.core_type = #tpu.core_type<tc>} {
    %get3A = arith.constant 0 : index
    %get3A_0 = arith.constant 0 : index
    %get3A_1 = vector.load %arg0[%get3A, %get3A_0] : memref<10000x128xf32, #tpu.memory_space<vmem>>, vector<10000x128xf32>
    %get3A_2 = arith.constant 0 : index
    %get3A_3 = arith.constant 0 : index
    %get3A_4 = vector.load %arg1[%get3A_2, %get3A_3] : memref<128x64xf32, #tpu.memory_space<vmem>>, vector<128x64xf32>
    %dot_general3A = arith.constant dense<0.000000e+00> : vector<10000x64xf32>
    %dot_general3A_5 = tpu.matmul %get3A_1, %get3A_4, %dot_general3A {dimension_numbers = #tpu.dot_dimension_numbers<[1], [0], [0], [1], [0, 0, 1, 1], [], []>, transpose_lhs_hint = false} : vector<10000x128xf32>, vector<128x64xf32>, vector<10000x64xf32> -> vector<10000x64xf32>
    %get3A_6 = arith.constant 0 : index
    %get3A_7 = arith.constant 0 : index
    %get3A_8 = vector.load %arg0[%get3A_6, %get3A_7] : memref<10000x128xf32, #tpu.memory_space<vmem>>, vector<10000x128xf32>
    %get3A_9 = arith.constant 0 : index
    %get3A_10 = arith.constant 0 : index
    %get3A_11 = vector.load %arg2[%get3A_9, %get3A_10] : memref<128x64xf32, #tpu.memory_space<vmem>>, vector<128x64xf32>
    %dot_general3A_12 = arith.constant dense<0.000000e+00> : vector<10000x64xf32>
    %dot_general3A_13 = tpu.matmul %get3A_8, %get3A_11, %dot_general3A_12 {dimension_numbers = #tpu.dot_dimension_numbers<[1], [0], [0], [1], [0, 0, 1, 1], [], []>, transpose_lhs_hint = false} : vector<10000x128xf32>, vector<128x64xf32>, vector<10000x64xf32> -> vector<10000x64xf32>
    %swap3A = arith.constant 0 : index
    %swap3A_14 = arith.constant 0 : index
    %swap3A_15 = vector.load %arg3[%swap3A, %swap3A_14] : memref<10240x64xf32, #tpu.memory_space<vmem>>, vector<10000x64xf32>
    tpu.vector_store %arg3[%swap3A, %swap3A_14], %dot_general3A_5 {strides = array<i32>} : memref<10240x64xf32, #tpu.memory_space<vmem>>, vector<10000x64xf32>,
    %swap3A_16 = arith.constant 0 : index
    %swap3A_17 = arith.constant 0 : index
    %swap3A_18 = vector.load %arg4[%swap3A_16, %swap3A_17] : memref<10240x64xf32, #tpu.memory_space<vmem>>, vector<10000x64xf32>
    tpu.vector_store %arg4[%swap3A_16, %swap3A_17], %dot_general3A_13 {strides = array<i32>} : memref<10240x64xf32, #tpu.memory_space<vmem>>, vector<10000x64xf32>,
    %broadcast_in_dim3A = arith.constant 0.000000e+00 : f32
    %broadcast_in_dim3A_19 = vector.broadcast %broadcast_in_dim3A : f32 to vector<240x64xf32>
    %swap3A_20 = arith.constant 10000 : index
    %swap3A_21 = arith.constant 0 : index
    %swap3A_22 = vector.load %arg3[%swap3A_20, %swap3A_21] : memref<10240x64xf32, #tpu.memory_space<vmem>>, vector<240x64xf32>
    tpu.vector_store %arg3[%swap3A_20, %swap3A_21], %broadcast_in_dim3A_19 {strides = array<i32>} : memref<10240x64xf32, #tpu.memory_space<vmem>>, vector<240x64xf32>,
    %swap3A_23 = arith.constant 10000 : index
    %swap3A_24 = arith.constant 0 : index
    %swap3A_25 = vector.load %arg4[%swap3A_23, %swap3A_24] : memref<10240x64xf32, #tpu.memory_space<vmem>>, vector<240x64xf32>
    tpu.vector_store %arg4[%swap3A_23, %swap3A_24], %broadcast_in_dim3A_19 {strides = array<i32>} : memref<10240x64xf32, #tpu.memory_space<vmem>>, vector<240x64xf32>,
    return
  }
}

module attributes {stable_mosaic.version = 14 : i64} {
  func.func @_tc_post_body(%arg0: memref<2x5120x128xf32, #tpu.memory_space<vmem>>, %arg1: memref<2x5120x128xf32, #tpu.memory_space<vmem>>, %arg2: memref<1x64xf32, #tpu.memory_space<vmem>>, %arg3: memref<1x64xf32, #tpu.memory_space<vmem>>, %arg4: memref<1x64xf32, #tpu.memory_space<vmem>>, %arg5: memref<64x64xf32, #tpu.memory_space<vmem>>, %arg6: memref<64x64xf32, #tpu.memory_space<vmem>>, %arg7: memref<1x64xf32, #tpu.memory_space<vmem>>, %arg8: memref<1x64xf32, #tpu.memory_space<vmem>>) attributes {dimension_semantics = [], scalar_prefetch = 0 : i64, scratch_operands = 0 : i64, tpu.core_type = #tpu.core_type<tc>} {
    %iota3A = tpu.iota {dimensions = array<i32: 0>} : vector<5120x1xi32>
    %lt3A = arith.constant 5000 : i32
    %lt3A_0 = vector.broadcast %lt3A : i32 to vector<5120x1xi32>
    %lt3A_1 = arith.cmpi slt, %iota3A, %lt3A_0 : vector<5120x1xi32>
    %convert_element_type3A = arith.extui %lt3A_1 : vector<5120x1xi1> to vector<5120x1xi32>
    %convert_element_type3A_2 = arith.sitofp %convert_element_type3A : vector<5120x1xi32> to vector<5120x1xf32>
    %get3A = arith.constant 0 : index
    %get3A_3 = arith.constant 0 : index
    %get3A_4 = arith.constant 0 : index
    %get3A_5 = vector.load %arg0[%get3A, %get3A_3, %get3A_4] : memref<2x5120x128xf32, #tpu.memory_space<vmem>>, vector<1x5120x128xf32>
    %get3A_6 = vector.shape_cast %get3A_5 : vector<1x5120x128xf32> to vector<5120x128xf32>
    %get3A_7 = arith.constant 1 : index
    %get3A_8 = arith.constant 0 : index
    %get3A_9 = arith.constant 0 : index
    %get3A_10 = vector.load %arg0[%get3A_7, %get3A_8, %get3A_9] : memref<2x5120x128xf32, #tpu.memory_space<vmem>>, vector<1x5120x128xf32>
    %get3A_11 = vector.shape_cast %get3A_10 : vector<1x5120x128xf32> to vector<5120x128xf32>
    %add3A = arith.addf %get3A_6, %get3A_11 : vector<5120x128xf32>
    %get3A_12 = arith.constant 0 : index
    %get3A_13 = arith.constant 0 : index
    %get3A_14 = vector.load %arg2[%get3A_12, %get3A_13] : memref<1x64xf32, #tpu.memory_space<vmem>>, vector<1x64xf32>
    %concatenate3A = tpu.concatenate %get3A_14, %get3A_14 in 1 : vector<1x64xf32>, vector<1x64xf32> -> vector<1x128xf32>
    %add3A_15 = vector.broadcast %concatenate3A : vector<1x128xf32> to vector<5120x128xf32>
    %add3A_16 = arith.addf %add3A, %add3A_15 : vector<5120x128xf32>
    %mul3A = vector.broadcast %convert_element_type3A_2 : vector<5120x1xf32> to vector<5120x128xf32>
    %mul3A_17 = arith.mulf %add3A_16, %mul3A : vector<5120x128xf32>
    %reduce_sum3A = arith.constant dense<0.000000e+00> : vector<128xf32>
    %reduce_sum3A_18 = vector.multi_reduction <add>, %mul3A_17, %reduce_sum3A [0] : vector<5120x128xf32> to vector<128xf32>
    %broadcast_in_dim3A = vector.shape_cast %reduce_sum3A_18 : vector<128xf32> to vector<1x128xf32>
    %slice3A = vector.extract_strided_slice %broadcast_in_dim3A {offsets = [0, 0], sizes = [1, 64], strides = [1, 1]} : vector<1x128xf32> to vector<1x64xf32>
    %slice3A_19 = vector.extract_strided_slice %broadcast_in_dim3A {offsets = [0, 64], sizes = [1, 64], strides = [1, 1]} : vector<1x128xf32> to vector<1x64xf32>
    %add3A_20 = arith.addf %slice3A, %slice3A_19 : vector<1x64xf32>
    %concatenate3A_21 = tpu.concatenate %add3A_20, %add3A_20 in 1 : vector<1x64xf32>, vector<1x64xf32> -> vector<1x128xf32>
    %mul3A_22 = arith.constant 9.99999974E-5 : f32
    %mul3A_23 = vector.broadcast %mul3A_22 : f32 to vector<1x128xf32>
    %mul3A_24 = arith.mulf %concatenate3A_21, %mul3A_23 : vector<1x128xf32>
    %sub3A = vector.broadcast %mul3A_24 : vector<1x128xf32> to vector<5120x128xf32>
    %sub3A_25 = arith.subf %add3A_16, %sub3A : vector<5120x128xf32>
    %mul3A_26 = arith.mulf %sub3A_25, %sub3A_25 : vector<5120x128xf32>
    %mul3A_27 = vector.broadcast %convert_element_type3A_2 : vector<5120x1xf32> to vector<5120x128xf32>
    %mul3A_28 = arith.mulf %mul3A_26, %mul3A_27 : vector<5120x128xf32>
    %reduce_sum3A_29 = arith.constant dense<0.000000e+00> : vector<128xf32>
    %reduce_sum3A_30 = vector.multi_reduction <add>, %mul3A_28, %reduce_sum3A_29 [0] : vector<5120x128xf32> to vector<128xf32>
    %broadcast_in_dim3A_31 = vector.shape_cast %reduce_sum3A_30 : vector<128xf32> to vector<1x128xf32>
    %slice3A_32 = vector.extract_strided_slice %broadcast_in_dim3A_31 {offsets = [0, 0], sizes = [1, 64], strides = [1, 1]} : vector<1x128xf32> to vector<1x64xf32>
    %slice3A_33 = vector.extract_strided_slice %broadcast_in_dim3A_31 {offsets = [0, 64], sizes = [1, 64], strides = [1, 1]} : vector<1x128xf32> to vector<1x64xf32>
    %add3A_34 = arith.addf %slice3A_32, %slice3A_33 : vector<1x64xf32>
    %concatenate3A_35 = tpu.concatenate %add3A_34, %add3A_34 in 1 : vector<1x64xf32>, vector<1x64xf32> -> vector<1x128xf32>
    %mul3A_36 = arith.constant 9.99999974E-5 : f32
    %mul3A_37 = vector.broadcast %mul3A_36 : f32 to vector<1x128xf32>
    %mul3A_38 = arith.mulf %concatenate3A_35, %mul3A_37 : vector<1x128xf32>
    %get3A_39 = arith.constant 0 : index
    %get3A_40 = arith.constant 0 : index
    %get3A_41 = vector.load %arg3[%get3A_39, %get3A_40] : memref<1x64xf32, #tpu.memory_space<vmem>>, vector<1x64xf32>
    %concatenate3A_42 = tpu.concatenate %get3A_41, %get3A_41 in 1 : vector<1x64xf32>, vector<1x64xf32> -> vector<1x128xf32>
    %mul3A_43 = vector.broadcast %concatenate3A_42 : vector<1x128xf32> to vector<5120x128xf32>
    %mul3A_44 = arith.mulf %mul3A_43, %sub3A_25 : vector<5120x128xf32>
    %add3A_45 = arith.constant 9.99999974E-6 : f32
    %add3A_46 = vector.broadcast %add3A_45 : f32 to vector<1x128xf32>
    %add3A_47 = arith.addf %mul3A_38, %add3A_46 : vector<1x128xf32>
    %rsqrt3A = math.rsqrt %add3A_47 : vector<1x128xf32>
    %mul3A_48 = vector.broadcast %rsqrt3A : vector<1x128xf32> to vector<5120x128xf32>
    %mul3A_49 = arith.mulf %mul3A_44, %mul3A_48 : vector<5120x128xf32>
    %get3A_50 = arith.constant 0 : index
    %get3A_51 = arith.constant 0 : index
    %get3A_52 = vector.load %arg4[%get3A_50, %get3A_51] : memref<1x64xf32, #tpu.memory_space<vmem>>, vector<1x64xf32>
    %concatenate3A_53 = tpu.concatenate %get3A_52, %get3A_52 in 1 : vector<1x64xf32>, vector<1x64xf32> -> vector<1x128xf32>
    %add3A_54 = vector.broadcast %concatenate3A_53 : vector<1x128xf32> to vector<5120x128xf32>
    %add3A_55 = arith.addf %mul3A_49, %add3A_54 : vector<5120x128xf32>
    %max3A = arith.constant 0.000000e+00 : f32
    %max3A_56 = vector.broadcast %max3A : f32 to vector<5120x128xf32>
    %max3A_57 = arith.maximumf %add3A_55, %max3A_56 : vector<5120x128xf32>
    %mul3A_58 = vector.broadcast %convert_element_type3A_2 : vector<5120x1xf32> to vector<5120x128xf32>
    %mul3A_59 = arith.mulf %max3A_57, %mul3A_58 : vector<5120x128xf32>
    %get3A_60 = arith.constant 0 : index
    %get3A_61 = arith.constant 0 : index
    %get3A_62 = arith.constant 0 : index
    %get3A_63 = vector.load %arg1[%get3A_60, %get3A_61, %get3A_62] : memref<2x5120x128xf32, #tpu.memory_space<vmem>>, vector<1x5120x128xf32>
    %get3A_64 = vector.shape_cast %get3A_63 : vector<1x5120x128xf32> to vector<5120x128xf32>
    %get3A_65 = arith.constant 1 : index
    %get3A_66 = arith.constant 0 : index
    %get3A_67 = arith.constant 0 : index
    %get3A_68 = vector.load %arg1[%get3A_65, %get3A_66, %get3A_67] : memref<2x5120x128xf32, #tpu.memory_space<vmem>>, vector<1x5120x128xf32>
    %get3A_69 = vector.shape_cast %get3A_68 : vector<1x5120x128xf32> to vector<5120x128xf32>
    %add3A_70 = arith.addf %get3A_64, %get3A_69 : vector<5120x128xf32>
    %mul3A_71 = arith.mulf %mul3A_59, %add3A_70 : vector<5120x128xf32>
    %reduce_sum3A_72 = arith.constant dense<0.000000e+00> : vector<128xf32>
    %reduce_sum3A_73 = vector.multi_reduction <add>, %mul3A_71, %reduce_sum3A_72 [0] : vector<5120x128xf32> to vector<128xf32>
    %broadcast_in_dim3A_74 = vector.shape_cast %reduce_sum3A_73 : vector<128xf32> to vector<1x128xf32>
    %slice3A_75 = vector.extract_strided_slice %broadcast_in_dim3A_74 {offsets = [0, 0], sizes = [1, 64], strides = [1, 1]} : vector<1x128xf32> to vector<1x64xf32>
    %slice3A_76 = vector.extract_strided_slice %broadcast_in_dim3A_74 {offsets = [0, 64], sizes = [1, 64], strides = [1, 1]} : vector<1x128xf32> to vector<1x64xf32>
    %add3A_77 = arith.addf %slice3A_75, %slice3A_76 : vector<1x64xf32>
    %mul3A_78 = arith.constant 9.99999974E-5 : f32
    %mul3A_79 = vector.broadcast %mul3A_78 : f32 to vector<1x64xf32>
    %mul3A_80 = arith.mulf %add3A_77, %mul3A_79 : vector<1x64xf32>
    %reduce_sum3A_81 = arith.constant dense<0.000000e+00> : vector<128xf32>
    %reduce_sum3A_82 = vector.multi_reduction <add>, %mul3A_59, %reduce_sum3A_81 [0] : vector<5120x128xf32> to vector<128xf32>
    %broadcast_in_dim3A_83 = vector.shape_cast %reduce_sum3A_82 : vector<128xf32> to vector<1x128xf32>
    %slice3A_84 = vector.extract_strided_slice %broadcast_in_dim3A_83 {offsets = [0, 0], sizes = [1, 64], strides = [1, 1]} : vector<1x128xf32> to vector<1x64xf32>
    %slice3A_85 = vector.extract_strided_slice %broadcast_in_dim3A_83 {offsets = [0, 64], sizes = [1, 64], strides = [1, 1]} : vector<1x128xf32> to vector<1x64xf32>
    %add3A_86 = arith.addf %slice3A_84, %slice3A_85 : vector<1x64xf32>
    %mul3A_87 = arith.constant 9.99999974E-5 : f32
    %mul3A_88 = vector.broadcast %mul3A_87 : f32 to vector<1x64xf32>
    %mul3A_89 = arith.mulf %add3A_86, %mul3A_88 : vector<1x64xf32>
    %get3A_90 = arith.constant 0 : index
    %get3A_91 = arith.constant 0 : index
    %get3A_92 = vector.load %arg5[%get3A_90, %get3A_91] : memref<64x64xf32, #tpu.memory_space<vmem>>, vector<64x64xf32>
    %dot_general3A = arith.constant dense<0.000000e+00> : vector<1x64xf32>
    %dot_general3A_93 = tpu.matmul %mul3A_80, %get3A_92, %dot_general3A {dimension_numbers = #tpu.dot_dimension_numbers<[1], [0], [0], [1], [0, 0, 1, 1], [], []>, transpose_lhs_hint = false} : vector<1x64xf32>, vector<64x64xf32>, vector<1x64xf32> -> vector<1x64xf32>
    %get3A_94 = arith.constant 0 : index
    %get3A_95 = arith.constant 0 : index
    %get3A_96 = vector.load %arg6[%get3A_94, %get3A_95] : memref<64x64xf32, #tpu.memory_space<vmem>>, vector<64x64xf32>
    %dot_general3A_97 = arith.constant dense<0.000000e+00> : vector<1x64xf32>
    %dot_general3A_98 = tpu.matmul %mul3A_89, %get3A_96, %dot_general3A_97 {dimension_numbers = #tpu.dot_dimension_numbers<[1], [0], [0], [1], [0, 0, 1, 1], [], []>, transpose_lhs_hint = false} : vector<1x64xf32>, vector<64x64xf32>, vector<1x64xf32> -> vector<1x64xf32>
    %add3A_99 = arith.addf %dot_general3A_93, %dot_general3A_98 : vector<1x64xf32>
    %get3A_100 = arith.constant 0 : index
    %get3A_101 = arith.constant 0 : index
    %get3A_102 = vector.load %arg7[%get3A_100, %get3A_101] : memref<1x64xf32, #tpu.memory_space<vmem>>, vector<1x64xf32>
    %add3A_103 = arith.addf %add3A_99, %get3A_102 : vector<1x64xf32>
    %swap3A = arith.constant 0 : index
    %swap3A_104 = arith.constant 0 : index
    %swap3A_105 = vector.load %arg8[%swap3A, %swap3A_104] : memref<1x64xf32, #tpu.memory_space<vmem>>, vector<1x64xf32>
    tpu.vector_store %arg8[%swap3A, %swap3A_104], %add3A_103 {strides = array<i32>} : memref<1x64xf32, #tpu.memory_space<vmem>>, vector<1x64xf32>,
    return
  }
}

</mosaic_0001>

<sc_bundles>
// kernel: kernel.6.cloned.1.call-start
scs
__scs_entry_jumppad:
0x0: {  	(pc) =	sbr.rel $0x88, $3  }
0x1: {  	(tag) =	ssettag $0x0;
	lr =	simm.s32 $0x1  }
0x2: {  	[smem:$0x3F97] =	sst lr;
	_ =	strace $0xD0000000  }
0x3: {  	_ = 	snop  }
0x4: {  	_ = 	snop  }
0x5: {  	_ = 	snop  }
0x6: {  	_ = 	snop  }
0x7: {  	_ = 	snop  }
__scs_overlays_trampoline_lowered:
0x8: {  	[smem:$0x3FA6] =	sst s0  }
0x9: {  	[smem:$0x3FA7] =	sst s1  }
0xa: {  	[smem:$0x3FA8] =	sst s2  }
0xb: {  	[smem:$0x3FA9] =	sst s3  }
0xc: {  	[smem:$0x3FAA] =	sst s4  }
0xd: {  	[smem:$0x3FAB] =	sst s5  }
0xe: {  	[smem:$0x3FAC] =	sst s6  }
0xf: {  	[smem:$0x3FAD] =	sst s7  }
0x10: {  	[smem:$0x3FAE] =	sst s8  }
0x11: {  	[smem:$0x3FAF] =	sst s9;
	s0 =	simm.s32 @!p0 $0x0  }
0x12: {  	s1 =	sld [smem:$0x3F95];
	s0 =	simm.s32 @p0 $0x1  }
0x13: {  	[smem:$0x3FB0] =	sst s0;
	s0 =	simm.s32 @!p1 $0x0  }
0x14: {  	s2 =	sld [smem:$0x3F94];
	s0 =	simm.s32 @p1 $0x1  }
0x15: {  	[smem:$0x3FB1] =	sst s0;
	s0 =	simm.s32 @!p2 $0x0  }
0x16: {  	s3 =	sld [smem:$0x3FDB];
	s0 =	simm.s32 @p2 $0x1  }
0x17: {  	s4 =	simm.s32 $0x1BF5;
	[smem:$0x3FB3] =	sst s0  }
0x18: {  	s0 =	sld [smem:$0x3F96];
	_ =	swait.ge [sflag:s4], $0x0  }
0x19: {  	s7 =	sld [smem:$0x3F97]  }
0x1a: {  	s8 =	sadd.s32 $0xFFFFE003, lr  }
0x1b: {  	s9 =	sadd.s32 $0xFFFFFEF7, lr;
	s5 =	simm.s32 $0xFFFFFFFF;
	p2 =	slt.u32 s8, $0xFFFFF086  }
0x1c: {  	p1 =	slt.u32 s9, $0xF7A;
	s5 =	simm.s32 @!p2 $0x0  }
0x1d: {  	s5 =	simm.s32 @p1 $0x1;
	p0 =	seq.s32 s7, s2  }
0x1e: {  	s7 =	smul.u32 @!p0 $0xF7A, s2;
	p2 =	seq.s32 @!p0 s5, $0x0  }
0x1f: {  	s9 =	smul.u32 $0xF7A, s1;
	s8 =	simm.s32 @!p0 $0x1BF5;
	p2 =	por !p2, p0  }
0x20: {  	[sflag:s8] =	ssyncset.s32 @!p0 $0xFFFFF086;
	s6 =	sadd.s32 @!p0 s3, s7;
	s7 =	simm.s32 @!p0 $0x108  }
0x21: {  	s3 =	sadd.s32 s3, s9;
	s6 =	sadd.s32 @!p0 $0x88, s6;
	s7 =	simm.s32 @p2 $0x1082  }
0x22: {  	[simem:s7], [sflag:s8] =	dma.local @!p0 [hbm:s6], $0xF7A  }
0x23: {  	s9 =	sor.u32 $0xD0000000, s2;
	s6 =	simm.s32 $0x108;
	_ =	swait.ge @!p0 [sflag:s8], $0x0  }
0x24: {  	s3 =	sadd.s32 $0x88, s3;
	s6 =	simm.s32 @!p1 $0x1082;
	[sflag:s4] =	ssyncset.s32 $0xFFFFF086  }
0x25: {  	[simem:s6], [sflag:s4] =	dma.local [hbm:s3], $0xF7A  }
0x26: {  	[smem:$0x3F97] =	sst s1;
	(tag) =	ssettag s2;
	_ =	strace s9  }
0x27: {  	s1 =	sld [smem:$0x3FA7]  }
0x28: {  	s2 =	sld [smem:$0x3FA8]  }
0x29: {  	s4 =	sld [smem:$0x3FAA]  }
0x2a: {  	p0 =	seq.s32 s5, $0x0;
	s5 =	sld [smem:$0x3FAB]  }
0x2b: {  	s6 =	sld [smem:$0x3FAC]  }
0x2c: {  	s7 =	sld [smem:$0x3FAD]  }
0x2d: {  	s3 =	simm.s32 $0x108;
	s8 =	sld [smem:$0x3FAE]  }
0x2e: {  	s3 =	simm.s32 @!p0 $0x1082;
	s9 =	sld [smem:$0x3FAF]  }
0x2f: {  	lr =	sadd.s32 s0, s3;
	s0 =	sld [smem:$0x3FA6]  }
0x30: {  	s3 =	sld [smem:$0x3FA9]  }
0x31: {  	[smem:$0x3FB2] =	sst s10  }
0x32: {  	s10 =	sld [smem:$0x3FB0];
	_ =	sdelay $0x3  }
0x33: {  	p0 =	seq.s32 s10, $0x1;
	s10 =	sld [smem:$0x3FB2];
	_ =	sdelay $0x3  }
0x34: {  	[smem:$0x3FB2] =	sst s10  }
0x35: {  	s10 =	sld [smem:$0x3FB1];
	_ =	sdelay $0x3  }
0x36: {  	p1 =	seq.s32 s10, $0x1;
	s10 =	sld [smem:$0x3FB2];
	_ =	sdelay $0x3  }
0x37: {  	[smem:$0x3FB2] =	sst s10  }
0x38: {  	s10 =	sld [smem:$0x3FB3]  }
0x39: {  	_ = 	snop;
	(pc) =	sbr.ind lr, $3  }
0x3a: {  	_ = 	snop  }
0x3b: {  	_ = 	snop  }
0x3c: {  	p2 =	seq.s32 s10, $0x1;
	s10 =	sld [smem:$0x3FB2]  }
0x3d: {  	_ =	shalt  }
0x3e: {  	_ =	shalt  }
0x3f: {  	_ =	shalt  }
0x40: {  	_ =	shalt  }
0x41: {  	_ =	shalt  }
0x42: {  	_ =	shalt  }
0x43: {  	_ =	shalt  }
0x44: {  	_ =	shalt  }
0x45: {  	_ =	shalt  }
0x46: {  	_ =	shalt  }
0x47: {  	_ =	shalt  }
0x48: {  	_ =	shalt  }
0x49: {  	_ =	shalt  }
0x4a: {  	_ =	shalt  }
0x4b: {  	_ =	shalt  }
0x4c: {  	_ =	shalt  }
0x4d: {  	_ =	shalt  }
0x4e: {  	_ =	shalt  }
0x4f: {  	_ =	shalt  }
0x50: {  	_ =	shalt  }
0x51: {  	_ =	shalt  }
0x52: {  	_ =	shalt  }
0x53: {  	_ =	shalt  }
0x54: {  	_ =	shalt  }
0x55: {  	_ =	shalt  }
0x56: {  	_ =	shalt  }
0x57: {  	_ =	shalt  }
0x58: {  	_ =	shalt  }
0x59: {  	_ =	shalt  }
0x5a: {  	_ =	shalt  }
0x5b: {  	_ =	shalt  }
0x5c: {  	_ =	shalt  }
0x5d: {  	_ =	shalt  }
0x5e: {  	_ =	shalt  }
0x5f: {  	_ =	shalt  }
0x60: {  	_ =	shalt  }
0x61: {  	_ =	shalt  }
0x62: {  	_ =	shalt  }
0x63: {  	_ =	shalt  }
0x64: {  	_ =	shalt  }
0x65: {  	_ =	shalt  }
0x66: {  	_ =	shalt  }
0x67: {  	_ =	shalt  }
0x68: {  	_ =	shalt  }
0x69: {  	_ =	shalt  }
0x6a: {  	_ =	shalt  }
0x6b: {  	_ =	shalt  }
0x6c: {  	_ =	shalt  }
0x6d: {  	_ =	shalt  }
0x6e: {  	_ =	shalt  }
0x6f: {  	_ =	shalt  }
0x70: {  	_ =	shalt  }
0x71: {  	_ =	shalt  }
0x72: {  	_ =	shalt  }
0x73: {  	_ =	shalt  }
0x74: {  	_ =	shalt  }
0x75: {  	_ =	shalt  }
0x76: {  	_ =	shalt  }
0x77: {  	_ =	shalt  }
0x78: {  	_ =	shalt  }
0x79: {  	_ =	shalt  }
0x7a: {  	_ =	shalt  }
0x7b: {  	_ =	shalt  }
0x7c: {  	_ =	shalt  }
0x7d: {  	_ =	shalt  }
0x7e: {  	_ =	shalt  }
0x7f: {  	_ =	shalt  }
0x80: {  	_ =	shalt  }
0x81: {  	_ =	shalt  }
0x82: {  	_ =	shalt  }
0x83: {  	_ =	shalt  }
0x84: {  	_ =	shalt  }
0x85: {  	_ =	shalt  }
0x86: {  	_ =	shalt  }
0x87: {  	_ =	shalt  }
.Lfunc_end0:
.L_simem_size_0:
called_computation_lowered:
.L_overlay_start_0:
0x88: {  	s2 =	sld [smem:$0x3FD9]  }
0x89: {  	s3 =	sld [smem:$0x3FFE];
	_ =	sdelay $0x1  }
0x8a: {  	s1 =	srdreg.scid  }
0x8b: {  	s0 =	sand.u32 $0x1, s1  }
0x8c: {  	s16 =	sshll.u32 s0, $0xA;
	s2 =	sadd.s32 s3, s2  }
0x8d: {  	s2 =	sadd.s32 s2, s16  }
0x8e: {  	[smem:$0x3FBE] =	sst s2  }
0x8f: {  	_ = 	snop  }
0x90: {  	(tm) =	ssettm $0x1  }
0x91: {  	s17 =	sld [smem:$0x3FFB];
	_ =	sdelay $0x3  }
0x92: {  	_ =	strace s17  }
0x93: {  	s2 =	sld [smem:$0x3FFC];
	_ =	sdelay $0x3  }
0x94: {  	_ =	strace s2  }
0x95: {  	s2 =	sld [smem:$0x3FFD];
	_ =	sdelay $0x3  }
0x96: {  	_ =	strace s2  }
0x97: {  	_ =	strace $0x8FFFFFFF  }
0x98: {  	s18 =	sld [smem:$0x3FDB];
	_ =	sdelay $0x1  }
0x99: {  	s19 =	simm.s32 $_scs_section_size  }
0x9a: {  	s4 =	simm.s32 $_size__tile_overlayer_lowered;
	s5 =	simm.s32 $_tile_overlayer_lowered  }
0x9b: {  	s22 =	simm.s32 $0x1BFF;
	s21 =	sshll.u32 s5, $0x1;
	s2 =	sadd.s32 s19, s18  }
0x9c: {  	s6 =	simm.s32 $0x0;
	s20 =	sshll.u32 s4, $0x1;
	s4 =	sadd.s32 s21, s2  }
0x9d: {  	[timem:s6], [sflag:s22] =	dma.local [hbm:s4], s20  }
0x9e: {  	_ =	swait.ge [sflag:s22], s20  }
0x9f: {  	s3 =	ssub.s32 $0x0, s20;
	[sflag:s22] =	ssyncset.done $0x0  }
0xa0: {  	[sflag:s22] =	ssyncadd.s32 s3;
	_ =	sdelay $0x1  }
0xa1: {  	s23 =	simm.s32 $0x1B8B  }
0xa2: {  	_ =	swait.ge [sflag:s23], $0x1  }
0xa3: {  	[sflag:s23] =	ssyncset.done $0x0  }
0xa4: {  	s25 =	simm.s32 $0x1B8E;
	s24 =	sld [smem:$0x3FFE];
	[sflag:s23] =	ssyncadd.s32 $0xFFFFFFFF  }
0xa5: {  	s26 =	simm.s32 $execute0_lowered;
	[smem:$0x3FD2] =	sst s25  }
0xa6: {  	s4 =	sshll.u32 s26, $0x1;
	_ =	strace $0x80000046;
	[dreg:$0x1] =	wrdreg $0xFFFFFFFF  }
0xa7: {  	s28 =	simm.s32 $_size_execute0_lowered;
	s2 =	sadd.s32 s2, s4;
	[dreg:$0x0] =	wrdreg $0x0  }
0xa8: {  	s4 =	sshll.u32 s28, $0x1;
	[dreg:$0x2] =	wrdreg s2  }
0xa9: {  	[dreg:$0x3] =	wrdreg s4  }
0xaa: {  	[dreg:$0x4] =	wrdreg $0xC0  }
0xab: {  	_ =	task [dreg:s6], $0x5FFFF  }
0xac: {  	[dreg:$0x1] =	wrdreg $0xFFFFFFFF  }
0xad: {  	[dreg:$0x0] =	wrdreg $0x60  }
0xae: {  	[dreg:$0x2] =	wrdreg s24  }
0xaf: {  	[dreg:$0x3] =	wrdreg $0x0  }
0xb0: {  	[dreg:$0x4] =	wrdreg $0x9  }
0xb1: {  	_ =	task.clear_ibuf [dreg:s6], $0x5FFFF;
	_ =	strace $0x90000046  }
0xb2: {  	s29 =	simm.s32 $0x9;
	_ =	strace $0x80000048  }
0xb3: {  	_ =	swait.ge [sflag:s29], $0x1  }
0xb4: {  	[sflag:s29] =	ssyncadd.s32 $0xFFFFFFFF  }
0xb5: {  	_ =	strace $0x90000048  }
0xb6: {  	_ =	sfence  }
0xb7: {  	s30 =	sld [smem:$0x0];
	_ =	sdelay $0x2  }
0xb8: {  	s31 =	sshll.u32 s1, $0xD;
	s1 =	sshrl.u32 s1, $0x2  }
0xb9: {  	s3 =	sand.u32 $0x4000, s31;
	s1 =	sadd.s32 s1, s30  }
0xba: {  	s0 =	sor.u32 s3, s0;
	s1 =	sshll.u32 s1, $0x11  }
0xbb: {  	s0 =	sor.u32 s1, s0  }
0xbc: {  	s0 =	sadd.s32 $0x8F2B, s0  }
0xbd: {  	[sflag:s0] =	ssyncadd.remote.s32 $0x1  }
0xbe: {  	_ =	sfence.sel $0xFFFF  }
0xbf: {  	[dreg:$0x0] =	wrdreg $0xFFFFFFFF;
	(pc) =	sbr.abs _section_cstart, $3  }
0xc0: {  	[dreg:$0x1] =	wrdreg $0xFFFFFFFF  }
0xc1: {  	_ =	task.clear_ibuf [dreg:s6], $0x2FFFF;
	_ =	strace $0x9FFFFFFF  }
0xc2: {  	(tm) =	ssettm $0x7FFFFFFF  }
0xc3: {  	_ =	shalt  }
tec
execute0_lowered:
.L_overlay_start_1:
0x0: {  	(tag) =	ssettag $0x1  }
0x1: {  	s1 =	srdreg.scid;
	s4 =	rddreg [dreg:$0x0]  }
0x2: {  	s0 =	stileid.u32;
	s2 =	rddreg [dreg:$0x1];
	s3 =	simm.s32 $0x0  }
0x3: {  	s10 =	simm.s32 $0x280;
	s11 =	simm.s32 $0x80;
	s12 =	simm.s32 $0x2A80  }
0x4: {  	s13 =	simm.s32 $0x1;
	s5 =	sand.u32 $0x1, s1;
	s1 =	rddreg [dreg:$0x2]  }
0x5: {  	s16 =	simm.s32 $0x0;
	s6 =	smul.u32 $0x280, s0;
	[smem:$0x7FF] =	sst s3  }
0x6: {  	s14 =	sshll.u32 s0, $0x6;
	s7 =	sshll.u32 s5, $0x4;
	s8 =	smul.u32 $0x2800, s5  }
0x7: {  	_ =	strace $0x80000047;
	s5 =	ssub.s32 $0x2, s5;
	s7 =	sor.u32 s0, s7  }
0x8: {  	s31 =	sshrl.u32 s5, $0x1;
	s7 =	smul.u32 $0x500, s7;
	s8 =	sadd.s32 s6, s8  }
0x9: {  	s14 =	sor.u32 $0x1C02, s14;
	s9 =	ssub.s32 s5, s31;
	s8 =	sshrl.u32 s8, $0x3  }
0xa: {  	s7 =	sadd.s32 s7, s4;
	s8 =	sadd.s32 s8, s4;
	s4 =	sadd.s32 s6, s2  }
0xb: {  	s5 =	sadd.s32 $0x2C00, s7;
	s6 =	sadd.s32 $0x16C00, s8;
	s7 =	smax.u32 s9, $0x1  }
0xc: {  	v0 =	vimm.f32 $0.0e+00;
	v1 =	vimm.f32 $1.000000000e+00;
	s8 =	simm.s32 $0x2B00;
	s9 =	simm.s32 $0x2;
	s15 =	sshrl.u32 s4, $0x3  }
.LBB2_1:
0xd: {  	[tilespmem:$0x2B00] =	vst v0  }
0xe: {  	[tilespmem:$0x2B10] =	vst v0  }
0xf: {  	[tilespmem:$0x2B20] =	vst v0  }
0x10: {  	[tilespmem:$0x2B30] =	vst v0  }
0x11: {  	[tilespmem:$0x2B40] =	vst v0  }
0x12: {  	[tilespmem:$0x2B50] =	vst v0  }
0x13: {  	[tilespmem:$0x2B60] =	vst v0  }
0x14: {  	[tilespmem:$0x2B70] =	vst v0  }
0x15: {  	[tilespmem:$0x2B80] =	vst v0  }
0x16: {  	[tilespmem:$0x2B90] =	vst v0  }
0x17: {  	[tilespmem:$0x2BA0] =	vst v0  }
0x18: {  	[tilespmem:$0x2BB0] =	vst v0  }
0x19: {  	[tilespmem:$0x2BC0] =	vst v0  }
0x1a: {  	[tilespmem:$0x2BD0] =	vst v0  }
0x1b: {  	[tilespmem:$0x2BE0] =	vst v0  }
0x1c: {  	[tilespmem:$0x2BF0] =	vst v0  }
0x1d: {  	[tilespmem:$0x2C00] =	vst v0  }
0x1e: {  	[tilespmem:$0x2C10] =	vst v0  }
0x1f: {  	[tilespmem:$0x2C20] =	vst v0  }
0x20: {  	[tilespmem:$0x2C30] =	vst v0  }
0x21: {  	[tilespmem:$0x2C40] =	vst v0  }
0x22: {  	[tilespmem:$0x2C50] =	vst v0  }
0x23: {  	[tilespmem:$0x2C60] =	vst v0  }
0x24: {  	[tilespmem:$0x2C70] =	vst v0  }
0x25: {  	[tilespmem:$0x2C80] =	vst v0  }
0x26: {  	[tilespmem:$0x2C90] =	vst v0  }
0x27: {  	[tilespmem:$0x2CA0] =	vst v0  }
0x28: {  	[tilespmem:$0x2CB0] =	vst v0  }
0x29: {  	[tilespmem:$0x2CC0] =	vst v0  }
0x2a: {  	[tilespmem:$0x2CD0] =	vst v0  }
0x2b: {  	[tilespmem:$0x2CE0] =	vst v0  }
0x2c: {  	[tilespmem:$0x2CF0] =	vst v0  }
0x2d: {  	[tilespmem:$0x2D00] =	vst v0  }
0x2e: {  	[tilespmem:$0x2D10] =	vst v0  }
0x2f: {  	[tilespmem:$0x2D20] =	vst v0  }
0x30: {  	[tilespmem:$0x2D30] =	vst v0  }
0x31: {  	[tilespmem:$0x2D40] =	vst v0  }
0x32: {  	[tilespmem:$0x2D50] =	vst v0  }
0x33: {  	[tilespmem:$0x2D60] =	vst v0  }
0x34: {  	[tilespmem:$0x2D70] =	vst v0  }
0x35: {  	[spmem:s4] =	stream.linear.scatter [tilespmem:s8], [sflag:$0x2], $0x280, $0x38;
	[tilespmem:$0x2D80] =	vst v63  }
0x36: {  	_ =	swait.ge [sflag:s9], $0x280  }
0x37: {  	[sflag:s9] =	ssyncset.done $0x0  }
0x38: {  	[sflag:s9] =	ssyncadd.s32 $0xFFFFFD80  }
0x39: {  	[tilespmem:s10], [sflag:$0x2] =	stream.linear.gather [hbm4b:s5+s3], $0x2800, $0x38;
	[tilespmem:$0x2D80] =	vst v63  }
0x3a: {  	_ =	swait.ge [sflag:s9], $0x2800  }
0x3b: {  	[sflag:s9] =	ssyncset.done $0x0  }
0x3c: {  	[sflag:s9] =	ssyncadd.s32 $0xFFFFD800  }
0x3d: {  	[tilespmem:$0x2A80] =	vst v1  }
0x3e: {  	[tilespmem:$0x2A90] =	vst v1  }
0x3f: {  	[tilespmem:$0x2AA0] =	vst v1  }
0x40: {  	[tilespmem:$0x2AB0] =	vst v1  }
0x41: {  	[tilespmem:$0x2AC0] =	vst v1  }
0x42: {  	[tilespmem:$0x2AD0] =	vst v1  }
0x43: {  	[tilespmem:$0x2AE0] =	vst v1  }
0x44: {  	[tilespmem:$0x2AF0] =	vst v1  }
0x45: {  	s17 =	simm.s32 $0x280;
	[bflag:$0x0] =	sbarrier.arrive $0xFFFF  }
0x46: {  	[spmem:s2] =	stream.indirect.scatter.add.f32 [tilespmem:s12], [sflag:$0x1], $0x1, s17, s11, $0xb8;
	[tilespmem:$0x2D80] =	vst v63  }
0x47: {  	s28 =	simm.s32 $0x300  }
0x48: {  	[spmem:s2] =	stream.indirect.scatter.add.f32 [tilespmem:s12], [sflag:$0x1], $0x1, s28, s11, $0xb8;
	[tilespmem:$0x2D80] =	vst v63  }
0x49: {  	s29 =	simm.s32 $0x380  }
0x4a: {  	[spmem:s2] =	stream.indirect.scatter.add.f32 [tilespmem:s12], [sflag:$0x1], $0x1, s29, s11, $0xb8;
	[tilespmem:$0x2D80] =	vst v63  }
0x4b: {  	s30 =	simm.s32 $0x400  }
0x4c: {  	[spmem:s2] =	stream.indirect.scatter.add.f32 [tilespmem:s12], [sflag:$0x1], $0x1, s30, s11, $0xb8;
	[tilespmem:$0x2D80] =	vst v63  }
0x4d: {  	s31 =	simm.s32 $0x480  }
0x4e: {  	[spmem:s2] =	stream.indirect.scatter.add.f32 [tilespmem:s12], [sflag:$0x1], $0x1, s31, s11, $0xb8;
	[tilespmem:$0x2D80] =	vst v63  }
0x4f: {  	_ =	swait.ge [sflag:s13], $0x80  }
0x50: {  	[sflag:s13] =	ssyncset.done $0x0  }
0x51: {  	[sflag:s13] =	ssyncadd.s32 $0xFFFFFF80  }
0x52: {  	_ =	swait.ge [sflag:s13], $0x80  }
0x53: {  	[sflag:s13] =	ssyncset.done $0x0  }
0x54: {  	[sflag:s13] =	ssyncadd.s32 $0xFFFFFF80  }
0x55: {  	_ =	swait.ge [sflag:s13], $0x80  }
0x56: {  	[sflag:s13] =	ssyncset.done $0x0  }
0x57: {  	[sflag:s13] =	ssyncadd.s32 $0xFFFFFF80  }
0x58: {  	_ =	swait.ge [sflag:s13], $0x80  }
0x59: {  	[sflag:s13] =	ssyncset.done $0x0  }
0x5a: {  	[sflag:s13] =	ssyncadd.s32 $0xFFFFFF80  }
0x5b: {  	_ =	swait.ge [sflag:s13], $0x80  }
0x5c: {  	s18 =	simm.s32 $0x1400;
	s17 =	simm.s32 $0x280;
	[sflag:s13] =	ssyncset.done $0x0  }
.LBB2_2:
0x5d: {  	s19 =	sadd.s32 $0x280, s17  }
0x5e: {  	[sflag:s13] =	ssyncadd.s32 $0xFFFFFF80;
	s20 =	smov.u32 s18;
	s21 =	sadd.s32 $0xA00, s18  }
0x5f: {  	[spmem:s2] =	stream.indirect.scatter.add.f32 [tilespmem:s12], [sflag:$0x1], $0x1, s19, s11, $0xb8;
	[tilespmem:$0x2D80] =	vst v63  }
0x60: {  	p0 =	sne.s32 s18, $0x9600;
	s18 =	sadd.s32 $0x300, s17  }
0x61: {  	[spmem:s2] =	stream.indirect.scatter.add.f32 [tilespmem:s12], [sflag:$0x1], $0x1, s18, s11, $0xb8;
	[tilespmem:$0x2D80] =	vst v63  }
0x62: {  	s18 =	sadd.s32 $0x380, s17  }
0x63: {  	[spmem:s2] =	stream.indirect.scatter.add.f32 [tilespmem:s12], [sflag:$0x1], $0x1, s18, s11, $0xb8;
	[tilespmem:$0x2D80] =	vst v63  }
0x64: {  	s18 =	sadd.s32 $0x400, s17  }
0x65: {  	[spmem:s2] =	stream.indirect.scatter.add.f32 [tilespmem:s12], [sflag:$0x1], $0x1, s18, s11, $0xb8;
	[tilespmem:$0x2D80] =	vst v63  }
0x66: {  	s17 =	sadd.s32 $0x480, s17  }
0x67: {  	[spmem:s2] =	stream.indirect.scatter.add.f32 [tilespmem:s12], [sflag:$0x1], $0x1, s17, s11, $0xb8;
	[tilespmem:$0x2D80] =	vst v63  }
0x68: {  	_ =	swait.ge [sflag:s13], $0x80  }
0x69: {  	[sflag:s13] =	ssyncset.done $0x0  }
0x6a: {  	[sflag:s13] =	ssyncadd.s32 $0xFFFFFF80  }
0x6b: {  	_ =	swait.ge [sflag:s13], $0x80  }
0x6c: {  	[sflag:s13] =	ssyncset.done $0x0  }
0x6d: {  	[sflag:s13] =	ssyncadd.s32 $0xFFFFFF80  }
0x6e: {  	_ =	swait.ge [sflag:s13], $0x80  }
0x6f: {  	[sflag:s13] =	ssyncset.done $0x0  }
0x70: {  	[sflag:s13] =	ssyncadd.s32 $0xFFFFFF80  }
.Ltmp0:
0x71: {  	_ =	swait.ge [sflag:s13], $0x80;
	(pc) =	sbr.rel @p0 .LBB2_2-.Ltmp0, $4  }
0x72: {  	[sflag:s13] =	ssyncset.done $0x0  }
0x73: {  	[sflag:s13] =	ssyncadd.s32 $0xFFFFFF80  }
0x74: {  	_ =	swait.ge [sflag:s13], $0x80  }
0x75: {  	s18 =	smov.u32 s21;
	s17 =	sshra.s32 s20, $0x2;
	[sflag:s13] =	ssyncset.done $0x0  }
0x76: {  	s18 =	sadd.s32 $0x280, s17;
	[sflag:s13] =	ssyncadd.s32 $0xFFFFFF80  }
0x77: {  	[spmem:s2] =	stream.indirect.scatter.add.f32 [tilespmem:s12], [sflag:$0x1], $0x1, s18, s11, $0xb8;
	[tilespmem:$0x2D80] =	vst v63  }
0x78: {  	s28 =	sadd.s32 $0x300, s17  }
0x79: {  	[spmem:s2] =	stream.indirect.scatter.add.f32 [tilespmem:s12], [sflag:$0x1], $0x1, s28, s11, $0xb8;
	[tilespmem:$0x2D80] =	vst v63  }
0x7a: {  	s29 =	sadd.s32 $0x380, s17  }
0x7b: {  	[spmem:s2] =	stream.indirect.scatter.add.f32 [tilespmem:s12], [sflag:$0x1], $0x1, s29, s11, $0xb8;
	[tilespmem:$0x2D80] =	vst v63  }
0x7c: {  	s30 =	sadd.s32 $0x400, s17  }
0x7d: {  	[spmem:s2] =	stream.indirect.scatter.add.f32 [tilespmem:s12], [sflag:$0x1], $0x1, s30, s11, $0xb8;
	[tilespmem:$0x2D80] =	vst v63  }
0x7e: {  	s31 =	sadd.s32 $0x480, s17  }
0x7f: {  	[spmem:s2] =	stream.indirect.scatter.add.f32 [tilespmem:s12], [sflag:$0x1], $0x1, s31, s11, $0xb8;
	[tilespmem:$0x2D80] =	vst v63  }
0x80: {  	_ =	swait.ge [sflag:s13], $0x80  }
0x81: {  	[sflag:s13] =	ssyncset.done $0x0  }
0x82: {  	[sflag:s13] =	ssyncadd.s32 $0xFFFFFF80  }
0x83: {  	_ =	swait.ge [sflag:s13], $0x80  }
0x84: {  	[sflag:s13] =	ssyncset.done $0x0  }
0x85: {  	[sflag:s13] =	ssyncadd.s32 $0xFFFFFF80  }
0x86: {  	_ =	swait.ge [sflag:s13], $0x80  }
0x87: {  	[sflag:s13] =	ssyncset.done $0x0  }
0x88: {  	[sflag:s13] =	ssyncadd.s32 $0xFFFFFF80  }
0x89: {  	_ =	swait.ge [sflag:s13], $0x80  }
0x8a: {  	[sflag:s13] =	ssyncset.done $0x0  }
0x8b: {  	[sflag:s13] =	ssyncadd.s32 $0xFFFFFF80  }
0x8c: {  	_ =	swait.ge [sflag:s13], $0x80  }
0x8d: {  	s16 =	sadd.s32 $0x1, s16;
	[sflag:s13] =	ssyncset.done $0x0  }
0x8e: {  	p0 =	sne.s32 s16, s7;
	[sflag:s13] =	ssyncadd.s32 $0xFFFFFF80  }
.Ltmp1:
0x8f: {  	[bflag:$0x0] =	sbarrier.arrive $0xFFFF;
	(pc) =	sbr.rel @p0 .LBB2_1-.Ltmp1, $4  }
0x90: {  	[hbm:s6], [sflag:s14] =	dma.local [spmem:s15], $0x50  }
0x91: {  	_ =	swait.ge [sflag:s9], $0x50  }
0x92: {  	[sflag:s9] =	ssyncset.done $0x0  }
0x93: {  	[sflag:s9] =	ssyncadd.s32 $0xFFFFFFB0  }
0x94: {  	_ =	sfence.sel $0x180000  }
0x95: {  	[bflag:$0x0] =	sbarrier.arrive $0xFFFF  }
0x96: {  	p0 =	sne.s32 s0, $0x0;
	_ =	strace $0x90000047  }
0x97: {  	s0 =	sadd.s32 @!p0 $0x100000, s1;
	[bflag:$0x2] =	sbarrier.arrive $0xFFFF  }
0x98: {  	[sflag:s0] =	ssyncadd.tile.s32 @!p0 $0x1;
	_ =	shalt  }
.Lfunc_end2:
_tile_overlayer_lowered:
.L_overlay_start_2:
0x99: {  	(tag) =	ssettag $0x2  }
0x9a: {  	s0 =	rddreg [dreg:$0x0];
	s2 =	stileid.u32  }
0x9b: {  	s1 =	rddreg [dreg:$0x1];
	p0 =	sne.s32 s2, $0x0  }
0x9c: {  	s3 =	rddreg [dreg:$0x2];
	[bflag:$0x3] =	sbarrier.arrive $0xFFFF;
	s2 =	simm.s32 @!p0 $0x1C02  }
0x9d: {  	[timem:s3], [sflag:s2] =	dma.local @!p0 [hbm:s0], s1  }
0x9e: {  	s0 =	simm.s32 @!p0 $0x2  }
0x9f: {  	_ =	swait.ge @!p0 [sflag:s0], s1  }
0xa0: {  	s1 =	ssub.s32 @!p0 $0x0, s1;
	[sflag:s0] =	ssyncset.done @!p0 $0x0  }
0xa1: {  	[sflag:s0] =	ssyncadd.s32 @!p0 s1  }
0xa2: {  	[bflag:$0x3] =	sbarrier.arrive $0xFFFF  }
0xa3: {  	_ =	shalt  }

// kernel: kernel.9.cloned.1.call-start
scs
__scs_entry_jumppad:
0x0: {  	(pc) =	sbr.rel $0x88, $3  }
0x1: {  	(tag) =	ssettag $0x0;
	lr =	simm.s32 $0x1  }
0x2: {  	[smem:$0x3F97] =	sst lr;
	_ =	strace $0xD0000000  }
0x3: {  	_ = 	snop  }
0x4: {  	_ = 	snop  }
0x5: {  	_ = 	snop  }
0x6: {  	_ = 	snop  }
0x7: {  	_ = 	snop  }
__scs_overlays_trampoline_lowered:
0x8: {  	[smem:$0x3FA6] =	sst s0  }
0x9: {  	[smem:$0x3FA7] =	sst s1  }
0xa: {  	[smem:$0x3FA8] =	sst s2  }
0xb: {  	[smem:$0x3FA9] =	sst s3  }
0xc: {  	[smem:$0x3FAA] =	sst s4  }
0xd: {  	[smem:$0x3FAB] =	sst s5  }
0xe: {  	[smem:$0x3FAC] =	sst s6  }
0xf: {  	[smem:$0x3FAD] =	sst s7  }
0x10: {  	[smem:$0x3FAE] =	sst s8  }
0x11: {  	[smem:$0x3FAF] =	sst s9;
	s0 =	simm.s32 @!p0 $0x0  }
0x12: {  	s1 =	sld [smem:$0x3F95];
	s0 =	simm.s32 @p0 $0x1  }
0x13: {  	[smem:$0x3FB0] =	sst s0;
	s0 =	simm.s32 @!p1 $0x0  }
0x14: {  	s2 =	sld [smem:$0x3F94];
	s0 =	simm.s32 @p1 $0x1  }
0x15: {  	[smem:$0x3FB1] =	sst s0;
	s0 =	simm.s32 @!p2 $0x0  }
0x16: {  	s3 =	sld [smem:$0x3FDB];
	s0 =	simm.s32 @p2 $0x1  }
0x17: {  	s4 =	simm.s32 $0x1BF5;
	[smem:$0x3FB3] =	sst s0  }
0x18: {  	s0 =	sld [smem:$0x3F96];
	_ =	swait.ge [sflag:s4], $0x0  }
0x19: {  	s7 =	sld [smem:$0x3F97]  }
0x1a: {  	s8 =	sadd.s32 $0xFFFFE003, lr  }
0x1b: {  	s9 =	sadd.s32 $0xFFFFFEF7, lr;
	s5 =	simm.s32 $0xFFFFFFFF;
	p2 =	slt.u32 s8, $0xFFFFF086  }
0x1c: {  	p1 =	slt.u32 s9, $0xF7A;
	s5 =	simm.s32 @!p2 $0x0  }
0x1d: {  	s5 =	simm.s32 @p1 $0x1;
	p0 =	seq.s32 s7, s2  }
0x1e: {  	s7 =	smul.u32 @!p0 $0xF7A, s2;
	p2 =	seq.s32 @!p0 s5, $0x0  }
0x1f: {  	s9 =	smul.u32 $0xF7A, s1;
	s8 =	simm.s32 @!p0 $0x1BF5;
	p2 =	por !p2, p0  }
0x20: {  	[sflag:s8] =	ssyncset.s32 @!p0 $0xFFFFF086;
	s6 =	sadd.s32 @!p0 s3, s7;
	s7 =	simm.s32 @!p0 $0x108  }
0x21: {  	s3 =	sadd.s32 s3, s9;
	s6 =	sadd.s32 @!p0 $0x88, s6;
	s7 =	simm.s32 @p2 $0x1082  }
0x22: {  	[simem:s7], [sflag:s8] =	dma.local @!p0 [hbm:s6], $0xF7A  }
0x23: {  	s9 =	sor.u32 $0xD0000000, s2;
	s6 =	simm.s32 $0x108;
	_ =	swait.ge @!p0 [sflag:s8], $0x0  }
0x24: {  	s3 =	sadd.s32 $0x88, s3;
	s6 =	simm.s32 @!p1 $0x1082;
	[sflag:s4] =	ssyncset.s32 $0xFFFFF086  }
0x25: {  	[simem:s6], [sflag:s4] =	dma.local [hbm:s3], $0xF7A  }
0x26: {  	[smem:$0x3F97] =	sst s1;
	(tag) =	ssettag s2;
	_ =	strace s9  }
0x27: {  	s1 =	sld [smem:$0x3FA7]  }
0x28: {  	s2 =	sld [smem:$0x3FA8]  }
0x29: {  	s4 =	sld [smem:$0x3FAA]  }
0x2a: {  	p0 =	seq.s32 s5, $0x0;
	s5 =	sld [smem:$0x3FAB]  }
0x2b: {  	s6 =	sld [smem:$0x3FAC]  }
0x2c: {  	s7 =	sld [smem:$0x3FAD]  }
0x2d: {  	s3 =	simm.s32 $0x108;
	s8 =	sld [smem:$0x3FAE]  }
0x2e: {  	s3 =	simm.s32 @!p0 $0x1082;
	s9 =	sld [smem:$0x3FAF]  }
0x2f: {  	lr =	sadd.s32 s0, s3;
	s0 =	sld [smem:$0x3FA6]  }
0x30: {  	s3 =	sld [smem:$0x3FA9]  }
0x31: {  	[smem:$0x3FB2] =	sst s10  }
0x32: {  	s10 =	sld [smem:$0x3FB0];
	_ =	sdelay $0x3  }
0x33: {  	p0 =	seq.s32 s10, $0x1;
	s10 =	sld [smem:$0x3FB2];
	_ =	sdelay $0x3  }
0x34: {  	[smem:$0x3FB2] =	sst s10  }
0x35: {  	s10 =	sld [smem:$0x3FB1];
	_ =	sdelay $0x3  }
0x36: {  	p1 =	seq.s32 s10, $0x1;
	s10 =	sld [smem:$0x3FB2];
	_ =	sdelay $0x3  }
0x37: {  	[smem:$0x3FB2] =	sst s10  }
0x38: {  	s10 =	sld [smem:$0x3FB3]  }
0x39: {  	_ = 	snop;
	(pc) =	sbr.ind lr, $3  }
0x3a: {  	_ = 	snop  }
0x3b: {  	_ = 	snop  }
0x3c: {  	p2 =	seq.s32 s10, $0x1;
	s10 =	sld [smem:$0x3FB2]  }
0x3d: {  	_ =	shalt  }
0x3e: {  	_ =	shalt  }
0x3f: {  	_ =	shalt  }
0x40: {  	_ =	shalt  }
0x41: {  	_ =	shalt  }
0x42: {  	_ =	shalt  }
0x43: {  	_ =	shalt  }
0x44: {  	_ =	shalt  }
0x45: {  	_ =	shalt  }
0x46: {  	_ =	shalt  }
0x47: {  	_ =	shalt  }
0x48: {  	_ =	shalt  }
0x49: {  	_ =	shalt  }
0x4a: {  	_ =	shalt  }
0x4b: {  	_ =	shalt  }
0x4c: {  	_ =	shalt  }
0x4d: {  	_ =	shalt  }
0x4e: {  	_ =	shalt  }
0x4f: {  	_ =	shalt  }
0x50: {  	_ =	shalt  }
0x51: {  	_ =	shalt  }
0x52: {  	_ =	shalt  }
0x53: {  	_ =	shalt  }
0x54: {  	_ =	shalt  }
0x55: {  	_ =	shalt  }
0x56: {  	_ =	shalt  }
0x57: {  	_ =	shalt  }
0x58: {  	_ =	shalt  }
0x59: {  	_ =	shalt  }
0x5a: {  	_ =	shalt  }
0x5b: {  	_ =	shalt  }
0x5c: {  	_ =	shalt  }
0x5d: {  	_ =	shalt  }
0x5e: {  	_ =	shalt  }
0x5f: {  	_ =	shalt  }
0x60: {  	_ =	shalt  }
0x61: {  	_ =	shalt  }
0x62: {  	_ =	shalt  }
0x63: {  	_ =	shalt  }
0x64: {  	_ =	shalt  }
0x65: {  	_ =	shalt  }
0x66: {  	_ =	shalt  }
0x67: {  	_ =	shalt  }
0x68: {  	_ =	shalt  }
0x69: {  	_ =	shalt  }
0x6a: {  	_ =	shalt  }
0x6b: {  	_ =	shalt  }
0x6c: {  	_ =	shalt  }
0x6d: {  	_ =	shalt  }
0x6e: {  	_ =	shalt  }
0x6f: {  	_ =	shalt  }
0x70: {  	_ =	shalt  }
0x71: {  	_ =	shalt  }
0x72: {  	_ =	shalt  }
0x73: {  	_ =	shalt  }
0x74: {  	_ =	shalt  }
0x75: {  	_ =	shalt  }
0x76: {  	_ =	shalt  }
0x77: {  	_ =	shalt  }
0x78: {  	_ =	shalt  }
0x79: {  	_ =	shalt  }
0x7a: {  	_ =	shalt  }
0x7b: {  	_ =	shalt  }
0x7c: {  	_ =	shalt  }
0x7d: {  	_ =	shalt  }
0x7e: {  	_ =	shalt  }
0x7f: {  	_ =	shalt  }
0x80: {  	_ =	shalt  }
0x81: {  	_ =	shalt  }
0x82: {  	_ =	shalt  }
0x83: {  	_ =	shalt  }
0x84: {  	_ =	shalt  }
0x85: {  	_ =	shalt  }
0x86: {  	_ =	shalt  }
0x87: {  	_ =	shalt  }
.Lfunc_end0:
.L_simem_size_0:
called_computation.1_lowered:
.L_overlay_start_0:
0x88: {  	s2 =	sld [smem:$0x3FD9]  }
0x89: {  	s3 =	sld [smem:$0x3FFE];
	_ =	sdelay $0x1  }
0x8a: {  	s1 =	srdreg.scid  }
0x8b: {  	s0 =	sand.u32 $0x1, s1  }
0x8c: {  	s16 =	sshll.u32 s0, $0xA;
	s2 =	sadd.s32 s3, s2  }
0x8d: {  	s2 =	sadd.s32 s2, s16  }
0x8e: {  	[smem:$0x3FBE] =	sst s2  }
0x8f: {  	_ = 	snop  }
0x90: {  	(tm) =	ssettm $0x1  }
0x91: {  	s17 =	sld [smem:$0x3FFB];
	_ =	sdelay $0x3  }
0x92: {  	_ =	strace s17  }
0x93: {  	s2 =	sld [smem:$0x3FFC];
	_ =	sdelay $0x3  }
0x94: {  	_ =	strace s2  }
0x95: {  	s2 =	sld [smem:$0x3FFD];
	_ =	sdelay $0x3  }
0x96: {  	_ =	strace s2  }
0x97: {  	_ =	strace $0x8FFFFFFF  }
0x98: {  	s18 =	sld [smem:$0x3FDB];
	_ =	sdelay $0x1  }
0x99: {  	s19 =	simm.s32 $_scs_section_size  }
0x9a: {  	s4 =	simm.s32 $_size__tile_overlayer_lowered;
	s5 =	simm.s32 $_tile_overlayer_lowered  }
0x9b: {  	s22 =	simm.s32 $0x1BFF;
	s21 =	sshll.u32 s5, $0x1;
	s2 =	sadd.s32 s19, s18  }
0x9c: {  	s6 =	simm.s32 $0x0;
	s20 =	sshll.u32 s4, $0x1;
	s4 =	sadd.s32 s21, s2  }
0x9d: {  	[timem:s6], [sflag:s22] =	dma.local [hbm:s4], s20  }
0x9e: {  	_ =	swait.ge [sflag:s22], s20  }
0x9f: {  	s3 =	ssub.s32 $0x0, s20;
	[sflag:s22] =	ssyncset.done $0x0  }
0xa0: {  	[sflag:s22] =	ssyncadd.s32 s3;
	_ =	sdelay $0x1  }
0xa1: {  	s23 =	simm.s32 $0x1B8B  }
0xa2: {  	_ =	swait.ge [sflag:s23], $0x1  }
0xa3: {  	[sflag:s23] =	ssyncset.done $0x0  }
0xa4: {  	s25 =	simm.s32 $0x1B8E;
	s24 =	sld [smem:$0x3FFE];
	[sflag:s23] =	ssyncadd.s32 $0xFFFFFFFF  }
0xa5: {  	s26 =	simm.s32 $execute0_lowered;
	[smem:$0x3FD2] =	sst s25  }
0xa6: {  	s4 =	sshll.u32 s26, $0x1;
	_ =	strace $0x80000049;
	[dreg:$0x1] =	wrdreg $0xFFFFFFFF  }
0xa7: {  	s28 =	simm.s32 $_size_execute0_lowered;
	s2 =	sadd.s32 s2, s4;
	[dreg:$0x0] =	wrdreg $0x0  }
0xa8: {  	s4 =	sshll.u32 s28, $0x1;
	[dreg:$0x2] =	wrdreg s2  }
0xa9: {  	[dreg:$0x3] =	wrdreg s4  }
0xaa: {  	[dreg:$0x4] =	wrdreg $0xC0  }
0xab: {  	_ =	task [dreg:s6], $0x5FFFF  }
0xac: {  	[dreg:$0x1] =	wrdreg $0xFFFFFFFF  }
0xad: {  	[dreg:$0x0] =	wrdreg $0x60  }
0xae: {  	[dreg:$0x2] =	wrdreg s24  }
0xaf: {  	[dreg:$0x3] =	wrdreg $0x0  }
0xb0: {  	[dreg:$0x4] =	wrdreg $0xA0000  }
0xb1: {  	[dreg:$0x5] =	wrdreg $0xA2800  }
0xb2: {  	[dreg:$0x6] =	wrdreg $0x9  }
0xb3: {  	_ =	task.clear_ibuf [dreg:s6], $0x7FFFF;
	_ =	strace $0x90000049  }
0xb4: {  	s29 =	simm.s32 $0x9;
	_ =	strace $0x8000004B  }
0xb5: {  	_ =	swait.ge [sflag:s29], $0x1  }
0xb6: {  	[sflag:s29] =	ssyncadd.s32 $0xFFFFFFFF  }
0xb7: {  	_ =	strace $0x9000004B  }
0xb8: {  	_ =	sfence  }
0xb9: {  	s30 =	sld [smem:$0x0];
	_ =	sdelay $0x2  }
0xba: {  	s31 =	sshll.u32 s1, $0xD;
	s1 =	sshrl.u32 s1, $0x2  }
0xbb: {  	s3 =	sand.u32 $0x4000, s31;
	s1 =	sadd.s32 s1, s30  }
0xbc: {  	s0 =	sor.u32 s3, s0;
	s1 =	sshll.u32 s1, $0x11  }
0xbd: {  	s0 =	sor.u32 s1, s0  }
0xbe: {  	s0 =	sadd.s32 $0x8F2B, s0  }
0xbf: {  	[sflag:s0] =	ssyncadd.remote.s32 $0x1  }
0xc0: {  	_ =	sfence.sel $0xFFFF  }
0xc1: {  	[dreg:$0x0] =	wrdreg $0xFFFFFFFF;
	(pc) =	sbr.abs _section_cstart, $3  }
0xc2: {  	[dreg:$0x1] =	wrdreg $0xFFFFFFFF  }
0xc3: {  	_ =	task.clear_ibuf [dreg:s6], $0x2FFFF;
	_ =	strace $0x9FFFFFFF  }
0xc4: {  	(tm) =	ssettm $0x7FFFFFFF  }
0xc5: {  	_ =	shalt  }
tec
execute0_lowered:
.L_overlay_start_1:
0x0: {  	(tag) =	ssettag $0x1  }
0x1: {  	s0 =	rddreg [dreg:$0x0]  }
0x2: {  	s1 =	rddreg [dreg:$0x1]  }
0x3: {  	s2 =	srdreg.scid;
	s3 =	rddreg [dreg:$0x2]  }
0x4: {  	s6 =	stileid.u32;
	s8 =	rddreg [dreg:$0x3];
	s5 =	simm.s32 $0x0  }
0x5: {  	s30 =	simm.s32 $0x19F00;
	s29 =	simm.s32 $0x13D00;
	s31 =	simm.s32 $0x1  }
0x6: {  	s13 =	simm.s32 $0x15D00;
	s14 =	simm.s32 $0x2;
	s28 =	simm.s32 $0x19D80  }
0x7: {  	s2 =	sand.u32 $0x1, s2;
	[smem:$0x7FF] =	sst s5;
	s12 =	smul.u32 $0x280, s6  }
0x8: {  	s7 =	sadd.s32 $0x17600, s0;
	s15 =	sadd.s32 $0x2B600, s0;
	s9 =	sadd.s32 $0x3F600, s0  }
0x9: {  	s10 =	sadd.s32 $0x67600, s0;
	_ =	strace $0x8000004A;
	[dreg:$0x5] =	wrdreg s15  }
0xa: {  	s4 =	sshll.u32 s2, $0x4;
	[dreg:$0x6] =	wrdreg s9;
	s11 =	ssub.s32 $0x2, s2  }
0xb: {  	p0 =	seq.s32 s2, $0x0;
	s4 =	sor.u32 s6, s4;
	s16 =	sshrl.u32 s12, $0x3  }
0xc: {  	s6 =	smul.u32 $0x28000, s6;
	s17 =	sshrl.u32 s11, $0x1;
	s20 =	sadd.s32 s12, s3  }
0xd: {  	s9 =	smov.u32 s12;
	s22 =	sadd.s32 s12, s8;
	s8 =	simm.s32 $0xCD00  }
0xe: {  	s4 =	smul.u32 $0x500, s4;
	s5 =	sadd.s32 s16, s0;
	[dreg:$0xd] =	wrdreg s22  }
0xf: {  	s16 =	simm.s32 $0x17D00;
	[dreg:$0x8] =	wrdreg s20;
	s19 =	sadd.s32 $0x16C00, s5  }
0x10: {  	s6 =	sshrl.u32 s6, $0x2;
	s21 =	sadd.s32 $0x17100, s5;
	[dreg:$0xb] =	wrdreg s19  }
0x11: {  	s4 =	sadd.s32 s4, s0;
	s6 =	sadd.s32 s6, s1;
	[dreg:$0xc] =	wrdreg s21  }
0x12: {  	s22 =	simm.s32 $0x1A680;
	s18 =	sadd.s32 $0xCC00, s4;
	[dreg:$0x7] =	wrdreg s6  }
0x13: {  	s0 =	ssub.s32 s11, s17;
	s4 =	sadd.s32 $0x2C00, s4;
	[dreg:$0x9] =	wrdreg s18  }
0x14: {  	s5 =	simm.s32 $0x0;
	s0 =	smax.u32 s0, $0x1;
	[dreg:$0xa] =	wrdreg s4  }
0x15: {  	s21 =	simm.s32 $0x19D00;
	s23 =	sadd.s32 $0x2000, s6;
	[dreg:$0xe] =	wrdreg s0  }
0x16: {  	s17 =	simm.s32 $0x3;
	s24 =	sadd.s32 $0x4000, s6;
	[dreg:$0xf] =	wrdreg s23  }
0x17: {  	s19 =	simm.s32 $0x4;
	s25 =	sadd.s32 $0x6000, s6;
	[dreg:$0x10] =	wrdreg s24  }
0x18: {  	s26 =	sadd.s32 $0x8000, s6;
	s4 =	simm.f32 $1.000000000e+00;
	[dreg:$0x11] =	wrdreg s25  }
0x19: {  	s18 =	smul.u32 $0xA0000, s2;
	[dreg:$0x12] =	wrdreg s26;
	s24 =	simm.s32 $0x11D00  }
0x1a: {  	s25 =	simm.s32 $0xD;
	s26 =	simm.s32 $0x1A400;
	s4 =	simm.s32 @!p0 $0x0  }
0x1b: {  	v1 =	vimm.f32 $0.0e+00;
	s2 =	simm.s32 $0xA500;
	s0 =	simm.s32 $0x80;
	s23 =	simm.s32 $0x6;
	v0 =	vmov s4  }
.LBB2_1:
0x1c: {  	[dreg:$0x13] =	wrdreg s5;
	s5 =	simm.s32 $0x100;
	s4 =	simm.s32 $0x0  }
.LBB2_2:
0x1d: {  	p0 =	sne.s32 s5, $0x7F00;
	[tilespmem:s4+$0x11D30] =	vst v1;
	s6 =	smov.u32 s5;
	s5 =	sadd.s32 $0x100, s5  }
.Ltmp0:
0x1e: {  	[tilespmem:s4+$0x11D20] =	vst v1;
	(pc) =	sbr.rel @p0 .LBB2_2-.Ltmp0, $3  }
0x1f: {  	[tilespmem:s4+$0x11D00] =	vst v1  }
0x20: {  	[tilespmem:s4+$0x11D10] =	vst v1;
	_ =	sdelay $0x1  }
0x21: {  	s4 =	sshra.s32 s6, $0x2  }
0x22: {  	[tilespmem:s4+$0x11D30] =	vst v1  }
0x23: {  	[tilespmem:s4+$0x11D20] =	vst v1  }
0x24: {  	[tilespmem:s4+$0x11D00] =	vst v1  }
0x25: {  	[tilespmem:s4+$0x11D10] =	vst v1;
	s15 =	rddreg [dreg:$0x7]  }
0x26: {  	[spmem:s15] =	stream.linear.scatter [tilespmem:s24], [sflag:$0xD], $0x2000, $0x38;
	[tilespmem:$0x1C680] =	vst v63  }
0x27: {  	_ =	swait.ge [sflag:s25], $0x2000  }
0x28: {  	[sflag:s25] =	ssyncset.done $0x0  }
0x29: {  	s5 =	rddreg [dreg:$0xf];
	[sflag:s25] =	ssyncadd.s32 $0xFFFFE000  }
0x2a: {  	[spmem:s5] =	stream.linear.scatter [tilespmem:s24], [sflag:$0xD], $0x2000, $0x38;
	[tilespmem:$0x1C680] =	vst v63  }
0x2b: {  	_ =	swait.ge [sflag:s25], $0x2000  }
0x2c: {  	[sflag:s25] =	ssyncset.done $0x0  }
0x2d: {  	s6 =	rddreg [dreg:$0x10];
	[sflag:s25] =	ssyncadd.s32 $0xFFFFE000  }
0x2e: {  	[spmem:s6] =	stream.linear.scatter [tilespmem:s24], [sflag:$0xD], $0x2000, $0x38;
	[tilespmem:$0x1C680] =	vst v63  }
0x2f: {  	_ =	swait.ge [sflag:s25], $0x2000  }
0x30: {  	[sflag:s25] =	ssyncset.done $0x0  }
0x31: {  	s11 =	rddreg [dreg:$0x11];
	[sflag:s25] =	ssyncadd.s32 $0xFFFFE000  }
0x32: {  	[spmem:s11] =	stream.linear.scatter [tilespmem:s24], [sflag:$0xD], $0x2000, $0x38;
	[tilespmem:$0x1C680] =	vst v63  }
0x33: {  	_ =	swait.ge [sflag:s25], $0x2000  }
0x34: {  	[sflag:s25] =	ssyncset.done $0x0  }
0x35: {  	s12 =	rddreg [dreg:$0x12];
	[sflag:s25] =	ssyncadd.s32 $0xFFFFE000  }
0x36: {  	[spmem:s12] =	stream.linear.scatter [tilespmem:s24], [sflag:$0xD], $0x2000, $0x38;
	[tilespmem:$0x1C680] =	vst v63  }
0x37: {  	_ =	swait.ge [sflag:s25], $0x2000  }
0x38: {  	[sflag:s25] =	ssyncset.done $0x0  }
0x39: {  	[sflag:s25] =	ssyncadd.s32 $0xFFFFE000  }
0x3a: {  	[tilespmem:$0x1A400] =	vst v1  }
0x3b: {  	[tilespmem:$0x1A410] =	vst v1  }
0x3c: {  	[tilespmem:$0x1A420] =	vst v1  }
0x3d: {  	[tilespmem:$0x1A430] =	vst v1  }
0x3e: {  	[tilespmem:$0x1A440] =	vst v1  }
0x3f: {  	[tilespmem:$0x1A450] =	vst v1  }
0x40: {  	[tilespmem:$0x1A460] =	vst v1  }
0x41: {  	[tilespmem:$0x1A470] =	vst v1  }
0x42: {  	[tilespmem:$0x1A480] =	vst v1  }
0x43: {  	[tilespmem:$0x1A490] =	vst v1  }
0x44: {  	[tilespmem:$0x1A4A0] =	vst v1  }
0x45: {  	[tilespmem:$0x1A4B0] =	vst v1  }
0x46: {  	[tilespmem:$0x1A4C0] =	vst v1  }
0x47: {  	[tilespmem:$0x1A4D0] =	vst v1  }
0x48: {  	[tilespmem:$0x1A4E0] =	vst v1  }
0x49: {  	[tilespmem:$0x1A4F0] =	vst v1  }
0x4a: {  	[tilespmem:$0x1A500] =	vst v1  }
0x4b: {  	[tilespmem:$0x1A510] =	vst v1  }
0x4c: {  	[tilespmem:$0x1A520] =	vst v1  }
0x4d: {  	[tilespmem:$0x1A530] =	vst v1  }
0x4e: {  	[tilespmem:$0x1A540] =	vst v1  }
0x4f: {  	[tilespmem:$0x1A550] =	vst v1  }
0x50: {  	[tilespmem:$0x1A560] =	vst v1  }
0x51: {  	[tilespmem:$0x1A570] =	vst v1  }
0x52: {  	[tilespmem:$0x1A580] =	vst v1  }
0x53: {  	[tilespmem:$0x1A590] =	vst v1  }
0x54: {  	[tilespmem:$0x1A5A0] =	vst v1  }
0x55: {  	[tilespmem:$0x1A5B0] =	vst v1  }
0x56: {  	[tilespmem:$0x1A5C0] =	vst v1  }
0x57: {  	[tilespmem:$0x1A5D0] =	vst v1  }
0x58: {  	[tilespmem:$0x1A5E0] =	vst v1  }
0x59: {  	[tilespmem:$0x1A5F0] =	vst v1  }
0x5a: {  	[tilespmem:$0x1A600] =	vst v1  }
0x5b: {  	[tilespmem:$0x1A610] =	vst v1  }
0x5c: {  	[tilespmem:$0x1A620] =	vst v1  }
0x5d: {  	[tilespmem:$0x1A630] =	vst v1  }
0x5e: {  	[tilespmem:$0x1A640] =	vst v1  }
0x5f: {  	[tilespmem:$0x1A650] =	vst v1  }
0x60: {  	[tilespmem:$0x1A660] =	vst v1  }
0x61: {  	[tilespmem:$0x1A670] =	vst v1  }
0x62: {  	[spmem:s20] =	stream.linear.scatter [tilespmem:s26], [sflag:$0xD], $0x280, $0x38;
	[tilespmem:$0x1C680] =	vst v63  }
0x63: {  	_ =	swait.ge [sflag:s25], $0x280  }
0x64: {  	[sflag:s25] =	ssyncset.done $0x0  }
0x65: {  	s4 =	simm.s32 $0x0;
	s5 =	rddreg [dreg:$0x9];
	[sflag:s25] =	ssyncadd.s32 $0xFFFFFD80  }
0x66: {  	[tilespmem:s8], [sflag:$0xD] =	stream.linear.gather [hbm4b:s5+s4], $0x2800, $0x38;
	[tilespmem:$0x1C680] =	vst v63  }
0x67: {  	_ =	swait.ge [sflag:s25], $0x2800  }
0x68: {  	[sflag:s25] =	ssyncset.done $0x0  }
0x69: {  	s6 =	simm.s32 $0xF500;
	s15 =	rddreg [dreg:$0xa];
	[sflag:s25] =	ssyncadd.s32 $0xFFFFD800  }
0x6a: {  	[tilespmem:s6], [sflag:$0xD] =	stream.linear.gather [hbm4b:s15+s4], $0x2800, $0x38;
	[tilespmem:$0x1C680] =	vst v63  }
0x6b: {  	_ =	swait.ge [sflag:s25], $0x2800  }
0x6c: {  	[sflag:s25] =	ssyncset.done $0x0  }
0x6d: {  	s11 =	rddreg [dreg:$0xb];
	[sflag:s25] =	ssyncadd.s32 $0xFFFFD800  }
0x6e: {  	[tilespmem:s30], [sflag:$0xD] =	stream.linear.gather [hbm4b:s11+s4], $0x280, $0x38;
	[tilespmem:$0x1C680] =	vst v63  }
0x6f: {  	_ =	swait.ge [sflag:s25], $0x280  }
0x70: {  	[sflag:s25] =	ssyncset.done $0x0  }
0x71: {  	s15 =	simm.s32 $0x1A180;
	s12 =	rddreg [dreg:$0xc];
	[sflag:s25] =	ssyncadd.s32 $0xFFFFFD80  }
0x72: {  	[tilespmem:s15], [sflag:$0xD] =	stream.linear.gather [hbm4b:s12+s4], $0x280, $0x38;
	[tilespmem:$0x1C680] =	vst v63  }
0x73: {  	_ =	swait.ge [sflag:s25], $0x280  }
0x74: {  	[sflag:s25] =	ssyncset.done $0x0  }
0x75: {  	s4 =	simm.s32 $0x0;
	[sflag:s25] =	ssyncadd.s32 $0xFFFFFD80  }
0x76: {  	v2 =	vld [tilespmem:s4+$0x19F00]  }
0x77: {  	v3 =	vld [tilespmem:s4+$0x1A180]  }
0x78: {  	s5 =	simm.s32 $0x10  }
0x79: {  	v4 =	vld [tilespmem:s5+$0x19F00]  }
0x7a: {  	v5 =	vld [tilespmem:s5+$0x1A180];
	_ =	sdelay $0x1  }
0x7b: {  	v2 =	vadd.f32 v3, v2;
	_ =	sdelay $0x1  }
0x7c: {  	v2 =	vmax.f32 v2, $1.000000000e+00  }
0x7d: {  	v3 =	vadd.f32 v5, v4;
	(erf) = vrcp.f32 v2;
	_ =	sdelay $0x1  }
0x7e: {  	s11 =	simm.s32 $0x20;
	v4 =	vmax.f32 v3, $1.000000000e+00  }
0x7f: {  	v3 =	vld [tilespmem:s11+$0x1A180];
	(erf) = vrcp.f32 v4  }
0x80: {  	v2 =	vld [tilespmem:s11+$0x19F00];
	_ =	sdelay $0x1  }
0x81: {  	s12 =	simm.s32 $0xC0  }
.LBB2_4:
0x82: {  	p0 =	sne.s32 s12, $0x9C0  }
.Ltmp1:
0x83: {  	s6 =	sshra.s32 s12, $0x2;
	(pc) =	sbr.rel @p0 .LBB2_4-.Ltmp1, $4  }
0x84: {  	s12 =	sadd.s32 $0x40, s12;
	v5 =	vpop (erf);
	v4 =	vadd.f32 v3, v2;
	v2 =	vld [tilespmem:s6+$0x19F00]  }
0x85: {  	v3 =	vld [tilespmem:s6+$0x1A180];
	[tilespmem:s4+$0x1A400] =	vst v5;
	s4 =	smov.u32 s5;
	s5 =	smov.u32 s11;
	s11 =	smov.u32 s6  }
0x86: {  	v4 =	vmax.f32 v4, $1.000000000e+00  }
0x87: {  	(erf) = vrcp.f32 v4  }
0x88: {  	_ =	sdelay $0x1  }
0x89: {  	v2 =	vadd.f32 v3, v2;
	_ =	sdelay $0x1  }
0x8a: {  	v2 =	vmax.f32 v2, $1.000000000e+00  }
0x8b: {  	(erf) = vrcp.f32 v2;
	_ =	sdelay $0x6  }
0x8c: {  	v2 =	vpop (erf)  }
0x8d: {  	[tilespmem:s4+$0x1A400] =	vst v2;
	v2 =	vpop (erf)  }
0x8e: {  	[tilespmem:s5+$0x1A400] =	vst v2;
	v2 =	vpop (erf)  }
0x8f: {  	[tilespmem:s11+$0x1A400] =	vst v2;
	s11 =	rddreg [dreg:$0xd]  }
0x90: {  	[spmem:s11] =	stream.linear.scatter [tilespmem:s26], [sflag:$0xD], $0x280, $0x38;
	[tilespmem:$0x1C680] =	vst v63  }
0x91: {  	_ =	swait.ge [sflag:s25], $0x280  }
0x92: {  	[sflag:s25] =	ssyncset.done $0x0  }
0x93: {  	[sflag:s25] =	ssyncadd.s32 $0xFFFFFD80  }
0x94: {  	[bflag:$0x0] =	sbarrier.arrive $0xFFFF  }
0x95: {  	s12 =	rddreg [dreg:$0x3]  }
0x96: {  	[tilespmem:s2], [sflag:$0xD] =	stream.linear.gather [spmem:s12], $0x2800, $0x38;
	[tilespmem:$0x1C680] =	vst v63  }
0x97: {  	_ =	swait.ge [sflag:s25], $0x2800  }
0x98: {  	[sflag:s25] =	ssyncset.done $0x0  }
0x99: {  	[sflag:s25] =	ssyncadd.s32 $0xFFFFD800  }
0x9a: {  	[tilespmem:s24], [sflag:$0x1] =	stream.indirect.gather [hbm4b:s7+s0], $0x40, s8, s0, $0xb8;
	[tilespmem:$0x1C680] =	vst v63  }
0x9b: {  	s15 =	simm.s32 $0xCD80;
	s11 =	simm.s32 $0x0;
	s8 =	simm.s32 $0x19E00  }
0x9c: {  	[tilespmem:s29], [sflag:$0x2] =	stream.indirect.gather [hbm4b:s7+s0], $0x40, s15, s0, $0xb8;
	[tilespmem:$0x1C680] =	vst v63  }
.LBB2_6:
0x9d: {  	_ =	swait.ge [sflag:s31], $0x2000  }
0x9e: {  	s12 =	sshra.s32 s11, $0x2;
	[sflag:s31] =	ssyncset.done $0x0  }
0x9f: {  	p0 =	seq.s32 s11, $0x0;
	s4 =	sadd.s32 $0xF500, s12;
	[sflag:s31] =	ssyncadd.s32 $0xFFFFE000  }
0xa0: {  	[spmem:s1] =	stream.indirect.scatter.add.f32 [tilespmem:s24], [sflag:$0x5], $0x40, s4, s0, $0xb8;
	[tilespmem:$0x1C680] =	vst v63  }
0xa1: {  	s4 =	simm.s32 @!p0 $0x9  }
0xa2: {  	_ =	swait.ge @!p0 [sflag:s4], $0x80  }
0xa3: {  	[sflag:s4] =	ssyncset.done @!p0 $0x0  }
0xa4: {  	[sflag:s4] =	ssyncadd.s32 @!p0 $0xFFFFFF80  }
0xa5: {  	v2 =	vld [tilespmem:s12+$0xF500];
	_ =	sdelay $0x7  }
0xa6: {  	v2 =	vld.idx.msk [tilespmem:v2+s2+$0x0], $0xffff;
	_ =	sdelay $0x4  }
0xa7: {  	[tilespmem:$0x19D00] =	vst v2  }
0xa8: {  	v2 =	vld [tilespmem:s12+$0xF510];
	_ =	sdelay $0x7  }
0xa9: {  	v2 =	vld.idx.msk [tilespmem:v2+s2+$0x0], $0xffff;
	_ =	sdelay $0x4  }
0xaa: {  	[tilespmem:$0x19D10] =	vst v2  }
0xab: {  	v2 =	vld [tilespmem:s12+$0xF520];
	_ =	sdelay $0x7  }
0xac: {  	v2 =	vld.idx.msk [tilespmem:v2+s2+$0x0], $0xffff;
	_ =	sdelay $0x4  }
0xad: {  	[tilespmem:$0x19D20] =	vst v2  }
0xae: {  	v2 =	vld [tilespmem:s12+$0xF530];
	_ =	sdelay $0x7  }
0xaf: {  	v2 =	vld.idx.msk [tilespmem:v2+s2+$0x0], $0xffff;
	_ =	sdelay $0x4  }
0xb0: {  	[tilespmem:$0x19D30] =	vst v2  }
0xb1: {  	v2 =	vld [tilespmem:s12+$0xF540];
	_ =	sdelay $0x7  }
0xb2: {  	v2 =	vld.idx.msk [tilespmem:v2+s2+$0x0], $0xffff;
	_ =	sdelay $0x4  }
0xb3: {  	[tilespmem:$0x19D40] =	vst v2  }
0xb4: {  	v2 =	vld [tilespmem:s12+$0xF550];
	_ =	sdelay $0x7  }
0xb5: {  	v2 =	vld.idx.msk [tilespmem:v2+s2+$0x0], $0xffff;
	_ =	sdelay $0x4  }
0xb6: {  	[tilespmem:$0x19D50] =	vst v2  }
0xb7: {  	v2 =	vld [tilespmem:s12+$0xF560];
	_ =	sdelay $0x7  }
0xb8: {  	v2 =	vld.idx.msk [tilespmem:v2+s2+$0x0], $0xffff;
	_ =	sdelay $0x4  }
0xb9: {  	[tilespmem:$0x19D60] =	vst v2  }
0xba: {  	v2 =	vld [tilespmem:s12+$0xF570];
	_ =	sdelay $0x7  }
0xbb: {  	v2 =	vld.idx.msk [tilespmem:v2+s2+$0x0], $0xffff;
	_ =	sdelay $0x4  }
0xbc: {  	s5 =	sadd.s32 $0xCD00, s12;
	s4 =	simm.s32 @!p0 $0x7;
	[tilespmem:$0x19D70] =	vst v2  }
0xbd: {  	[spmem:s3] =	stream.indirect.scatter.add.f32 [tilespmem:s21], [sflag:$0x9], $0x1, s5, s0, $0xb8;
	[tilespmem:$0x1C680] =	vst v63  }
0xbe: {  	_ =	swait.ge @!p0 [sflag:s4], $0x2000  }
0xbf: {  	[sflag:s4] =	ssyncset.done @!p0 $0x0  }
0xc0: {  	s5 =	sadd.s32 $0xCE00, s12;
	[sflag:s4] =	ssyncadd.s32 @!p0 $0xFFFFE000  }
0xc1: {  	[tilespmem:s13], [sflag:$0x3] =	stream.indirect.gather [hbm4b:s7+s0], $0x40, s5, s0, $0xb8;
	[tilespmem:$0x1C680] =	vst v63  }
0xc2: {  	_ =	swait.ge [sflag:s14], $0x2000  }
0xc3: {  	[sflag:s14] =	ssyncset.done $0x0  }
0xc4: {  	s6 =	sadd.s32 $0xF580, s12;
	s4 =	simm.s32 @!p0 $0xA;
	[sflag:s14] =	ssyncadd.s32 $0xFFFFE000  }
0xc5: {  	[spmem:s1] =	stream.indirect.scatter.add.f32 [tilespmem:s29], [sflag:$0x6], $0x40, s6, s0, $0xb8;
	[tilespmem:$0x1C680] =	vst v63  }
0xc6: {  	_ =	swait.ge @!p0 [sflag:s4], $0x80  }
0xc7: {  	[sflag:s4] =	ssyncset.done @!p0 $0x0  }
0xc8: {  	[sflag:s4] =	ssyncadd.s32 @!p0 $0xFFFFFF80  }
0xc9: {  	v2 =	vld [tilespmem:s12+$0xF580];
	_ =	sdelay $0x7  }
0xca: {  	v2 =	vld.idx.msk [tilespmem:v2+s2+$0x0], $0xffff;
	_ =	sdelay $0x4  }
0xcb: {  	[tilespmem:$0x19D80] =	vst v2  }
0xcc: {  	v2 =	vld [tilespmem:s12+$0xF590];
	_ =	sdelay $0x7  }
0xcd: {  	v2 =	vld.idx.msk [tilespmem:v2+s2+$0x0], $0xffff;
	_ =	sdelay $0x4  }
0xce: {  	[tilespmem:$0x19D90] =	vst v2  }
0xcf: {  	v2 =	vld [tilespmem:s12+$0xF5A0];
	_ =	sdelay $0x7  }
0xd0: {  	v2 =	vld.idx.msk [tilespmem:v2+s2+$0x0], $0xffff;
	_ =	sdelay $0x4  }
0xd1: {  	[tilespmem:$0x19DA0] =	vst v2  }
0xd2: {  	v2 =	vld [tilespmem:s12+$0xF5B0];
	_ =	sdelay $0x7  }
0xd3: {  	v2 =	vld.idx.msk [tilespmem:v2+s2+$0x0], $0xffff;
	_ =	sdelay $0x4  }
0xd4: {  	[tilespmem:$0x19DB0] =	vst v2  }
0xd5: {  	v2 =	vld [tilespmem:s12+$0xF5C0];
	_ =	sdelay $0x7  }
0xd6: {  	v2 =	vld.idx.msk [tilespmem:v2+s2+$0x0], $0xffff;
	_ =	sdelay $0x4  }
0xd7: {  	[tilespmem:$0x19DC0] =	vst v2  }
0xd8: {  	v2 =	vld [tilespmem:s12+$0xF5D0];
	_ =	sdelay $0x7  }
0xd9: {  	v2 =	vld.idx.msk [tilespmem:v2+s2+$0x0], $0xffff;
	_ =	sdelay $0x4  }
0xda: {  	[tilespmem:$0x19DD0] =	vst v2  }
0xdb: {  	v2 =	vld [tilespmem:s12+$0xF5E0];
	_ =	sdelay $0x7  }
0xdc: {  	v2 =	vld.idx.msk [tilespmem:v2+s2+$0x0], $0xffff;
	_ =	sdelay $0x4  }
0xdd: {  	[tilespmem:$0x19DE0] =	vst v2  }
0xde: {  	v2 =	vld [tilespmem:s12+$0xF5F0];
	_ =	sdelay $0x7  }
0xdf: {  	v2 =	vld.idx.msk [tilespmem:v2+s2+$0x0], $0xffff;
	_ =	sdelay $0x4  }
0xe0: {  	s15 =	sadd.s32 $0xCD80, s12;
	s4 =	simm.s32 @!p0 $0x8;
	[tilespmem:$0x19DF0] =	vst v2  }
0xe1: {  	[spmem:s3] =	stream.indirect.scatter.add.f32 [tilespmem:s28], [sflag:$0xA], $0x1, s15, s0, $0xb8;
	[tilespmem:$0x1C680] =	vst v63  }
0xe2: {  	_ =	swait.ge @!p0 [sflag:s4], $0x2000  }
0xe3: {  	[sflag:s4] =	ssyncset.done @!p0 $0x0  }
0xe4: {  	[sflag:s4] =	ssyncadd.s32 @!p0 $0xFFFFE000;
	s4 =	sadd.s32 $0xCE80, s12  }
0xe5: {  	[tilespmem:s16], [sflag:$0x4] =	stream.indirect.gather [hbm4b:s7+s0], $0x40, s4, s0, $0xb8;
	[tilespmem:$0x1C680] =	vst v63  }
0xe6: {  	_ =	swait.ge [sflag:s17], $0x2000  }
0xe7: {  	[sflag:s17] =	ssyncset.done $0x0  }
0xe8: {  	s6 =	sadd.s32 $0xF600, s12;
	[sflag:s17] =	ssyncadd.s32 $0xFFFFE000  }
0xe9: {  	[spmem:s1] =	stream.indirect.scatter.add.f32 [tilespmem:s13], [sflag:$0x7], $0x40, s6, s0, $0xb8;
	[tilespmem:$0x1C680] =	vst v63  }
0xea: {  	s6 =	simm.s32 @!p0 $0xB  }
0xeb: {  	_ =	swait.ge @!p0 [sflag:s6], $0x80  }
0xec: {  	[sflag:s6] =	ssyncset.done @!p0 $0x0  }
0xed: {  	[sflag:s6] =	ssyncadd.s32 @!p0 $0xFFFFFF80  }
0xee: {  	v2 =	vld [tilespmem:s12+$0xF600];
	_ =	sdelay $0x7  }
0xef: {  	v2 =	vld.idx.msk [tilespmem:v2+s2+$0x0], $0xffff;
	_ =	sdelay $0x4  }
0xf0: {  	[tilespmem:$0x19E00] =	vst v2  }
0xf1: {  	v2 =	vld [tilespmem:s12+$0xF610];
	_ =	sdelay $0x7  }
0xf2: {  	v2 =	vld.idx.msk [tilespmem:v2+s2+$0x0], $0xffff;
	_ =	sdelay $0x4  }
0xf3: {  	[tilespmem:$0x19E10] =	vst v2  }
0xf4: {  	v2 =	vld [tilespmem:s12+$0xF620];
	_ =	sdelay $0x7  }
0xf5: {  	v2 =	vld.idx.msk [tilespmem:v2+s2+$0x0], $0xffff;
	_ =	sdelay $0x4  }
0xf6: {  	[tilespmem:$0x19E20] =	vst v2  }
0xf7: {  	v2 =	vld [tilespmem:s12+$0xF630];
	_ =	sdelay $0x7  }
0xf8: {  	v2 =	vld.idx.msk [tilespmem:v2+s2+$0x0], $0xffff;
	_ =	sdelay $0x4  }
0xf9: {  	[tilespmem:$0x19E30] =	vst v2  }
0xfa: {  	v2 =	vld [tilespmem:s12+$0xF640];
	_ =	sdelay $0x7  }
0xfb: {  	v2 =	vld.idx.msk [tilespmem:v2+s2+$0x0], $0xffff;
	_ =	sdelay $0x4  }
0xfc: {  	[tilespmem:$0x19E40] =	vst v2  }
0xfd: {  	v2 =	vld [tilespmem:s12+$0xF650];
	_ =	sdelay $0x7  }
0xfe: {  	v2 =	vld.idx.msk [tilespmem:v2+s2+$0x0], $0xffff;
	_ =	sdelay $0x4  }
0xff: {  	[tilespmem:$0x19E50] =	vst v2  }
0x100: {  	v2 =	vld [tilespmem:s12+$0xF660];
	_ =	sdelay $0x7  }
0x101: {  	v2 =	vld.idx.msk [tilespmem:v2+s2+$0x0], $0xffff;
	_ =	sdelay $0x4  }
0x102: {  	[tilespmem:$0x19E60] =	vst v2  }
0x103: {  	v2 =	vld [tilespmem:s12+$0xF670];
	_ =	sdelay $0x7  }
0x104: {  	v2 =	vld.idx.msk [tilespmem:v2+s2+$0x0], $0xffff;
	_ =	sdelay $0x4  }
0x105: {  	p1 =	seq.s32 s11, $0x9800;
	[tilespmem:$0x19E70] =	vst v2  }
0x106: {  	[spmem:s3] =	stream.indirect.scatter.add.f32 [tilespmem:s8], [sflag:$0xB], $0x1, s5, s0, $0xb8;
	[tilespmem:$0x1C680] =	vst v63  }
0x107: {  	s5 =	simm.s32 @!p1 $0x5  }
0x108: {  	_ =	swait.ge @!p1 [sflag:s5], $0x2000  }
0x109: {  	[sflag:s5] =	ssyncset.done @!p1 $0x0  }
0x10a: {  	[sflag:s5] =	ssyncadd.s32 @!p1 $0xFFFFE000;
	s5 =	sshra.s32 @!p1 s11, $0x2  }
0x10b: {  	s15 =	simm.s32 @!p1 $0x11D00;
	s6 =	simm.s32 @!p1 $0x80;
	s5 =	sadd.s32 @!p1 $0xCF00, s5  }
0x10c: {  	[tilespmem:s15], [sflag:$0x1] =	stream.indirect.gather @!p1 [hbm4b:s7+s6], $0x40, s5, s6, $0xb8;
	[tilespmem:$0x1C680] =	vst v63  }
0x10d: {  	_ =	swait.ge [sflag:s19], $0x2000  }
0x10e: {  	[sflag:s19] =	ssyncset.done $0x0  }
0x10f: {  	s6 =	sadd.s32 $0xF680, s12;
	s5 =	simm.s32 @!p0 $0xC;
	[sflag:s19] =	ssyncadd.s32 $0xFFFFE000  }
0x110: {  	[spmem:s1] =	stream.indirect.scatter.add.f32 [tilespmem:s16], [sflag:$0x8], $0x40, s6, s0, $0xb8;
	[tilespmem:$0x1C680] =	vst v63  }
0x111: {  	_ =	swait.ge @!p0 [sflag:s5], $0x80  }
0x112: {  	[sflag:s5] =	ssyncset.done @!p0 $0x0  }
0x113: {  	[sflag:s5] =	ssyncadd.s32 @!p0 $0xFFFFFF80  }
0x114: {  	v2 =	vld [tilespmem:s12+$0xF680];
	_ =	sdelay $0x7  }
0x115: {  	v2 =	vld.idx.msk [tilespmem:v2+s2+$0x0], $0xffff;
	_ =	sdelay $0x4  }
0x116: {  	[tilespmem:$0x19E80] =	vst v2  }
0x117: {  	v2 =	vld [tilespmem:s12+$0xF690];
	_ =	sdelay $0x7  }
0x118: {  	v2 =	vld.idx.msk [tilespmem:v2+s2+$0x0], $0xffff;
	_ =	sdelay $0x4  }
0x119: {  	[tilespmem:$0x19E90] =	vst v2  }
0x11a: {  	v2 =	vld [tilespmem:s12+$0xF6A0];
	_ =	sdelay $0x7  }
0x11b: {  	v2 =	vld.idx.msk [tilespmem:v2+s2+$0x0], $0xffff;
	_ =	sdelay $0x4  }
0x11c: {  	[tilespmem:$0x19EA0] =	vst v2  }
0x11d: {  	v2 =	vld [tilespmem:s12+$0xF6B0];
	_ =	sdelay $0x7  }
0x11e: {  	v2 =	vld.idx.msk [tilespmem:v2+s2+$0x0], $0xffff;
	_ =	sdelay $0x4  }
0x11f: {  	[tilespmem:$0x19EB0] =	vst v2  }
0x120: {  	v2 =	vld [tilespmem:s12+$0xF6C0];
	_ =	sdelay $0x7  }
0x121: {  	v2 =	vld.idx.msk [tilespmem:v2+s2+$0x0], $0xffff;
	_ =	sdelay $0x4  }
0x122: {  	[tilespmem:$0x19EC0] =	vst v2  }
0x123: {  	v2 =	vld [tilespmem:s12+$0xF6D0];
	_ =	sdelay $0x7  }
0x124: {  	v2 =	vld.idx.msk [tilespmem:v2+s2+$0x0], $0xffff;
	_ =	sdelay $0x4  }
0x125: {  	[tilespmem:$0x19ED0] =	vst v2  }
0x126: {  	v2 =	vld [tilespmem:s12+$0xF6E0];
	_ =	sdelay $0x7  }
0x127: {  	v2 =	vld.idx.msk [tilespmem:v2+s2+$0x0], $0xffff;
	_ =	sdelay $0x4  }
0x128: {  	[tilespmem:$0x19EE0] =	vst v2  }
0x129: {  	v2 =	vld [tilespmem:s12+$0xF6F0];
	_ =	sdelay $0x7  }
0x12a: {  	v2 =	vld.idx.msk [tilespmem:v2+s2+$0x0], $0xffff;
	_ =	sdelay $0x1  }
.Ltmp2:
0x12b: {  	_ = 	snop;
	(pc) =	sbr.rel @p1 .LBB2_8-.Ltmp2, $3  }
0x12c: {  	_ =	sdelay $0x1  }
0x12d: {  	s15 =	simm.s32 $0x19E80;
	[tilespmem:$0x19EF0] =	vst v2  }
0x12e: {  	[spmem:s3] =	stream.indirect.scatter.add.f32 [tilespmem:s15], [sflag:$0xC], $0x1, s4, s0, $0xb8;
	[tilespmem:$0x1C680] =	vst v63  }
.Ltmp3:
0x12f: {  	(pc) =	sbr.rel .LBB2_6-.Ltmp3, $4  }
0x130: {  	_ =	swait.ge [sflag:s23], $0x2000  }
0x131: {  	[sflag:s23] =	ssyncset.done $0x0  }
0x132: {  	s4 =	sadd.s32 $0xCF80, s12;
	s11 =	sadd.s32 $0x800, s11;
	[sflag:s23] =	ssyncadd.s32 $0xFFFFE000  }
0x133: {  	[tilespmem:s29], [sflag:$0x2] =	stream.indirect.gather [hbm4b:s7+s0], $0x40, s4, s0, $0xb8;
	[tilespmem:$0x1C680] =	vst v63  }
.LBB2_8:
0x134: {  	s4 =	simm.s32 $0x5  }
0x135: {  	_ =	swait.ge [sflag:s4], $0x2000  }
0x136: {  	[sflag:s4] =	ssyncset.done $0x0  }
0x137: {  	s8 =	simm.s32 $0x9;
	[sflag:s4] =	ssyncadd.s32 $0xFFFFE000  }
0x138: {  	_ =	swait.ge [sflag:s8], $0x80  }
0x139: {  	[sflag:s8] =	ssyncset.done $0x0  }
0x13a: {  	[sflag:s8] =	ssyncadd.s32 $0xFFFFFF80  }
0x13b: {  	_ =	swait.ge [sflag:s23], $0x2000  }
0x13c: {  	[sflag:s23] =	ssyncset.done $0x0  }
0x13d: {  	s11 =	simm.s32 $0xA;
	[sflag:s23] =	ssyncadd.s32 $0xFFFFE000  }
0x13e: {  	_ =	swait.ge [sflag:s11], $0x80  }
0x13f: {  	[sflag:s11] =	ssyncset.done $0x0  }
0x140: {  	s12 =	simm.s32 $0x7;
	[sflag:s11] =	ssyncadd.s32 $0xFFFFFF80  }
0x141: {  	_ =	swait.ge [sflag:s12], $0x2000  }
0x142: {  	[sflag:s12] =	ssyncset.done $0x0  }
0x143: {  	s15 =	simm.s32 $0xB;
	[sflag:s12] =	ssyncadd.s32 $0xFFFFE000  }
0x144: {  	_ =	swait.ge [sflag:s15], $0x80  }
0x145: {  	[sflag:s15] =	ssyncset.done $0x0  }
0x146: {  	s21 =	simm.s32 $0x8;
	[sflag:s15] =	ssyncadd.s32 $0xFFFFFF80  }
0x147: {  	_ =	swait.ge [sflag:s21], $0x2000  }
0x148: {  	[sflag:s21] =	ssyncset.done $0x0  }
0x149: {  	s28 =	simm.s32 $0xC;
	[sflag:s21] =	ssyncadd.s32 $0xFFFFE000  }
0x14a: {  	_ =	swait.ge [sflag:s28], $0x80  }
0x14b: {  	[sflag:s28] =	ssyncset.done $0x0  }
0x14c: {  	[sflag:s28] =	ssyncadd.s32 $0xFFFFFF80  }
0x14d: {  	[bflag:$0x0] =	sbarrier.arrive $0xFFFF  }
0x14e: {  	[tilespmem:s30], [sflag:$0xD] =	stream.linear.gather [spmem:s20], $0x280, $0x38;
	[tilespmem:$0x1C680] =	vst v63  }
0x14f: {  	_ =	swait.ge [sflag:s25], $0x280  }
0x150: {  	s11 =	simm.s32 $0x0;
	[sflag:s25] =	ssyncset.done $0x0  }
0x151: {  	s12 =	simm.s32 $0x0;
	s21 =	simm.s32 $0x0;
	[sflag:s25] =	ssyncadd.s32 $0xFFFFFD80  }
.LBB2_9:
0x152: {  	s4 =	sshll.u32 s11, $0x7  }
0x153: {  	s4 =	sadd.s32 s9, s4  }
0x154: {  	s5 =	sshll.u32 s4, $0x6  }
0x155: {  	s6 =	sand.u32 $0x3FFFFFC0, s5  }
0x156: {  	s6 =	sadd.s32 s6, s1  }
0x157: {  	[tilespmem:s24], [sflag:$0xD] =	stream.linear.gather [spmem:s6], $0x2000, $0x38;
	[tilespmem:$0x1C680] =	vst v63  }
0x158: {  	_ =	swait.ge [sflag:s25], $0x2000  }
0x159: {  	s4 =	sshll.u32 s4, $0x3;
	[sflag:s25] =	ssyncset.done $0x0;
	s15 =	rddreg [dreg:$0x5]  }
0x15a: {  	[sflag:s25] =	ssyncadd.s32 $0xFFFFE000;
	s4 =	sadd.s32 s15, s4  }
0x15b: {  	[tilespmem:s29], [sflag:$0xD] =	stream.linear.gather [hbm4b:s4+s21], $0x2000, $0x38;
	[tilespmem:$0x1C680] =	vst v63  }
0x15c: {  	_ =	swait.ge [sflag:s25], $0x2000  }
0x15d: {  	[sflag:s25] =	ssyncset.done $0x0  }
0x15e: {  	s4 =	simm.s32 $0x0;
	[sflag:s25] =	ssyncadd.s32 $0xFFFFE000  }
0x15f: {  	v10 =	vld [tilespmem:s4+$0x13D40]  }
0x160: {  	v2 =	vld [tilespmem:s4+$0x11D50]  }
0x161: {  	v7 =	vld [tilespmem:s4+$0x11D20]  }
0x162: {  	v8 =	vld [tilespmem:s4+$0x13D50]  }
0x163: {  	v5 =	vld [tilespmem:s4+$0x11D40]  }
0x164: {  	v3 =	vld [tilespmem:s4+$0x11D70]  }
0x165: {  	v4 =	vmov s12;
	v13 =	vld [tilespmem:s4+$0x13D00]  }
0x166: {  	s20 =	sadd.s32 $0x1, s12;
	v4 =	vand.u32 $0xFFFFFFFE, v4;
	v6 =	vld [tilespmem:s4+$0x11D00]  }
0x167: {  	v9 =	vmov s20;
	v4 =	vbroadcast v4, $0x0;
	v11 =	vld [tilespmem:s4+$0x13D30]  }
0x168: {  	v19 =	vld [tilespmem:s4+$0x13D20]  }
0x169: {  	v17 =	vld [tilespmem:s4+$0x13D60]  }
0x16a: {  	v15 =	vld [tilespmem:s4+$0x13D10]  }
0x16b: {  	v14 =	vld [tilespmem:s4+$0x11D60]  }
0x16c: {  	v9 =	vld.idx.msk [tilespmem:v9+s26+$0x0], $0xffff  }
0x16d: {  	v12 =	vld.idx.msk [tilespmem:v4+s26+$0x0], $0xffff  }
0x16e: {  	v18 =	vld [tilespmem:s4+$0x11D30];
	v4 =	vmul.f32 v13, v0;
	v8 =	vmul.f32 v8, v0  }
0x16f: {  	s28 =	simm.s32 $0x200;
	s15 =	sadd.s32 $0x2, s12;
	v16 =	vld [tilespmem:s4+$0x11D10];
	v10 =	vmul.f32 v10, v0;
	v13 =	vmul.f32 v19, v0  }
.LBB2_10:
0x170: {  	s6 =	smov.u32 s28  }
0x171: {  	v19 =	vmov s15;
	s8 =	sadd.s32 $0x1, s15;
	s20 =	sshra.s32 s28, $0x2;
	v15 =	vmul.f32 v15, v0;
	v17 =	vmul.f32 v17, v0;
	v20 =	vld [tilespmem:s4+$0x13D70];
	s6 =	sadd.s32 $0x200, s28  }
0x172: {  	p0 =	sne.s32 s28, $0x7E00;
	v11 =	vmul.f32 v11, v0;
	v19 =	vand.u32 $0xFFFFFFFE, v19;
	v21 =	vmov s8;
	v22 =	vld [tilespmem:s20+$0x13D40]  }
0x173: {  	v14 =	vmul.f32 v14, v9;
	v19 =	vbroadcast v19, $0x0;
	v23 =	vld [tilespmem:s20+$0x11D50]  }
0x174: {  	v25 =	vmul.f32 v6, v12;
	v6 =	vmul.f32 v18, v12;
	v24 =	vld [tilespmem:s20+$0x11D20]  }
0x175: {  	v7 =	vmul.f32 v7, v12;
	v16 =	vmul.f32 v16, v12;
	v12 =	vadd.f32 v17, v14;
	v18 =	vld [tilespmem:s20+$0x13D50]  }
0x176: {  	v6 =	vadd.f32 v11, v6;
	v11 =	vmul.f32 v3, v9;
	v17 =	vmul.f32 v20, v0;
	v14 =	vld [tilespmem:s20+$0x11D40]  }
0x177: {  	v5 =	vmul.f32 v5, v9;
	v9 =	vmul.f32 v2, v9;
	v20 =	vadd.f32 v13, v7;
	v3 =	vld [tilespmem:s20+$0x11D70];
	[tilespmem:s4+$0x1A6E0] =	vst v12  }
0x178: {  	v13 =	vadd.f32 v15, v16;
	v15 =	vadd.f32 v17, v11;
	v12 =	vld [tilespmem:s20+$0x13D00];
	[tilespmem:s4+$0x1A6B0] =	vst v6;
	v2 =	vmov v23  }
0x179: {  	v10 =	vadd.f32 v10, v5;
	v8 =	vadd.f32 v8, v9;
	v6 =	vld [tilespmem:s20+$0x11D00];
	[tilespmem:s4+$0x1A6A0] =	vst v20;
	v7 =	vmov v24  }
0x17a: {  	v9 =	vadd.f32 v4, v25;
	v11 =	vld [tilespmem:s20+$0x13D30];
	[tilespmem:s4+$0x1A6F0] =	vst v15  }
0x17b: {  	v20 =	vld [tilespmem:s20+$0x13D20];
	[tilespmem:s4+$0x1A690] =	vst v13;
	v5 =	vmov v14  }
0x17c: {  	v17 =	vld [tilespmem:s20+$0x13D60];
	[tilespmem:s4+$0x1A6C0] =	vst v10  }
0x17d: {  	v4 =	vmul.f32 v12, v0;
	v15 =	vld [tilespmem:s20+$0x13D10];
	[tilespmem:s4+$0x1A680] =	vst v9  }
.Ltmp4:
0x17e: {  	v14 =	vld [tilespmem:s20+$0x11D60];
	[tilespmem:s4+$0x1A6D0] =	vst v8;
	s4 =	smov.u32 s20;
	(pc) =	sbr.rel @p0 .LBB2_10-.Ltmp4, $4  }
0x17f: {  	v9 =	vld.idx.msk [tilespmem:v21+s26+$0x0], $0xffff  }
0x180: {  	v8 =	vmul.f32 v18, v0;
	v12 =	vld.idx.msk [tilespmem:v19+s26+$0x0], $0xffff  }
0x181: {  	v18 =	vld [tilespmem:s4+$0x11D30]  }
0x182: {  	s15 =	sadd.s32 $0x2, s15;
	s28 =	smov.u32 s6;
	v10 =	vmul.f32 v22, v0;
	v13 =	vmul.f32 v20, v0;
	v16 =	vld [tilespmem:s4+$0x11D10]  }
0x183: {  	_ = 	snop  }
0x184: {  	v19 =	vld [tilespmem:s4+$0x13D70];
	v17 =	vmul.f32 v17, v0;
	v14 =	vmul.f32 v14, v9  }
0x185: {  	v5 =	vmul.f32 v5, v9  }
0x186: {  	v2 =	vmul.f32 v2, v9;
	v14 =	vadd.f32 v17, v14  }
0x187: {  	v7 =	vmul.f32 v7, v12;
	v5 =	vadd.f32 v10, v5  }
0x188: {  	v11 =	vmul.f32 v11, v0;
	v18 =	vmul.f32 v18, v12;
	v2 =	vadd.f32 v8, v2;
	[tilespmem:s4+$0x1A6E0] =	vst v14  }
0x189: {  	v3 =	vmul.f32 v3, v9;
	v7 =	vadd.f32 v13, v7;
	v62 =	vmul.f32 v19, v0;
	[tilespmem:s4+$0x1A6C0] =	vst v5  }
0x18a: {  	v15 =	vmul.f32 v15, v0;
	v16 =	vmul.f32 v16, v12;
	v11 =	vadd.f32 v11, v18;
	[tilespmem:s4+$0x1A6D0] =	vst v2  }
0x18b: {  	v6 =	vmul.f32 v6, v12;
	[tilespmem:s4+$0x1A6A0] =	vst v7;
	v3 =	vadd.f32 v62, v3  }
0x18c: {  	v63 =	vadd.f32 v15, v16;
	[tilespmem:s4+$0x1A6B0] =	vst v11  }
0x18d: {  	s5 =	sadd.s32 s18, s5;
	s6 =	sadd.s32 $0x0, s12;
	[tilespmem:s4+$0x1A6F0] =	vst v3;
	v3 =	vadd.f32 v4, v6  }
0x18e: {  	s28 =	rddreg [dreg:$0x6];
	s5 =	sshrl.u32 s5, $0x3;
	s8 =	sadd.s32 $0x1, s6;
	[tilespmem:s4+$0x1A690] =	vst v63  }
0x18f: {  	s15 =	simm.s32 $0x0;
	v2 =	vmov s8;
	[tilespmem:s4+$0x1A680] =	vst v3;
	s4 =	sadd.s32 s28, s5  }
0x190: {  	[hbm4b:s4+s15] =	stream.linear.scatter [tilespmem:s22], [sflag:$0xD], $0x2000, $0x38;
	[tilespmem:$0x1C680] =	vst v63  }
0x191: {  	v3 =	vmov s6;
	_ =	swait.ge [sflag:s25], $0x2000  }
0x192: {  	v3 =	vand.u32 $0xFFFFFFFE, v3;
	[sflag:s25] =	ssyncset.done $0x0  }
0x193: {  	v4 =	vbroadcast v3, $0x0;
	[sflag:s25] =	ssyncadd.s32 $0xFFFFE000  }
0x194: {  	v3 =	vld.idx.msk [tilespmem:v2+s30+$0x0], $0xffff;
	_ =	sdelay $0x3  }
0x195: {  	s4 =	simm.s32 $0x1A6C0  }
0x196: {  	v2 =	vld.idx.msk [tilespmem:v4+s30+$0x0], $0xffff;
	[tilespmem:s4+$0x10] =	vst v3  }
0x197: {  	s20 =	simm.s32 $0x4;
	s6 =	sadd.s32 $0x2, s12;
	s15 =	simm.s32 $0x1A6C0;
	[tilespmem:s4+$0x30] =	vst v3  }
.LBB2_12:
0x198: {  	v4 =	vmov s6;
	s6 =	sadd.s32 $0x1, s6  }
0x199: {  	[tilespmem:s4+$0x0] =	vst v3;
	s15 =	sadd.s32 $0x80, s15;
	s8 =	smov.u32 s20;
	s28 =	sadd.s32 $0x2, s20  }
0x19a: {  	p0 =	sne.s32 s20, $0x7E;
	v4 =	vand.u32 $0xFFFFFFFE, v4;
	v5 =	vmov s6;
	[tilespmem:s4+$0x20] =	vst v3  }
0x19b: {  	v4 =	vbroadcast v4, $0x0;
	[tilespmem:s4+$0xFFFFFFF0] =	vst v2  }
0x19c: {  	[tilespmem:s4+$0xFFFFFFE0] =	vst v2  }
0x19d: {  	[tilespmem:s4+$0xFFFFFFC0] =	vst v2  }
0x19e: {  	[tilespmem:s4+$0xFFFFFFD0] =	vst v2;
	s4 =	smov.u32 s15  }
0x19f: {  	v3 =	vld.idx.msk [tilespmem:v5+s30+$0x0], $0xffff;
	_ =	sdelay $0x1  }
0x1a0: {  	v2 =	vld.idx.msk [tilespmem:v4+s30+$0x0], $0xffff  }
.Ltmp5:
0x1a1: {  	(pc) =	sbr.rel @p0 .LBB2_12-.Ltmp5, $3  }
0x1a2: {  	_ =	sdelay $0x1  }
0x1a3: {  	[tilespmem:s15+$0x10] =	vst v3  }
0x1a4: {  	s6 =	sadd.s32 s8, s12;
	s20 =	smov.u32 s28;
	[tilespmem:s15+$0x30] =	vst v3  }
0x1a5: {  	s8 =	sadd.s32 $0x1, s6;
	[tilespmem:s4+$0x0] =	vst v3  }
0x1a6: {  	[tilespmem:s4+$0x20] =	vst v3;
	v4 =	vmov s8  }
0x1a7: {  	v3 =	vmov s6;
	[tilespmem:s4+$0xFFFFFFF0] =	vst v2  }
0x1a8: {  	[tilespmem:s4+$0xFFFFFFE0] =	vst v2;
	v3 =	vand.u32 $0xFFFFFFFE, v3  }
0x1a9: {  	[tilespmem:s4+$0xFFFFFFC0] =	vst v2;
	v3 =	vbroadcast v3, $0x0  }
0x1aa: {  	[tilespmem:s4+$0xFFFFFFD0] =	vst v2  }
0x1ab: {  	v2 =	vld.idx.msk [tilespmem:v4+s30+$0x0], $0xffff;
	_ =	sdelay $0x3  }
0x1ac: {  	s15 =	sadd.s32 $0x80, s15;
	v3 =	vld.idx.msk [tilespmem:v3+s30+$0x0], $0xffff  }
0x1ad: {  	[tilespmem:s15+$0x10] =	vst v2  }
0x1ae: {  	[tilespmem:s15+$0x30] =	vst v2  }
0x1af: {  	[tilespmem:s15+$0x0] =	vst v2  }
0x1b0: {  	[tilespmem:s15+$0x20] =	vst v2  }
0x1b1: {  	[tilespmem:s15+$0xFFFFFFF0] =	vst v3  }
0x1b2: {  	s11 =	sadd.s32 $0x1, s11;
	[tilespmem:s15+$0xFFFFFFE0] =	vst v3  }
0x1b3: {  	p0 =	sne.s32 s11, $0x5;
	[tilespmem:s15+$0xFFFFFFC0] =	vst v3  }
.Ltmp6:
0x1b4: {  	s20 =	sadd.s32 s10, s5;
	s28 =	simm.s32 $0x0;
	[tilespmem:s15+$0xFFFFFFD0] =	vst v3;
	(pc) =	sbr.rel @p0 .LBB2_9-.Ltmp6, $4  }
0x1b5: {  	[hbm4b:s20+s28] =	stream.linear.scatter [tilespmem:s22], [sflag:$0xD], $0x2000, $0x38;
	[tilespmem:$0x1C680] =	vst v63  }
0x1b6: {  	_ =	swait.ge [sflag:s25], $0x2000  }
0x1b7: {  	[sflag:s25] =	ssyncset.done $0x0  }
0x1b8: {  	s12 =	sadd.s32 $0x80, s12;
	[sflag:s25] =	ssyncadd.s32 $0xFFFFE000  }
0x1b9: {  	s5 =	rddreg [dreg:$0x13]  }
0x1ba: {  	s4 =	rddreg [dreg:$0xe];
	s5 =	sadd.s32 $0x1, s5  }
0x1bb: {  	p0 =	sne.s32 s5, s4  }
.Ltmp7:
0x1bc: {  	_ = 	snop;
	(pc) =	sbr.rel @p0 .LBB2_1-.Ltmp7, $3  }
0x1bd: {  	_ =	sdelay $0x1  }
0x1be: {  	s20 =	rddreg [dreg:$0x8]  }
0x1bf: {  	s8 =	simm.s32 $0xCD00;
	s21 =	simm.s32 $0x19D00;
	s28 =	simm.s32 $0x19D80  }
0x1c0: {  	_ =	sfence.sel $0x180000  }
0x1c1: {  	[bflag:$0x0] =	sbarrier.arrive $0xFFFF  }
0x1c2: {  	_ =	strace $0x9000004A  }
0x1c3: {  	s0 =	stileid.u32;
	[bflag:$0x2] =	sbarrier.arrive $0xFFFF  }
0x1c4: {  	p0 =	sne.s32 s0, $0x0;
	s0 =	rddreg [dreg:$0x4]  }
0x1c5: {  	s0 =	sadd.s32 @!p0 $0x100000, s0  }
0x1c6: {  	[sflag:s0] =	ssyncadd.tile.s32 @!p0 $0x1;
	_ =	shalt  }
.Lfunc_end2:
_tile_overlayer_lowered:
.L_overlay_start_2:
0x1c7: {  	(tag) =	ssettag $0x2  }
0x1c8: {  	s0 =	rddreg [dreg:$0x0];
	s2 =	stileid.u32  }
0x1c9: {  	s1 =	rddreg [dreg:$0x1];
	p0 =	sne.s32 s2, $0x0  }
0x1ca: {  	s3 =	rddreg [dreg:$0x2];
	[bflag:$0x3] =	sbarrier.arrive $0xFFFF;
	s2 =	simm.s32 @!p0 $0x1C0D  }
0x1cb: {  	[timem:s3], [sflag:s2] =	dma.local @!p0 [hbm:s0], s1  }
0x1cc: {  	s0 =	simm.s32 @!p0 $0xD  }
0x1cd: {  	_ =	swait.ge @!p0 [sflag:s0], s1  }
0x1ce: {  	s1 =	ssub.s32 @!p0 $0x0, s1;
	[sflag:s0] =	ssyncset.done @!p0 $0x0  }
0x1cf: {  	[sflag:s0] =	ssyncadd.s32 @!p0 s1  }
0x1d0: {  	[bflag:$0x3] =	sbarrier.arrive $0xFFFF  }
0x1d1: {  	_ =	shalt  }

</sc_bundles>
